<compile_context>
chip_gen: v7x
topology: tpu7x:2x2x1
jax: 0.10.2.dev20260603
libtpu: 0.0.44.dev20260713+nightly
codegen_flags: <defaults>
</compile_context>

<pallas_src>
import functools

import jax
import jax.numpy as jnp
from jax import lax
from jax.experimental import pallas as pl
from jax.experimental.pallas import tpu as pltpu
from jax.experimental.pallas import tpu_sc as plsc

_NC = 2
_NS = 16
_NW = _NC * _NS
_LANES = 16


@functools.lru_cache(maxsize=None)
def _build(b, t, d):
    rows = b * t
    rows_per_w = rows // _NW
    assert rows % _NW == 0 and t % rows_per_w == 0
    assert d % _LANES == 0
    f = 8
    ns = 8
    ka = 4
    nchunk = rows_per_w // f
    assert rows_per_w % f == 0 and nchunk % ns == 0 and nchunk >= 2 * ns
    niter = nchunk // ns
    workers_per_batch = t // rows_per_w

    mesh = plsc.VectorSubcoreMesh(core_axis_name="c", subcore_axis_name="s",
                                  num_cores=_NC, num_subcores=_NS)

    @functools.partial(
        pl.kernel,
        out_type=jax.ShapeDtypeStruct((b, t, d), jnp.float32),
        mesh=mesh,
        scratch_types=(
            [pltpu.VMEM((ns * f, d), jnp.float32),
             pltpu.VMEM((8, d), jnp.float32),
             pltpu.VMEM((1, _LANES), jnp.float32)]
            + [pltpu.SemaphoreType.DMA] * (2 * ns)),
    )
    def shift_kernel(x_hbm, alpha_hbm, out_hbm, inb, halob, alpha_v, *sems):
        lds = sems[:ns]
        sts = sems[ns:]
        cid = lax.axis_index("c")
        sid = lax.axis_index("s")
        wid = sid * _NC + cid
        bi = wid // workers_per_batch
        t0 = (wid % workers_per_batch) * rows_per_w
        pltpu.sync_copy(alpha_hbm.at[bi], alpha_v)
        a = alpha_v[0, :]
        hl = jnp.minimum(t0 + rows_per_w, t - 1)
        ha = jnp.minimum(t0 + rows_per_w, t - 8)
        hrow = hl - ha
        pltpu.sync_copy(x_hbm.at[bi, pl.ds(ha, 8), :], halob)

        def start_load(g, p):
            pltpu.async_copy(x_hbm.at[bi, pl.ds(t0 + g * f, f), :],
                             inb.at[pl.ds(p * f, f), :], lds[p])

        def wait_load(p):
            pltpu.make_async_copy(x_hbm.at[bi, pl.ds(0, f), :],
                                  inb.at[pl.ds(p * f, f), :], lds[p]).wait()

        def start_store(g, p):
            pltpu.async_copy(inb.at[pl.ds(p * f, f), :],
                             out_hbm.at[bi, pl.ds(t0 + g * f, f), :], sts[p])

        def wait_store(p):
            pltpu.make_async_copy(inb.at[pl.ds(p * f, f), :],
                                  out_hbm.at[bi, pl.ds(0, f), :], sts[p]).wait()

        def compute(p):
            base = p * f
            halo_row = ((p + 1) % ns) * f

            @plsc.parallel_loop(0, d, _LANES, unroll=1)
            def _(c):
                vp = inb[base, pl.ds(c, _LANES)]
                for r in range(base, base + f):
                    r_src = r + 1 if r < base + f - 1 else halo_row
                    vn = inb[r_src, pl.ds(c, _LANES)]
                    inb[r, pl.ds(c, _LANES)] = vp + a * (vn - vp)
                    vp = vn

        for j in range(ka):
            start_load(j, j)
        wait_load(0)

        def iter_body(i, carry):
            for p in range(ns):
                g = ns * i + p
                q = (p + ka) % ns
                if p < ka:
                    @pl.when(i > 0)
                    def _():
                        wait_store(q)

                    start_load(g + ka, q)
                else:
                    @pl.when(i < niter - 1)
                    def _():
                        wait_store(q)
                        start_load(g + ka, q)

                if p < ns - 1:
                    wait_load((p + 1) % ns)
                else:
                    @pl.when(i < niter - 1)
                    def _():
                        wait_load(0)

                    @pl.when(i == niter - 1)
                    def _():
                        wait_store(0)

                        @plsc.parallel_loop(0, d, _LANES, unroll=8)
                        def _(c):
                            inb[0, pl.ds(c, _LANES)] = (
                                halob[hrow, pl.ds(c, _LANES)])

                compute(p)
                start_store(g, p)
            return carry

        lax.fori_loop(0, niter, iter_body, 0)
        for j in range(1, ns):
            wait_store(j)

    return shift_kernel


def kernel(audio_seq, delta_frames):
    b, t, d = audio_seq.shape
    if delta_frames.ndim == 0:
        delta_frames = jnp.broadcast_to(delta_frames.reshape(1), (b,))
    delta = jnp.clip(delta_frames.reshape(b), 0.0, float(t - 1))
    alpha = (delta - jnp.floor(delta)).astype(audio_seq.dtype)
    alpha_b = jnp.broadcast_to(alpha.reshape(b, 1, 1), (b, 1, _LANES))
    return _build(b, t, d)(audio_seq, alpha_b)

# --- scband reference (transcript-rebuilt; emitter-appended) ---
"""Pipeline reference for scband-soft-temporal-shift-79989470921160 (READ-ONLY COPY).

The authoritative reference and input builder live on the scoring server;
editing this copy changes nothing except your own understanding.
"""

import jax, jax.numpy as jnp
import numpy as np


def setup_inputs(seed: int = 0) -> dict:
    key = jax.random.key(seed)
    k1, k2 = jax.random.split(key)
    audio_seq = jax.random.normal(k1, (4, 8192, 1024), dtype=jnp.float32)
    delta_frames = jax.random.uniform(k2, (4,), dtype=jnp.float32)
    return {"audio_seq": audio_seq, "delta_frames": delta_frames}


def reference(audio_seq, delta_frames):
    b, t, d = audio_seq.shape
    if t <= 1:
        return audio_seq
    if delta_frames.ndim == 0:
        delta_frames = jnp.broadcast_to(delta_frames.reshape(1), (b,))
    delta = jnp.clip(delta_frames.reshape(b, 1, 1), 0.0, float(t - 1))
    n = jnp.floor(delta)
    alpha = (delta - n).astype(audio_seq.dtype)
    n_i = n.astype(jnp.int32)
    tidx = jnp.arange(t, dtype=jnp.int32).reshape(1, t, 1)
    idx0 = jnp.clip(tidx - n_i, 0, t - 1)
    idx1 = jnp.clip(idx0 + 1, 0, t - 1)
    idx0b = jnp.broadcast_to(idx0, (b, t, d))
    idx1b = jnp.broadcast_to(idx1, (b, t, d))
    a0 = jnp.take_along_axis(audio_seq, idx0b, axis=1)
    a1 = jnp.take_along_axis(audio_seq, idx1b, axis=1)
    return (1.0 - alpha) * a0 + alpha * a1

if __name__ == "__main__":
    import jax
    _d = setup_inputs()
    print(jax.jit(kernel)(*tuple(_d.values())))

</pallas_src>

<mosaic_0001>
#map = affine_map<(d0, d1) -> (0, 0, 0)>
module attributes {stable_mosaic.version = 14 : i64} {
  func.func @shift_kernel(%arg0: i32, %arg1: i32, %arg2: memref<4x8192x1024xf32, #tpu.memory_space<hbm>>, %arg3: memref<4x1x16xf32, #tpu.memory_space<hbm>>, %arg4: memref<4x8192x1024xf32, #tpu.memory_space<hbm>>, %arg5: memref<64x1024xf32, #tpu.memory_space<vmem>>, %arg6: memref<8x1024xf32, #tpu.memory_space<vmem>>, %arg7: memref<1x16xf32, #tpu.memory_space<vmem>>, %arg8: memref<!tpu.dma_semaphore, #tpu.memory_space<semaphore_mem>>, %arg9: memref<!tpu.dma_semaphore, #tpu.memory_space<semaphore_mem>>, %arg10: memref<!tpu.dma_semaphore, #tpu.memory_space<semaphore_mem>>, %arg11: memref<!tpu.dma_semaphore, #tpu.memory_space<semaphore_mem>>, %arg12: memref<!tpu.dma_semaphore, #tpu.memory_space<semaphore_mem>>, %arg13: memref<!tpu.dma_semaphore, #tpu.memory_space<semaphore_mem>>, %arg14: memref<!tpu.dma_semaphore, #tpu.memory_space<semaphore_mem>>, %arg15: memref<!tpu.dma_semaphore, #tpu.memory_space<semaphore_mem>>, %arg16: memref<!tpu.dma_semaphore, #tpu.memory_space<semaphore_mem>>, %arg17: memref<!tpu.dma_semaphore, #tpu.memory_space<semaphore_mem>>, %arg18: memref<!tpu.dma_semaphore, #tpu.memory_space<semaphore_mem>>, %arg19: memref<!tpu.dma_semaphore, #tpu.memory_space<semaphore_mem>>, %arg20: memref<!tpu.dma_semaphore, #tpu.memory_space<semaphore_mem>>, %arg21: memref<!tpu.dma_semaphore, #tpu.memory_space<semaphore_mem>>, %arg22: memref<!tpu.dma_semaphore, #tpu.memory_space<semaphore_mem>>, %arg23: memref<!tpu.dma_semaphore, #tpu.memory_space<semaphore_mem>>) attributes {dimension_semantics = [#tpu.dimension_semantics<core_parallel>, #tpu.dimension_semantics<subcore_parallel>], iteration_bounds = array<i64: 2, 16>, scalar_prefetch = 0 : i64, scratch_operands = 19 : i64, tpu.core_type = #tpu.core_type<sc_vector_subcore>, window_params = [{transform_indices = #map}, {transform_indices = #map}, {transform_indices = #map}]} {
    %mul3A = arith.constant 2 : i32
    %mul3A_0 = arith.muli %arg1, %mul3A : i32
    %add3A = arith.addi %mul3A_0, %arg0 : i32
    %jit3A = arith.constant 8 : i32
    %div3A = arith.divsi %add3A, %jit3A : i32
    %sign3A = arith.constant 0 : i32
    %sign3A_1 = arith.cmpi sgt, %add3A, %sign3A : i32
    %sign3A_2 = arith.extui %sign3A_1 : i1 to i32
    %sign3A_3 = arith.constant 0 : i32
    %sign3A_4 = arith.cmpi slt, %add3A, %sign3A_3 : i32
    %sign3A_5 = arith.extui %sign3A_4 : i1 to i32
    %sign3A_6 = arith.subi %sign3A_2, %sign3A_5 : i32
    %sign3A_7 = arith.constant 0 : i32
    %sign3A_8 = arith.cmpi sgt, %jit3A, %sign3A_7 : i32
    %sign3A_9 = arith.extui %sign3A_8 : i1 to i32
    %sign3A_10 = arith.constant 0 : i32
    %sign3A_11 = arith.cmpi slt, %jit3A, %sign3A_10 : i32
    %sign3A_12 = arith.extui %sign3A_11 : i1 to i32
    %sign3A_13 = arith.subi %sign3A_9, %sign3A_12 : i32
    %ne3A = arith.cmpi ne, %sign3A_6, %sign3A_13 : i32
    %rem3A = arith.remsi %add3A, %jit3A : i32
    %ne3A_14 = arith.constant 0 : i32
    %ne3A_15 = arith.cmpi ne, %rem3A, %ne3A_14 : i32
    %and3A = arith.andi %ne3A, %ne3A_15 : i1
    %sub3A = arith.constant 1 : i32
    %sub3A_16 = arith.subi %div3A, %sub3A : i32
    %select_n3A = arith.select %and3A, %sub3A_16, %div3A : i32
    %jit3A_17 = arith.constant 8 : i32
    %eq3A = arith.constant 0 : i32
    %eq3A_18 = arith.cmpi eq, %jit3A_17, %eq3A : i32
    %jit3A_19 = arith.constant 1 : i32
    %select_n3A_20 = arith.select %eq3A_18, %jit3A_19, %jit3A_17 : i32
    %rem3A_21 = arith.remsi %add3A, %select_n3A_20 : i32
    %ne3A_22 = arith.constant 0 : i32
    %ne3A_23 = arith.cmpi ne, %rem3A_21, %ne3A_22 : i32
    %lt3A = arith.constant 0 : i32
    %lt3A_24 = arith.cmpi slt, %rem3A_21, %lt3A : i32
    %lt3A_25 = arith.constant 0 : i32
    %lt3A_26 = arith.cmpi slt, %select_n3A_20, %lt3A_25 : i32
    %ne3A_27 = arith.xori %lt3A_24, %lt3A_26 : i1
    %and3A_28 = arith.andi %ne3A_27, %ne3A_23 : i1
    %add3A_29 = arith.addi %rem3A_21, %select_n3A_20 : i32
    %select_n3A_30 = arith.select %and3A_28, %add3A_29, %rem3A_21 : i32
    %mul3A_31 = arith.constant 1024 : i32
    %mul3A_32 = arith.muli %select_n3A_30, %mul3A_31 : i32
    "tpu.region"() ({
      %run_scoped3A = tpu.sem_alloc : memref<!tpu.dma_semaphore, #tpu.memory_space<semaphore_mem>>
      %dma_start3A_216 = arith.constant 0 : i32
      %dma_start3A_217 = arith.constant 0 : i32
      %dma_start3A_218 = tpu.memref_slice %arg3[%select_n3A, %dma_start3A_216, %dma_start3A_217] : memref<4x1x16xf32, #tpu.memory_space<hbm>> -> memref<1x1x16xf32, #tpu.memory_space<hbm>>
      %dma_start3A_219 = tpu.memref_squeeze %dma_start3A_218 : memref<1x1x16xf32, #tpu.memory_space<hbm>> -> memref<1x16xf32, #tpu.memory_space<hbm>>
      %dma_start3A_220 = arith.constant 0 : i32
      %dma_start3A_221 = arith.constant 0 : i32
      %dma_start3A_222 = tpu.memref_slice %arg3[%select_n3A, %dma_start3A_220, %dma_start3A_221] : memref<4x1x16xf32, #tpu.memory_space<hbm>> -> memref<1x1x16xf32, #tpu.memory_space<hbm>>
      %dma_start3A_223 = tpu.memref_squeeze %dma_start3A_222 : memref<1x1x16xf32, #tpu.memory_space<hbm>> -> memref<1x16xf32, #tpu.memory_space<hbm>>
      tpu.enqueue_dma source(%dma_start3A_223 : memref<1x16xf32, #tpu.memory_space<hbm>>) target(%arg7 : memref<1x16xf32, #tpu.memory_space<vmem>>) target_semaphore(%run_scoped3A : memref<!tpu.dma_semaphore, #tpu.memory_space<semaphore_mem>>)
      %dma_wait3A_224 = arith.constant 0 : i32
      %dma_wait3A_225 = arith.constant 0 : i32
      %dma_wait3A_226 = tpu.memref_slice %arg3[%select_n3A, %dma_wait3A_224, %dma_wait3A_225] : memref<4x1x16xf32, #tpu.memory_space<hbm>> -> memref<1x1x16xf32, #tpu.memory_space<hbm>>
      %dma_wait3A_227 = tpu.memref_squeeze %dma_wait3A_226 : memref<1x1x16xf32, #tpu.memory_space<hbm>> -> memref<1x16xf32, #tpu.memory_space<hbm>>
      %dma_wait3A_228 = arith.constant 0 : i32
      %dma_wait3A_229 = arith.constant 0 : i32
      %dma_wait3A_230 = tpu.memref_slice %arg3[%select_n3A, %dma_wait3A_228, %dma_wait3A_229] : memref<4x1x16xf32, #tpu.memory_space<hbm>> -> memref<1x1x16xf32, #tpu.memory_space<hbm>>
      %dma_wait3A_231 = tpu.memref_squeeze %dma_wait3A_230 : memref<1x1x16xf32, #tpu.memory_space<hbm>> -> memref<1x16xf32, #tpu.memory_space<hbm>>
      tpu.wait_dma2 semaphore(%run_scoped3A : memref<!tpu.dma_semaphore, #tpu.memory_space<semaphore_mem>>) src(%dma_wait3A_231 : memref<1x16xf32, #tpu.memory_space<hbm>>) dst(%arg7 : memref<1x16xf32, #tpu.memory_space<vmem>>)
      tpu.yield
    }) : () -> ()
    %get3A = arith.constant 0 : i32
    %get3A_33 = arith.index_cast %get3A : i32 to index
    %get3A_34 = arith.constant 0 : index
    %get3A_35 = tpu.vector_load %arg7[%get3A_33, %get3A_34] {strides = array<i32>} : memref<1x16xf32, #tpu.memory_space<vmem>>, vector<1x16xf32>,
    %get3A_36 = vector.shape_cast %get3A_35 : vector<1x16xf32> to vector<16xf32>
    %add3A_37 = arith.constant 1024 : i32
    %add3A_38 = arith.addi %mul3A_32, %add3A_37 : i32
    %min3A = arith.constant 8191 : i32
    %min3A_39 = arith.minsi %add3A_38, %min3A : i32
    %add3A_40 = arith.constant 1024 : i32
    %add3A_41 = arith.addi %mul3A_32, %add3A_40 : i32
    %min3A_42 = arith.constant 8184 : i32
    %min3A_43 = arith.minsi %add3A_41, %min3A_42 : i32
    %sub3A_44 = arith.subi %min3A_39, %min3A_43 : i32
    "tpu.region"() ({
      %run_scoped3A = tpu.sem_alloc : memref<!tpu.dma_semaphore, #tpu.memory_space<semaphore_mem>>
      %dma_start3A_216 = arith.constant 0 : i32
      %dma_start3A_217 = tpu.memref_slice %arg2[%select_n3A, %min3A_43, %dma_start3A_216] : memref<4x8192x1024xf32, #tpu.memory_space<hbm>> -> memref<1x8x1024xf32, #tpu.memory_space<hbm>>
      %dma_start3A_218 = tpu.memref_squeeze %dma_start3A_217 : memref<1x8x1024xf32, #tpu.memory_space<hbm>> -> memref<8x1024xf32, #tpu.memory_space<hbm>>
      %dma_start3A_219 = arith.constant 0 : i32
      %dma_start3A_220 = tpu.memref_slice %arg2[%select_n3A, %min3A_43, %dma_start3A_219] : memref<4x8192x1024xf32, #tpu.memory_space<hbm>> -> memref<1x8x1024xf32, #tpu.memory_space<hbm>>
      %dma_start3A_221 = tpu.memref_squeeze %dma_start3A_220 : memref<1x8x1024xf32, #tpu.memory_space<hbm>> -> memref<8x1024xf32, #tpu.memory_space<hbm>>
      tpu.enqueue_dma source(%dma_start3A_221 : memref<8x1024xf32, #tpu.memory_space<hbm>>) target(%arg6 : memref<8x1024xf32, #tpu.memory_space<vmem>>) target_semaphore(%run_scoped3A : memref<!tpu.dma_semaphore, #tpu.memory_space<semaphore_mem>>)
      %dma_wait3A_222 = arith.constant 0 : i32
      %dma_wait3A_223 = tpu.memref_slice %arg2[%select_n3A, %min3A_43, %dma_wait3A_222] : memref<4x8192x1024xf32, #tpu.memory_space<hbm>> -> memref<1x8x1024xf32, #tpu.memory_space<hbm>>
      %dma_wait3A_224 = tpu.memref_squeeze %dma_wait3A_223 : memref<1x8x1024xf32, #tpu.memory_space<hbm>> -> memref<8x1024xf32, #tpu.memory_space<hbm>>
      %dma_wait3A_225 = arith.constant 0 : i32
      %dma_wait3A_226 = tpu.memref_slice %arg2[%select_n3A, %min3A_43, %dma_wait3A_225] : memref<4x8192x1024xf32, #tpu.memory_space<hbm>> -> memref<1x8x1024xf32, #tpu.memory_space<hbm>>
      %dma_wait3A_227 = tpu.memref_squeeze %dma_wait3A_226 : memref<1x8x1024xf32, #tpu.memory_space<hbm>> -> memref<8x1024xf32, #tpu.memory_space<hbm>>
      tpu.wait_dma2 semaphore(%run_scoped3A : memref<!tpu.dma_semaphore, #tpu.memory_space<semaphore_mem>>) src(%dma_wait3A_227 : memref<8x1024xf32, #tpu.memory_space<hbm>>) dst(%arg6 : memref<8x1024xf32, #tpu.memory_space<vmem>>)
      tpu.yield
    }) : () -> ()
    %add3A_45 = arith.constant 0 : i32
    %add3A_46 = arith.addi %mul3A_32, %add3A_45 : i32
    %dma_start3A = arith.constant 0 : i32
    %dma_start3A_47 = arith.constant 0 : i32
    %dma_start3A_48 = tpu.memref_slice %arg5[%dma_start3A, %dma_start3A_47] : memref<64x1024xf32, #tpu.memory_space<vmem>> -> memref<8x1024xf32, #tpu.memory_space<vmem>>
    %dma_start3A_49 = arith.constant 0 : i32
    %dma_start3A_50 = tpu.memref_slice %arg2[%select_n3A, %add3A_46, %dma_start3A_49] : memref<4x8192x1024xf32, #tpu.memory_space<hbm>> -> memref<1x8x1024xf32, #tpu.memory_space<hbm>>
    %dma_start3A_51 = tpu.memref_squeeze %dma_start3A_50 : memref<1x8x1024xf32, #tpu.memory_space<hbm>> -> memref<8x1024xf32, #tpu.memory_space<hbm>>
    %dma_start3A_52 = arith.constant 0 : i32
    %dma_start3A_53 = arith.constant 0 : i32
    %dma_start3A_54 = tpu.memref_slice %arg5[%dma_start3A_52, %dma_start3A_53] : memref<64x1024xf32, #tpu.memory_space<vmem>> -> memref<8x1024xf32, #tpu.memory_space<vmem>>
    %dma_start3A_55 = arith.constant 0 : i32
    %dma_start3A_56 = tpu.memref_slice %arg2[%select_n3A, %add3A_46, %dma_start3A_55] : memref<4x8192x1024xf32, #tpu.memory_space<hbm>> -> memref<1x8x1024xf32, #tpu.memory_space<hbm>>
    %dma_start3A_57 = tpu.memref_squeeze %dma_start3A_56 : memref<1x8x1024xf32, #tpu.memory_space<hbm>> -> memref<8x1024xf32, #tpu.memory_space<hbm>>
    tpu.enqueue_dma source(%dma_start3A_57 : memref<8x1024xf32, #tpu.memory_space<hbm>>) target(%dma_start3A_54 : memref<8x1024xf32, #tpu.memory_space<vmem>>) target_semaphore(%arg8 : memref<!tpu.dma_semaphore, #tpu.memory_space<semaphore_mem>>)
    %add3A_58 = arith.constant 8 : i32
    %add3A_59 = arith.addi %mul3A_32, %add3A_58 : i32
    %dma_start3A_60 = arith.constant 8 : i32
    %dma_start3A_61 = arith.constant 0 : i32
    %dma_start3A_62 = tpu.memref_slice %arg5[%dma_start3A_60, %dma_start3A_61] : memref<64x1024xf32, #tpu.memory_space<vmem>> -> memref<8x1024xf32, #tpu.memory_space<vmem>>
    %dma_start3A_63 = arith.constant 0 : i32
    %dma_start3A_64 = tpu.memref_slice %arg2[%select_n3A, %add3A_59, %dma_start3A_63] : memref<4x8192x1024xf32, #tpu.memory_space<hbm>> -> memref<1x8x1024xf32, #tpu.memory_space<hbm>>
    %dma_start3A_65 = tpu.memref_squeeze %dma_start3A_64 : memref<1x8x1024xf32, #tpu.memory_space<hbm>> -> memref<8x1024xf32, #tpu.memory_space<hbm>>
    %dma_start3A_66 = arith.constant 8 : i32
    %dma_start3A_67 = arith.constant 0 : i32
    %dma_start3A_68 = tpu.memref_slice %arg5[%dma_start3A_66, %dma_start3A_67] : memref<64x1024xf32, #tpu.memory_space<vmem>> -> memref<8x1024xf32, #tpu.memory_space<vmem>>
    %dma_start3A_69 = arith.constant 0 : i32
    %dma_start3A_70 = tpu.memref_slice %arg2[%select_n3A, %add3A_59, %dma_start3A_69] : memref<4x8192x1024xf32, #tpu.memory_space<hbm>> -> memref<1x8x1024xf32, #tpu.memory_space<hbm>>
    %dma_start3A_71 = tpu.memref_squeeze %dma_start3A_70 : memref<1x8x1024xf32, #tpu.memory_space<hbm>> -> memref<8x1024xf32, #tpu.memory_space<hbm>>
    tpu.enqueue_dma source(%dma_start3A_71 : memref<8x1024xf32, #tpu.memory_space<hbm>>) target(%dma_start3A_68 : memref<8x1024xf32, #tpu.memory_space<vmem>>) target_semaphore(%arg9 : memref<!tpu.dma_semaphore, #tpu.memory_space<semaphore_mem>>)
    %add3A_72 = arith.constant 16 : i32
    %add3A_73 = arith.addi %mul3A_32, %add3A_72 : i32
    %dma_start3A_74 = arith.constant 16 : i32
    %dma_start3A_75 = arith.constant 0 : i32
    %dma_start3A_76 = tpu.memref_slice %arg5[%dma_start3A_74, %dma_start3A_75] : memref<64x1024xf32, #tpu.memory_space<vmem>> -> memref<8x1024xf32, #tpu.memory_space<vmem>>
    %dma_start3A_77 = arith.constant 0 : i32
    %dma_start3A_78 = tpu.memref_slice %arg2[%select_n3A, %add3A_73, %dma_start3A_77] : memref<4x8192x1024xf32, #tpu.memory_space<hbm>> -> memref<1x8x1024xf32, #tpu.memory_space<hbm>>
    %dma_start3A_79 = tpu.memref_squeeze %dma_start3A_78 : memref<1x8x1024xf32, #tpu.memory_space<hbm>> -> memref<8x1024xf32, #tpu.memory_space<hbm>>
    %dma_start3A_80 = arith.constant 16 : i32
    %dma_start3A_81 = arith.constant 0 : i32
    %dma_start3A_82 = tpu.memref_slice %arg5[%dma_start3A_80, %dma_start3A_81] : memref<64x1024xf32, #tpu.memory_space<vmem>> -> memref<8x1024xf32, #tpu.memory_space<vmem>>
    %dma_start3A_83 = arith.constant 0 : i32
    %dma_start3A_84 = tpu.memref_slice %arg2[%select_n3A, %add3A_73, %dma_start3A_83] : memref<4x8192x1024xf32, #tpu.memory_space<hbm>> -> memref<1x8x1024xf32, #tpu.memory_space<hbm>>
    %dma_start3A_85 = tpu.memref_squeeze %dma_start3A_84 : memref<1x8x1024xf32, #tpu.memory_space<hbm>> -> memref<8x1024xf32, #tpu.memory_space<hbm>>
    tpu.enqueue_dma source(%dma_start3A_85 : memref<8x1024xf32, #tpu.memory_space<hbm>>) target(%dma_start3A_82 : memref<8x1024xf32, #tpu.memory_space<vmem>>) target_semaphore(%arg10 : memref<!tpu.dma_semaphore, #tpu.memory_space<semaphore_mem>>)
    %add3A_86 = arith.constant 24 : i32
    %add3A_87 = arith.addi %mul3A_32, %add3A_86 : i32
    %dma_start3A_88 = arith.constant 24 : i32
    %dma_start3A_89 = arith.constant 0 : i32
    %dma_start3A_90 = tpu.memref_slice %arg5[%dma_start3A_88, %dma_start3A_89] : memref<64x1024xf32, #tpu.memory_space<vmem>> -> memref<8x1024xf32, #tpu.memory_space<vmem>>
    %dma_start3A_91 = arith.constant 0 : i32
    %dma_start3A_92 = tpu.memref_slice %arg2[%select_n3A, %add3A_87, %dma_start3A_91] : memref<4x8192x1024xf32, #tpu.memory_space<hbm>> -> memref<1x8x1024xf32, #tpu.memory_space<hbm>>
    %dma_start3A_93 = tpu.memref_squeeze %dma_start3A_92 : memref<1x8x1024xf32, #tpu.memory_space<hbm>> -> memref<8x1024xf32, #tpu.memory_space<hbm>>
    %dma_start3A_94 = arith.constant 24 : i32
    %dma_start3A_95 = arith.constant 0 : i32
    %dma_start3A_96 = tpu.memref_slice %arg5[%dma_start3A_94, %dma_start3A_95] : memref<64x1024xf32, #tpu.memory_space<vmem>> -> memref<8x1024xf32, #tpu.memory_space<vmem>>
    %dma_start3A_97 = arith.constant 0 : i32
    %dma_start3A_98 = tpu.memref_slice %arg2[%select_n3A, %add3A_87, %dma_start3A_97] : memref<4x8192x1024xf32, #tpu.memory_space<hbm>> -> memref<1x8x1024xf32, #tpu.memory_space<hbm>>
    %dma_start3A_99 = tpu.memref_squeeze %dma_start3A_98 : memref<1x8x1024xf32, #tpu.memory_space<hbm>> -> memref<8x1024xf32, #tpu.memory_space<hbm>>
    tpu.enqueue_dma source(%dma_start3A_99 : memref<8x1024xf32, #tpu.memory_space<hbm>>) target(%dma_start3A_96 : memref<8x1024xf32, #tpu.memory_space<vmem>>) target_semaphore(%arg11 : memref<!tpu.dma_semaphore, #tpu.memory_space<semaphore_mem>>)
    %dma_wait3A = arith.constant 0 : i32
    %dma_wait3A_100 = arith.constant 0 : i32
    %dma_wait3A_101 = tpu.memref_slice %arg5[%dma_wait3A, %dma_wait3A_100] : memref<64x1024xf32, #tpu.memory_space<vmem>> -> memref<8x1024xf32, #tpu.memory_space<vmem>>
    %dma_wait3A_102 = arith.constant 0 : i32
    %dma_wait3A_103 = arith.constant 0 : i32
    %dma_wait3A_104 = tpu.memref_slice %arg2[%select_n3A, %dma_wait3A_102, %dma_wait3A_103] : memref<4x8192x1024xf32, #tpu.memory_space<hbm>> -> memref<1x8x1024xf32, #tpu.memory_space<hbm>>
    %dma_wait3A_105 = tpu.memref_squeeze %dma_wait3A_104 : memref<1x8x1024xf32, #tpu.memory_space<hbm>> -> memref<8x1024xf32, #tpu.memory_space<hbm>>
    %dma_wait3A_106 = arith.constant 0 : i32
    %dma_wait3A_107 = arith.constant 0 : i32
    %dma_wait3A_108 = tpu.memref_slice %arg5[%dma_wait3A_106, %dma_wait3A_107] : memref<64x1024xf32, #tpu.memory_space<vmem>> -> memref<8x1024xf32, #tpu.memory_space<vmem>>
    %dma_wait3A_109 = arith.constant 0 : i32
    %dma_wait3A_110 = arith.constant 0 : i32
    %dma_wait3A_111 = tpu.memref_slice %arg2[%select_n3A, %dma_wait3A_109, %dma_wait3A_110] : memref<4x8192x1024xf32, #tpu.memory_space<hbm>> -> memref<1x8x1024xf32, #tpu.memory_space<hbm>>
    %dma_wait3A_112 = tpu.memref_squeeze %dma_wait3A_111 : memref<1x8x1024xf32, #tpu.memory_space<hbm>> -> memref<8x1024xf32, #tpu.memory_space<hbm>>
    tpu.wait_dma2 semaphore(%arg8 : memref<!tpu.dma_semaphore, #tpu.memory_space<semaphore_mem>>) src(%dma_wait3A_112 : memref<8x1024xf32, #tpu.memory_space<hbm>>) dst(%dma_wait3A_108 : memref<8x1024xf32, #tpu.memory_space<vmem>>)
    %scan3A = arith.constant 0 : i32
    %scan3A_113 = arith.constant 0 : i32
    %scan3A_114 = arith.constant 16 : i32
    %scan3A_115 = arith.addi %scan3A_113, %scan3A_114 : i32
    %scan3A_116 = arith.constant 1 : i32
    scf.for %scan3A_216 = %scan3A_113 to %scan3A_115 step %scan3A_116  : i32 {
      %mul3A_217 = arith.constant 8 : i32
      %mul3A_218 = arith.muli %mul3A_217, %scan3A_216 : i32
      %add3A_219 = arith.constant 0 : i32
      %add3A_220 = arith.addi %mul3A_218, %add3A_219 : i32
      %gt3A = arith.constant 0 : i32
      %gt3A_221 = arith.cmpi sgt, %scan3A_216, %gt3A : i32
      %convert_element_type3A = arith.extui %gt3A_221 : i1 to i32
      %cond3A = arith.constant 0 : i32
      %cond3A_222 = arith.cmpi ne, %convert_element_type3A, %cond3A : i32
      scf.if %cond3A_222 {
        %dma_wait3A_605 = arith.constant 32 : i32
        %dma_wait3A_606 = arith.constant 0 : i32
        %dma_wait3A_607 = tpu.memref_slice %arg5[%dma_wait3A_605, %dma_wait3A_606] : memref<64x1024xf32, #tpu.memory_space<vmem>> -> memref<8x1024xf32, #tpu.memory_space<vmem>>
        %dma_wait3A_608 = arith.constant 0 : i32
        %dma_wait3A_609 = arith.constant 0 : i32
        %dma_wait3A_610 = tpu.memref_slice %arg4[%select_n3A, %dma_wait3A_608, %dma_wait3A_609] : memref<4x8192x1024xf32, #tpu.memory_space<hbm>> -> memref<1x8x1024xf32, #tpu.memory_space<hbm>>
        %dma_wait3A_611 = tpu.memref_squeeze %dma_wait3A_610 : memref<1x8x1024xf32, #tpu.memory_space<hbm>> -> memref<8x1024xf32, #tpu.memory_space<hbm>>
        %dma_wait3A_612 = arith.constant 0 : i32
        %dma_wait3A_613 = arith.constant 0 : i32
        %dma_wait3A_614 = tpu.memref_slice %arg4[%select_n3A, %dma_wait3A_612, %dma_wait3A_613] : memref<4x8192x1024xf32, #tpu.memory_space<hbm>> -> memref<1x8x1024xf32, #tpu.memory_space<hbm>>
        %dma_wait3A_615 = tpu.memref_squeeze %dma_wait3A_614 : memref<1x8x1024xf32, #tpu.memory_space<hbm>> -> memref<8x1024xf32, #tpu.memory_space<hbm>>
        %dma_wait3A_616 = arith.constant 32 : i32
        %dma_wait3A_617 = arith.constant 0 : i32
        %dma_wait3A_618 = tpu.memref_slice %arg5[%dma_wait3A_616, %dma_wait3A_617] : memref<64x1024xf32, #tpu.memory_space<vmem>> -> memref<8x1024xf32, #tpu.memory_space<vmem>>
        tpu.wait_dma2 semaphore(%arg20 : memref<!tpu.dma_semaphore, #tpu.memory_space<semaphore_mem>>) src(%dma_wait3A_618 : memref<8x1024xf32, #tpu.memory_space<vmem>>) dst(%dma_wait3A_615 : memref<8x1024xf32, #tpu.memory_space<hbm>>)
      } else {
      }
      %add3A_223 = arith.constant 4 : i32
      %add3A_224 = arith.addi %add3A_220, %add3A_223 : i32
      %mul3A_225 = arith.constant 8 : i32
      %mul3A_226 = arith.muli %add3A_224, %mul3A_225 : i32
      %add3A_227 = arith.addi %mul3A_32, %mul3A_226 : i32
      %dma_start3A_228 = arith.constant 32 : i32
      %dma_start3A_229 = arith.constant 0 : i32
      %dma_start3A_230 = tpu.memref_slice %arg5[%dma_start3A_228, %dma_start3A_229] : memref<64x1024xf32, #tpu.memory_space<vmem>> -> memref<8x1024xf32, #tpu.memory_space<vmem>>
      %dma_start3A_231 = arith.constant 0 : i32
      %dma_start3A_232 = tpu.memref_slice %arg2[%select_n3A, %add3A_227, %dma_start3A_231] : memref<4x8192x1024xf32, #tpu.memory_space<hbm>> -> memref<1x8x1024xf32, #tpu.memory_space<hbm>>
      %dma_start3A_233 = tpu.memref_squeeze %dma_start3A_232 : memref<1x8x1024xf32, #tpu.memory_space<hbm>> -> memref<8x1024xf32, #tpu.memory_space<hbm>>
      %dma_start3A_234 = arith.constant 32 : i32
      %dma_start3A_235 = arith.constant 0 : i32
      %dma_start3A_236 = tpu.memref_slice %arg5[%dma_start3A_234, %dma_start3A_235] : memref<64x1024xf32, #tpu.memory_space<vmem>> -> memref<8x1024xf32, #tpu.memory_space<vmem>>
      %dma_start3A_237 = arith.constant 0 : i32
      %dma_start3A_238 = tpu.memref_slice %arg2[%select_n3A, %add3A_227, %dma_start3A_237] : memref<4x8192x1024xf32, #tpu.memory_space<hbm>> -> memref<1x8x1024xf32, #tpu.memory_space<hbm>>
      %dma_start3A_239 = tpu.memref_squeeze %dma_start3A_238 : memref<1x8x1024xf32, #tpu.memory_space<hbm>> -> memref<8x1024xf32, #tpu.memory_space<hbm>>
      tpu.enqueue_dma source(%dma_start3A_239 : memref<8x1024xf32, #tpu.memory_space<hbm>>) target(%dma_start3A_236 : memref<8x1024xf32, #tpu.memory_space<vmem>>) target_semaphore(%arg12 : memref<!tpu.dma_semaphore, #tpu.memory_space<semaphore_mem>>)
      %dma_wait3A_240 = arith.constant 8 : i32
      %dma_wait3A_241 = arith.constant 0 : i32
      %dma_wait3A_242 = tpu.memref_slice %arg5[%dma_wait3A_240, %dma_wait3A_241] : memref<64x1024xf32, #tpu.memory_space<vmem>> -> memref<8x1024xf32, #tpu.memory_space<vmem>>
      %dma_wait3A_243 = arith.constant 0 : i32
      %dma_wait3A_244 = arith.constant 0 : i32
      %dma_wait3A_245 = tpu.memref_slice %arg2[%select_n3A, %dma_wait3A_243, %dma_wait3A_244] : memref<4x8192x1024xf32, #tpu.memory_space<hbm>> -> memref<1x8x1024xf32, #tpu.memory_space<hbm>>
      %dma_wait3A_246 = tpu.memref_squeeze %dma_wait3A_245 : memref<1x8x1024xf32, #tpu.memory_space<hbm>> -> memref<8x1024xf32, #tpu.memory_space<hbm>>
      %dma_wait3A_247 = arith.constant 8 : i32
      %dma_wait3A_248 = arith.constant 0 : i32
      %dma_wait3A_249 = tpu.memref_slice %arg5[%dma_wait3A_247, %dma_wait3A_248] : memref<64x1024xf32, #tpu.memory_space<vmem>> -> memref<8x1024xf32, #tpu.memory_space<vmem>>
      %dma_wait3A_250 = arith.constant 0 : i32
      %dma_wait3A_251 = arith.constant 0 : i32
      %dma_wait3A_252 = tpu.memref_slice %arg2[%select_n3A, %dma_wait3A_250, %dma_wait3A_251] : memref<4x8192x1024xf32, #tpu.memory_space<hbm>> -> memref<1x8x1024xf32, #tpu.memory_space<hbm>>
      %dma_wait3A_253 = tpu.memref_squeeze %dma_wait3A_252 : memref<1x8x1024xf32, #tpu.memory_space<hbm>> -> memref<8x1024xf32, #tpu.memory_space<hbm>>
      tpu.wait_dma2 semaphore(%arg9 : memref<!tpu.dma_semaphore, #tpu.memory_space<semaphore_mem>>) src(%dma_wait3A_253 : memref<8x1024xf32, #tpu.memory_space<hbm>>) dst(%dma_wait3A_249 : memref<8x1024xf32, #tpu.memory_space<vmem>>)
      %parallel_loop3A = arith.constant 0 : i32
      %parallel_loop3A_254 = arith.constant 1024 : i32
      %parallel_loop3A_255 = arith.constant 16 : i32
      scf.for %parallel_loop3A_605 = %parallel_loop3A to %parallel_loop3A_254 step %parallel_loop3A_255  : i32 {
        %parallel_loop3A_606 = arith.constant 0 : i32
        %parallel_loop3A_607 = arith.index_cast %parallel_loop3A_606 : i32 to index
        %parallel_loop3A_608 = arith.index_cast %parallel_loop3A_605 : i32 to index
        %parallel_loop3A_609 = tpu.vector_load %arg5[%parallel_loop3A_607, %parallel_loop3A_608] {strides = array<i32>} : memref<64x1024xf32, #tpu.memory_space<vmem>>, vector<1x16xf32>,
        %parallel_loop3A_610 = vector.shape_cast %parallel_loop3A_609 : vector<1x16xf32> to vector<16xf32>
        %parallel_loop3A_611 = arith.constant 1 : i32
        %parallel_loop3A_612 = arith.index_cast %parallel_loop3A_611 : i32 to index
        %parallel_loop3A_613 = arith.index_cast %parallel_loop3A_605 : i32 to index
        %parallel_loop3A_614 = tpu.vector_load %arg5[%parallel_loop3A_612, %parallel_loop3A_613] {strides = array<i32>} : memref<64x1024xf32, #tpu.memory_space<vmem>>, vector<1x16xf32>,
        %parallel_loop3A_615 = vector.shape_cast %parallel_loop3A_614 : vector<1x16xf32> to vector<16xf32>
        %parallel_loop3A_616 = arith.subf %parallel_loop3A_615, %parallel_loop3A_610 : vector<16xf32>
        %parallel_loop3A_617 = arith.mulf %get3A_36, %parallel_loop3A_616 : vector<16xf32>
        %parallel_loop3A_618 = arith.addf %parallel_loop3A_610, %parallel_loop3A_617 : vector<16xf32>
        %parallel_loop3A_619 = arith.constant 0 : i32
        %parallel_loop3A_620 = arith.index_cast %parallel_loop3A_619 : i32 to index
        %parallel_loop3A_621 = arith.index_cast %parallel_loop3A_605 : i32 to index
        %parallel_loop3A_622 = tpu.vector_load %arg5[%parallel_loop3A_620, %parallel_loop3A_621] {strides = array<i32>} : memref<64x1024xf32, #tpu.memory_space<vmem>>, vector<1x16xf32>,
        %parallel_loop3A_623 = vector.shape_cast %parallel_loop3A_622 : vector<1x16xf32> to vector<16xf32>
        %parallel_loop3A_624 = vector.shape_cast %parallel_loop3A_618 : vector<16xf32> to vector<1x16xf32>
        tpu.vector_store %arg5[%parallel_loop3A_620, %parallel_loop3A_621], %parallel_loop3A_624 {strides = array<i32>} : memref<64x1024xf32, #tpu.memory_space<vmem>>, vector<1x16xf32>,
        %parallel_loop3A_625 = arith.constant 2 : i32
        %parallel_loop3A_626 = arith.index_cast %parallel_loop3A_625 : i32 to index
        %parallel_loop3A_627 = arith.index_cast %parallel_loop3A_605 : i32 to index
        %parallel_loop3A_628 = tpu.vector_load %arg5[%parallel_loop3A_626, %parallel_loop3A_627] {strides = array<i32>} : memref<64x1024xf32, #tpu.memory_space<vmem>>, vector<1x16xf32>,
        %parallel_loop3A_629 = vector.shape_cast %parallel_loop3A_628 : vector<1x16xf32> to vector<16xf32>
        %parallel_loop3A_630 = arith.subf %parallel_loop3A_629, %parallel_loop3A_615 : vector<16xf32>
        %parallel_loop3A_631 = arith.mulf %get3A_36, %parallel_loop3A_630 : vector<16xf32>
        %parallel_loop3A_632 = arith.addf %parallel_loop3A_615, %parallel_loop3A_631 : vector<16xf32>
        %parallel_loop3A_633 = arith.constant 1 : i32
        %parallel_loop3A_634 = arith.index_cast %parallel_loop3A_633 : i32 to index
        %parallel_loop3A_635 = arith.index_cast %parallel_loop3A_605 : i32 to index
        %parallel_loop3A_636 = tpu.vector_load %arg5[%parallel_loop3A_634, %parallel_loop3A_635] {strides = array<i32>} : memref<64x1024xf32, #tpu.memory_space<vmem>>, vector<1x16xf32>,
        %parallel_loop3A_637 = vector.shape_cast %parallel_loop3A_636 : vector<1x16xf32> to vector<16xf32>
        %parallel_loop3A_638 = vector.shape_cast %parallel_loop3A_632 : vector<16xf32> to vector<1x16xf32>
        tpu.vector_store %arg5[%parallel_loop3A_634, %parallel_loop3A_635], %parallel_loop3A_638 {strides = array<i32>} : memref<64x1024xf32, #tpu.memory_space<vmem>>, vector<1x16xf32>,
        %parallel_loop3A_639 = arith.constant 3 : i32
        %parallel_loop3A_640 = arith.index_cast %parallel_loop3A_639 : i32 to index
        %parallel_loop3A_641 = arith.index_cast %parallel_loop3A_605 : i32 to index
        %parallel_loop3A_642 = tpu.vector_load %arg5[%parallel_loop3A_640, %parallel_loop3A_641] {strides = array<i32>} : memref<64x1024xf32, #tpu.memory_space<vmem>>, vector<1x16xf32>,
        %parallel_loop3A_643 = vector.shape_cast %parallel_loop3A_642 : vector<1x16xf32> to vector<16xf32>
        %parallel_loop3A_644 = arith.subf %parallel_loop3A_643, %parallel_loop3A_629 : vector<16xf32>
        %parallel_loop3A_645 = arith.mulf %get3A_36, %parallel_loop3A_644 : vector<16xf32>
        %parallel_loop3A_646 = arith.addf %parallel_loop3A_629, %parallel_loop3A_645 : vector<16xf32>
        %parallel_loop3A_647 = arith.constant 2 : i32
        %parallel_loop3A_648 = arith.index_cast %parallel_loop3A_647 : i32 to index
        %parallel_loop3A_649 = arith.index_cast %parallel_loop3A_605 : i32 to index
        %parallel_loop3A_650 = tpu.vector_load %arg5[%parallel_loop3A_648, %parallel_loop3A_649] {strides = array<i32>} : memref<64x1024xf32, #tpu.memory_space<vmem>>, vector<1x16xf32>,
        %parallel_loop3A_651 = vector.shape_cast %parallel_loop3A_650 : vector<1x16xf32> to vector<16xf32>
        %parallel_loop3A_652 = vector.shape_cast %parallel_loop3A_646 : vector<16xf32> to vector<1x16xf32>
        tpu.vector_store %arg5[%parallel_loop3A_648, %parallel_loop3A_649], %parallel_loop3A_652 {strides = array<i32>} : memref<64x1024xf32, #tpu.memory_space<vmem>>, vector<1x16xf32>,
        %parallel_loop3A_653 = arith.constant 4 : i32
        %parallel_loop3A_654 = arith.index_cast %parallel_loop3A_653 : i32 to index
        %parallel_loop3A_655 = arith.index_cast %parallel_loop3A_605 : i32 to index
        %parallel_loop3A_656 = tpu.vector_load %arg5[%parallel_loop3A_654, %parallel_loop3A_655] {strides = array<i32>} : memref<64x1024xf32, #tpu.memory_space<vmem>>, vector<1x16xf32>,
        %parallel_loop3A_657 = vector.shape_cast %parallel_loop3A_656 : vector<1x16xf32> to vector<16xf32>
        %parallel_loop3A_658 = arith.subf %parallel_loop3A_657, %parallel_loop3A_643 : vector<16xf32>
        %parallel_loop3A_659 = arith.mulf %get3A_36, %parallel_loop3A_658 : vector<16xf32>
        %parallel_loop3A_660 = arith.addf %parallel_loop3A_643, %parallel_loop3A_659 : vector<16xf32>
        %parallel_loop3A_661 = arith.constant 3 : i32
        %parallel_loop3A_662 = arith.index_cast %parallel_loop3A_661 : i32 to index
        %parallel_loop3A_663 = arith.index_cast %parallel_loop3A_605 : i32 to index
        %parallel_loop3A_664 = tpu.vector_load %arg5[%parallel_loop3A_662, %parallel_loop3A_663] {strides = array<i32>} : memref<64x1024xf32, #tpu.memory_space<vmem>>, vector<1x16xf32>,
        %parallel_loop3A_665 = vector.shape_cast %parallel_loop3A_664 : vector<1x16xf32> to vector<16xf32>
        %parallel_loop3A_666 = vector.shape_cast %parallel_loop3A_660 : vector<16xf32> to vector<1x16xf32>
        tpu.vector_store %arg5[%parallel_loop3A_662, %parallel_loop3A_663], %parallel_loop3A_666 {strides = array<i32>} : memref<64x1024xf32, #tpu.memory_space<vmem>>, vector<1x16xf32>,
        %parallel_loop3A_667 = arith.constant 5 : i32
        %parallel_loop3A_668 = arith.index_cast %parallel_loop3A_667 : i32 to index
        %parallel_loop3A_669 = arith.index_cast %parallel_loop3A_605 : i32 to index
        %parallel_loop3A_670 = tpu.vector_load %arg5[%parallel_loop3A_668, %parallel_loop3A_669] {strides = array<i32>} : memref<64x1024xf32, #tpu.memory_space<vmem>>, vector<1x16xf32>,
        %parallel_loop3A_671 = vector.shape_cast %parallel_loop3A_670 : vector<1x16xf32> to vector<16xf32>
        %parallel_loop3A_672 = arith.subf %parallel_loop3A_671, %parallel_loop3A_657 : vector<16xf32>
        %parallel_loop3A_673 = arith.mulf %get3A_36, %parallel_loop3A_672 : vector<16xf32>
        %parallel_loop3A_674 = arith.addf %parallel_loop3A_657, %parallel_loop3A_673 : vector<16xf32>
        %parallel_loop3A_675 = arith.constant 4 : i32
        %parallel_loop3A_676 = arith.index_cast %parallel_loop3A_675 : i32 to index
        %parallel_loop3A_677 = arith.index_cast %parallel_loop3A_605 : i32 to index
        %parallel_loop3A_678 = tpu.vector_load %arg5[%parallel_loop3A_676, %parallel_loop3A_677] {strides = array<i32>} : memref<64x1024xf32, #tpu.memory_space<vmem>>, vector<1x16xf32>,
        %parallel_loop3A_679 = vector.shape_cast %parallel_loop3A_678 : vector<1x16xf32> to vector<16xf32>
        %parallel_loop3A_680 = vector.shape_cast %parallel_loop3A_674 : vector<16xf32> to vector<1x16xf32>
        tpu.vector_store %arg5[%parallel_loop3A_676, %parallel_loop3A_677], %parallel_loop3A_680 {strides = array<i32>} : memref<64x1024xf32, #tpu.memory_space<vmem>>, vector<1x16xf32>,
        %parallel_loop3A_681 = arith.constant 6 : i32
        %parallel_loop3A_682 = arith.index_cast %parallel_loop3A_681 : i32 to index
        %parallel_loop3A_683 = arith.index_cast %parallel_loop3A_605 : i32 to index
        %parallel_loop3A_684 = tpu.vector_load %arg5[%parallel_loop3A_682, %parallel_loop3A_683] {strides = array<i32>} : memref<64x1024xf32, #tpu.memory_space<vmem>>, vector<1x16xf32>,
        %parallel_loop3A_685 = vector.shape_cast %parallel_loop3A_684 : vector<1x16xf32> to vector<16xf32>
        %parallel_loop3A_686 = arith.subf %parallel_loop3A_685, %parallel_loop3A_671 : vector<16xf32>
        %parallel_loop3A_687 = arith.mulf %get3A_36, %parallel_loop3A_686 : vector<16xf32>
        %parallel_loop3A_688 = arith.addf %parallel_loop3A_671, %parallel_loop3A_687 : vector<16xf32>
        %parallel_loop3A_689 = arith.constant 5 : i32
        %parallel_loop3A_690 = arith.index_cast %parallel_loop3A_689 : i32 to index
        %parallel_loop3A_691 = arith.index_cast %parallel_loop3A_605 : i32 to index
        %parallel_loop3A_692 = tpu.vector_load %arg5[%parallel_loop3A_690, %parallel_loop3A_691] {strides = array<i32>} : memref<64x1024xf32, #tpu.memory_space<vmem>>, vector<1x16xf32>,
        %parallel_loop3A_693 = vector.shape_cast %parallel_loop3A_692 : vector<1x16xf32> to vector<16xf32>
        %parallel_loop3A_694 = vector.shape_cast %parallel_loop3A_688 : vector<16xf32> to vector<1x16xf32>
        tpu.vector_store %arg5[%parallel_loop3A_690, %parallel_loop3A_691], %parallel_loop3A_694 {strides = array<i32>} : memref<64x1024xf32, #tpu.memory_space<vmem>>, vector<1x16xf32>,
        %parallel_loop3A_695 = arith.constant 7 : i32
        %parallel_loop3A_696 = arith.index_cast %parallel_loop3A_695 : i32 to index
        %parallel_loop3A_697 = arith.index_cast %parallel_loop3A_605 : i32 to index
        %parallel_loop3A_698 = tpu.vector_load %arg5[%parallel_loop3A_696, %parallel_loop3A_697] {strides = array<i32>} : memref<64x1024xf32, #tpu.memory_space<vmem>>, vector<1x16xf32>,
        %parallel_loop3A_699 = vector.shape_cast %parallel_loop3A_698 : vector<1x16xf32> to vector<16xf32>
        %parallel_loop3A_700 = arith.subf %parallel_loop3A_699, %parallel_loop3A_685 : vector<16xf32>
        %parallel_loop3A_701 = arith.mulf %get3A_36, %parallel_loop3A_700 : vector<16xf32>
        %parallel_loop3A_702 = arith.addf %parallel_loop3A_685, %parallel_loop3A_701 : vector<16xf32>
        %parallel_loop3A_703 = arith.constant 6 : i32
        %parallel_loop3A_704 = arith.index_cast %parallel_loop3A_703 : i32 to index
        %parallel_loop3A_705 = arith.index_cast %parallel_loop3A_605 : i32 to index
        %parallel_loop3A_706 = tpu.vector_load %arg5[%parallel_loop3A_704, %parallel_loop3A_705] {strides = array<i32>} : memref<64x1024xf32, #tpu.memory_space<vmem>>, vector<1x16xf32>,
        %parallel_loop3A_707 = vector.shape_cast %parallel_loop3A_706 : vector<1x16xf32> to vector<16xf32>
        %parallel_loop3A_708 = vector.shape_cast %parallel_loop3A_702 : vector<16xf32> to vector<1x16xf32>
        tpu.vector_store %arg5[%parallel_loop3A_704, %parallel_loop3A_705], %parallel_loop3A_708 {strides = array<i32>} : memref<64x1024xf32, #tpu.memory_space<vmem>>, vector<1x16xf32>,
        %parallel_loop3A_709 = arith.constant 8 : i32
        %parallel_loop3A_710 = arith.index_cast %parallel_loop3A_709 : i32 to index
        %parallel_loop3A_711 = arith.index_cast %parallel_loop3A_605 : i32 to index
        %parallel_loop3A_712 = tpu.vector_load %arg5[%parallel_loop3A_710, %parallel_loop3A_711] {strides = array<i32>} : memref<64x1024xf32, #tpu.memory_space<vmem>>, vector<1x16xf32>,
        %parallel_loop3A_713 = vector.shape_cast %parallel_loop3A_712 : vector<1x16xf32> to vector<16xf32>
        %parallel_loop3A_714 = arith.subf %parallel_loop3A_713, %parallel_loop3A_699 : vector<16xf32>
        %parallel_loop3A_715 = arith.mulf %get3A_36, %parallel_loop3A_714 : vector<16xf32>
        %parallel_loop3A_716 = arith.addf %parallel_loop3A_699, %parallel_loop3A_715 : vector<16xf32>
        %parallel_loop3A_717 = arith.constant 7 : i32
        %parallel_loop3A_718 = arith.index_cast %parallel_loop3A_717 : i32 to index
        %parallel_loop3A_719 = arith.index_cast %parallel_loop3A_605 : i32 to index
        %parallel_loop3A_720 = tpu.vector_load %arg5[%parallel_loop3A_718, %parallel_loop3A_719] {strides = array<i32>} : memref<64x1024xf32, #tpu.memory_space<vmem>>, vector<1x16xf32>,
        %parallel_loop3A_721 = vector.shape_cast %parallel_loop3A_720 : vector<1x16xf32> to vector<16xf32>
        %parallel_loop3A_722 = vector.shape_cast %parallel_loop3A_716 : vector<16xf32> to vector<1x16xf32>
        tpu.vector_store %arg5[%parallel_loop3A_718, %parallel_loop3A_719], %parallel_loop3A_722 {strides = array<i32>} : memref<64x1024xf32, #tpu.memory_space<vmem>>, vector<1x16xf32>,
      } {sc.loop_unroll_factor = 1 : i64, sc.parallel_access}
      %mul3A_256 = arith.constant 8 : i32
      %mul3A_257 = arith.muli %add3A_220, %mul3A_256 : i32
      %add3A_258 = arith.addi %mul3A_32, %mul3A_257 : i32
      %dma_start3A_259 = arith.constant 0 : i32
      %dma_start3A_260 = arith.constant 0 : i32
      %dma_start3A_261 = tpu.memref_slice %arg5[%dma_start3A_259, %dma_start3A_260] : memref<64x1024xf32, #tpu.memory_space<vmem>> -> memref<8x1024xf32, #tpu.memory_space<vmem>>
      %dma_start3A_262 = arith.constant 0 : i32
      %dma_start3A_263 = tpu.memref_slice %arg4[%select_n3A, %add3A_258, %dma_start3A_262] : memref<4x8192x1024xf32, #tpu.memory_space<hbm>> -> memref<1x8x1024xf32, #tpu.memory_space<hbm>>
      %dma_start3A_264 = tpu.memref_squeeze %dma_start3A_263 : memref<1x8x1024xf32, #tpu.memory_space<hbm>> -> memref<8x1024xf32, #tpu.memory_space<hbm>>
      %dma_start3A_265 = arith.constant 0 : i32
      %dma_start3A_266 = tpu.memref_slice %arg4[%select_n3A, %add3A_258, %dma_start3A_265] : memref<4x8192x1024xf32, #tpu.memory_space<hbm>> -> memref<1x8x1024xf32, #tpu.memory_space<hbm>>
      %dma_start3A_267 = tpu.memref_squeeze %dma_start3A_266 : memref<1x8x1024xf32, #tpu.memory_space<hbm>> -> memref<8x1024xf32, #tpu.memory_space<hbm>>
      %dma_start3A_268 = arith.constant 0 : i32
      %dma_start3A_269 = arith.constant 0 : i32
      %dma_start3A_270 = tpu.memref_slice %arg5[%dma_start3A_268, %dma_start3A_269] : memref<64x1024xf32, #tpu.memory_space<vmem>> -> memref<8x1024xf32, #tpu.memory_space<vmem>>
      tpu.enqueue_dma source(%dma_start3A_270 : memref<8x1024xf32, #tpu.memory_space<vmem>>) target(%dma_start3A_267 : memref<8x1024xf32, #tpu.memory_space<hbm>>) target_semaphore(%arg16 : memref<!tpu.dma_semaphore, #tpu.memory_space<semaphore_mem>>)
      %mul3A_271 = arith.constant 8 : i32
      %mul3A_272 = arith.muli %mul3A_271, %scan3A_216 : i32
      %add3A_273 = arith.constant 1 : i32
      %add3A_274 = arith.addi %mul3A_272, %add3A_273 : i32
      %gt3A_275 = arith.constant 0 : i32
      %gt3A_276 = arith.cmpi sgt, %scan3A_216, %gt3A_275 : i32
      %convert_element_type3A_277 = arith.extui %gt3A_276 : i1 to i32
      %cond3A_278 = arith.constant 0 : i32
      %cond3A_279 = arith.cmpi ne, %convert_element_type3A_277, %cond3A_278 : i32
      scf.if %cond3A_279 {
        %dma_wait3A_605 = arith.constant 40 : i32
        %dma_wait3A_606 = arith.constant 0 : i32
        %dma_wait3A_607 = tpu.memref_slice %arg5[%dma_wait3A_605, %dma_wait3A_606] : memref<64x1024xf32, #tpu.memory_space<vmem>> -> memref<8x1024xf32, #tpu.memory_space<vmem>>
        %dma_wait3A_608 = arith.constant 0 : i32
        %dma_wait3A_609 = arith.constant 0 : i32
        %dma_wait3A_610 = tpu.memref_slice %arg4[%select_n3A, %dma_wait3A_608, %dma_wait3A_609] : memref<4x8192x1024xf32, #tpu.memory_space<hbm>> -> memref<1x8x1024xf32, #tpu.memory_space<hbm>>
        %dma_wait3A_611 = tpu.memref_squeeze %dma_wait3A_610 : memref<1x8x1024xf32, #tpu.memory_space<hbm>> -> memref<8x1024xf32, #tpu.memory_space<hbm>>
        %dma_wait3A_612 = arith.constant 0 : i32
        %dma_wait3A_613 = arith.constant 0 : i32
        %dma_wait3A_614 = tpu.memref_slice %arg4[%select_n3A, %dma_wait3A_612, %dma_wait3A_613] : memref<4x8192x1024xf32, #tpu.memory_space<hbm>> -> memref<1x8x1024xf32, #tpu.memory_space<hbm>>
        %dma_wait3A_615 = tpu.memref_squeeze %dma_wait3A_614 : memref<1x8x1024xf32, #tpu.memory_space<hbm>> -> memref<8x1024xf32, #tpu.memory_space<hbm>>
        %dma_wait3A_616 = arith.constant 40 : i32
        %dma_wait3A_617 = arith.constant 0 : i32
        %dma_wait3A_618 = tpu.memref_slice %arg5[%dma_wait3A_616, %dma_wait3A_617] : memref<64x1024xf32, #tpu.memory_space<vmem>> -> memref<8x1024xf32, #tpu.memory_space<vmem>>
        tpu.wait_dma2 semaphore(%arg21 : memref<!tpu.dma_semaphore, #tpu.memory_space<semaphore_mem>>) src(%dma_wait3A_618 : memref<8x1024xf32, #tpu.memory_space<vmem>>) dst(%dma_wait3A_615 : memref<8x1024xf32, #tpu.memory_space<hbm>>)
      } else {
      }
      %add3A_280 = arith.constant 4 : i32
      %add3A_281 = arith.addi %add3A_274, %add3A_280 : i32
      %mul3A_282 = arith.constant 8 : i32
      %mul3A_283 = arith.muli %add3A_281, %mul3A_282 : i32
      %add3A_284 = arith.addi %mul3A_32, %mul3A_283 : i32
      %dma_start3A_285 = arith.constant 40 : i32
      %dma_start3A_286 = arith.constant 0 : i32
      %dma_start3A_287 = tpu.memref_slice %arg5[%dma_start3A_285, %dma_start3A_286] : memref<64x1024xf32, #tpu.memory_space<vmem>> -> memref<8x1024xf32, #tpu.memory_space<vmem>>
      %dma_start3A_288 = arith.constant 0 : i32
      %dma_start3A_289 = tpu.memref_slice %arg2[%select_n3A, %add3A_284, %dma_start3A_288] : memref<4x8192x1024xf32, #tpu.memory_space<hbm>> -> memref<1x8x1024xf32, #tpu.memory_space<hbm>>
      %dma_start3A_290 = tpu.memref_squeeze %dma_start3A_289 : memref<1x8x1024xf32, #tpu.memory_space<hbm>> -> memref<8x1024xf32, #tpu.memory_space<hbm>>
      %dma_start3A_291 = arith.constant 40 : i32
      %dma_start3A_292 = arith.constant 0 : i32
      %dma_start3A_293 = tpu.memref_slice %arg5[%dma_start3A_291, %dma_start3A_292] : memref<64x1024xf32, #tpu.memory_space<vmem>> -> memref<8x1024xf32, #tpu.memory_space<vmem>>
      %dma_start3A_294 = arith.constant 0 : i32
      %dma_start3A_295 = tpu.memref_slice %arg2[%select_n3A, %add3A_284, %dma_start3A_294] : memref<4x8192x1024xf32, #tpu.memory_space<hbm>> -> memref<1x8x1024xf32, #tpu.memory_space<hbm>>
      %dma_start3A_296 = tpu.memref_squeeze %dma_start3A_295 : memref<1x8x1024xf32, #tpu.memory_space<hbm>> -> memref<8x1024xf32, #tpu.memory_space<hbm>>
      tpu.enqueue_dma source(%dma_start3A_296 : memref<8x1024xf32, #tpu.memory_space<hbm>>) target(%dma_start3A_293 : memref<8x1024xf32, #tpu.memory_space<vmem>>) target_semaphore(%arg13 : memref<!tpu.dma_semaphore, #tpu.memory_space<semaphore_mem>>)
      %dma_wait3A_297 = arith.constant 16 : i32
      %dma_wait3A_298 = arith.constant 0 : i32
      %dma_wait3A_299 = tpu.memref_slice %arg5[%dma_wait3A_297, %dma_wait3A_298] : memref<64x1024xf32, #tpu.memory_space<vmem>> -> memref<8x1024xf32, #tpu.memory_space<vmem>>
      %dma_wait3A_300 = arith.constant 0 : i32
      %dma_wait3A_301 = arith.constant 0 : i32
      %dma_wait3A_302 = tpu.memref_slice %arg2[%select_n3A, %dma_wait3A_300, %dma_wait3A_301] : memref<4x8192x1024xf32, #tpu.memory_space<hbm>> -> memref<1x8x1024xf32, #tpu.memory_space<hbm>>
      %dma_wait3A_303 = tpu.memref_squeeze %dma_wait3A_302 : memref<1x8x1024xf32, #tpu.memory_space<hbm>> -> memref<8x1024xf32, #tpu.memory_space<hbm>>
      %dma_wait3A_304 = arith.constant 16 : i32
      %dma_wait3A_305 = arith.constant 0 : i32
      %dma_wait3A_306 = tpu.memref_slice %arg5[%dma_wait3A_304, %dma_wait3A_305] : memref<64x1024xf32, #tpu.memory_space<vmem>> -> memref<8x1024xf32, #tpu.memory_space<vmem>>
      %dma_wait3A_307 = arith.constant 0 : i32
      %dma_wait3A_308 = arith.constant 0 : i32
      %dma_wait3A_309 = tpu.memref_slice %arg2[%select_n3A, %dma_wait3A_307, %dma_wait3A_308] : memref<4x8192x1024xf32, #tpu.memory_space<hbm>> -> memref<1x8x1024xf32, #tpu.memory_space<hbm>>
      %dma_wait3A_310 = tpu.memref_squeeze %dma_wait3A_309 : memref<1x8x1024xf32, #tpu.memory_space<hbm>> -> memref<8x1024xf32, #tpu.memory_space<hbm>>
      tpu.wait_dma2 semaphore(%arg10 : memref<!tpu.dma_semaphore, #tpu.memory_space<semaphore_mem>>) src(%dma_wait3A_310 : memref<8x1024xf32, #tpu.memory_space<hbm>>) dst(%dma_wait3A_306 : memref<8x1024xf32, #tpu.memory_space<vmem>>)
      %parallel_loop3A_311 = arith.constant 0 : i32
      %parallel_loop3A_312 = arith.constant 1024 : i32
      %parallel_loop3A_313 = arith.constant 16 : i32
      scf.for %parallel_loop3A_605 = %parallel_loop3A_311 to %parallel_loop3A_312 step %parallel_loop3A_313  : i32 {
        %parallel_loop3A_606 = arith.constant 8 : i32
        %parallel_loop3A_607 = arith.index_cast %parallel_loop3A_606 : i32 to index
        %parallel_loop3A_608 = arith.index_cast %parallel_loop3A_605 : i32 to index
        %parallel_loop3A_609 = tpu.vector_load %arg5[%parallel_loop3A_607, %parallel_loop3A_608] {strides = array<i32>} : memref<64x1024xf32, #tpu.memory_space<vmem>>, vector<1x16xf32>,
        %parallel_loop3A_610 = vector.shape_cast %parallel_loop3A_609 : vector<1x16xf32> to vector<16xf32>
        %parallel_loop3A_611 = arith.constant 9 : i32
        %parallel_loop3A_612 = arith.index_cast %parallel_loop3A_611 : i32 to index
        %parallel_loop3A_613 = arith.index_cast %parallel_loop3A_605 : i32 to index
        %parallel_loop3A_614 = tpu.vector_load %arg5[%parallel_loop3A_612, %parallel_loop3A_613] {strides = array<i32>} : memref<64x1024xf32, #tpu.memory_space<vmem>>, vector<1x16xf32>,
        %parallel_loop3A_615 = vector.shape_cast %parallel_loop3A_614 : vector<1x16xf32> to vector<16xf32>
        %parallel_loop3A_616 = arith.subf %parallel_loop3A_615, %parallel_loop3A_610 : vector<16xf32>
        %parallel_loop3A_617 = arith.mulf %get3A_36, %parallel_loop3A_616 : vector<16xf32>
        %parallel_loop3A_618 = arith.addf %parallel_loop3A_610, %parallel_loop3A_617 : vector<16xf32>
        %parallel_loop3A_619 = arith.constant 8 : i32
        %parallel_loop3A_620 = arith.index_cast %parallel_loop3A_619 : i32 to index
        %parallel_loop3A_621 = arith.index_cast %parallel_loop3A_605 : i32 to index
        %parallel_loop3A_622 = tpu.vector_load %arg5[%parallel_loop3A_620, %parallel_loop3A_621] {strides = array<i32>} : memref<64x1024xf32, #tpu.memory_space<vmem>>, vector<1x16xf32>,
        %parallel_loop3A_623 = vector.shape_cast %parallel_loop3A_622 : vector<1x16xf32> to vector<16xf32>
        %parallel_loop3A_624 = vector.shape_cast %parallel_loop3A_618 : vector<16xf32> to vector<1x16xf32>
        tpu.vector_store %arg5[%parallel_loop3A_620, %parallel_loop3A_621], %parallel_loop3A_624 {strides = array<i32>} : memref<64x1024xf32, #tpu.memory_space<vmem>>, vector<1x16xf32>,
        %parallel_loop3A_625 = arith.constant 10 : i32
        %parallel_loop3A_626 = arith.index_cast %parallel_loop3A_625 : i32 to index
        %parallel_loop3A_627 = arith.index_cast %parallel_loop3A_605 : i32 to index
        %parallel_loop3A_628 = tpu.vector_load %arg5[%parallel_loop3A_626, %parallel_loop3A_627] {strides = array<i32>} : memref<64x1024xf32, #tpu.memory_space<vmem>>, vector<1x16xf32>,
        %parallel_loop3A_629 = vector.shape_cast %parallel_loop3A_628 : vector<1x16xf32> to vector<16xf32>
        %parallel_loop3A_630 = arith.subf %parallel_loop3A_629, %parallel_loop3A_615 : vector<16xf32>
        %parallel_loop3A_631 = arith.mulf %get3A_36, %parallel_loop3A_630 : vector<16xf32>
        %parallel_loop3A_632 = arith.addf %parallel_loop3A_615, %parallel_loop3A_631 : vector<16xf32>
        %parallel_loop3A_633 = arith.constant 9 : i32
        %parallel_loop3A_634 = arith.index_cast %parallel_loop3A_633 : i32 to index
        %parallel_loop3A_635 = arith.index_cast %parallel_loop3A_605 : i32 to index
        %parallel_loop3A_636 = tpu.vector_load %arg5[%parallel_loop3A_634, %parallel_loop3A_635] {strides = array<i32>} : memref<64x1024xf32, #tpu.memory_space<vmem>>, vector<1x16xf32>,
        %parallel_loop3A_637 = vector.shape_cast %parallel_loop3A_636 : vector<1x16xf32> to vector<16xf32>
        %parallel_loop3A_638 = vector.shape_cast %parallel_loop3A_632 : vector<16xf32> to vector<1x16xf32>
        tpu.vector_store %arg5[%parallel_loop3A_634, %parallel_loop3A_635], %parallel_loop3A_638 {strides = array<i32>} : memref<64x1024xf32, #tpu.memory_space<vmem>>, vector<1x16xf32>,
        %parallel_loop3A_639 = arith.constant 11 : i32
        %parallel_loop3A_640 = arith.index_cast %parallel_loop3A_639 : i32 to index
        %parallel_loop3A_641 = arith.index_cast %parallel_loop3A_605 : i32 to index
        %parallel_loop3A_642 = tpu.vector_load %arg5[%parallel_loop3A_640, %parallel_loop3A_641] {strides = array<i32>} : memref<64x1024xf32, #tpu.memory_space<vmem>>, vector<1x16xf32>,
        %parallel_loop3A_643 = vector.shape_cast %parallel_loop3A_642 : vector<1x16xf32> to vector<16xf32>
        %parallel_loop3A_644 = arith.subf %parallel_loop3A_643, %parallel_loop3A_629 : vector<16xf32>
        %parallel_loop3A_645 = arith.mulf %get3A_36, %parallel_loop3A_644 : vector<16xf32>
        %parallel_loop3A_646 = arith.addf %parallel_loop3A_629, %parallel_loop3A_645 : vector<16xf32>
        %parallel_loop3A_647 = arith.constant 10 : i32
        %parallel_loop3A_648 = arith.index_cast %parallel_loop3A_647 : i32 to index
        %parallel_loop3A_649 = arith.index_cast %parallel_loop3A_605 : i32 to index
        %parallel_loop3A_650 = tpu.vector_load %arg5[%parallel_loop3A_648, %parallel_loop3A_649] {strides = array<i32>} : memref<64x1024xf32, #tpu.memory_space<vmem>>, vector<1x16xf32>,
        %parallel_loop3A_651 = vector.shape_cast %parallel_loop3A_650 : vector<1x16xf32> to vector<16xf32>
        %parallel_loop3A_652 = vector.shape_cast %parallel_loop3A_646 : vector<16xf32> to vector<1x16xf32>
        tpu.vector_store %arg5[%parallel_loop3A_648, %parallel_loop3A_649], %parallel_loop3A_652 {strides = array<i32>} : memref<64x1024xf32, #tpu.memory_space<vmem>>, vector<1x16xf32>,
        %parallel_loop3A_653 = arith.constant 12 : i32
        %parallel_loop3A_654 = arith.index_cast %parallel_loop3A_653 : i32 to index
        %parallel_loop3A_655 = arith.index_cast %parallel_loop3A_605 : i32 to index
        %parallel_loop3A_656 = tpu.vector_load %arg5[%parallel_loop3A_654, %parallel_loop3A_655] {strides = array<i32>} : memref<64x1024xf32, #tpu.memory_space<vmem>>, vector<1x16xf32>,
        %parallel_loop3A_657 = vector.shape_cast %parallel_loop3A_656 : vector<1x16xf32> to vector<16xf32>
        %parallel_loop3A_658 = arith.subf %parallel_loop3A_657, %parallel_loop3A_643 : vector<16xf32>
        %parallel_loop3A_659 = arith.mulf %get3A_36, %parallel_loop3A_658 : vector<16xf32>
        %parallel_loop3A_660 = arith.addf %parallel_loop3A_643, %parallel_loop3A_659 : vector<16xf32>
        %parallel_loop3A_661 = arith.constant 11 : i32
        %parallel_loop3A_662 = arith.index_cast %parallel_loop3A_661 : i32 to index
        %parallel_loop3A_663 = arith.index_cast %parallel_loop3A_605 : i32 to index
        %parallel_loop3A_664 = tpu.vector_load %arg5[%parallel_loop3A_662, %parallel_loop3A_663] {strides = array<i32>} : memref<64x1024xf32, #tpu.memory_space<vmem>>, vector<1x16xf32>,
        %parallel_loop3A_665 = vector.shape_cast %parallel_loop3A_664 : vector<1x16xf32> to vector<16xf32>
        %parallel_loop3A_666 = vector.shape_cast %parallel_loop3A_660 : vector<16xf32> to vector<1x16xf32>
        tpu.vector_store %arg5[%parallel_loop3A_662, %parallel_loop3A_663], %parallel_loop3A_666 {strides = array<i32>} : memref<64x1024xf32, #tpu.memory_space<vmem>>, vector<1x16xf32>,
        %parallel_loop3A_667 = arith.constant 13 : i32
        %parallel_loop3A_668 = arith.index_cast %parallel_loop3A_667 : i32 to index
        %parallel_loop3A_669 = arith.index_cast %parallel_loop3A_605 : i32 to index
        %parallel_loop3A_670 = tpu.vector_load %arg5[%parallel_loop3A_668, %parallel_loop3A_669] {strides = array<i32>} : memref<64x1024xf32, #tpu.memory_space<vmem>>, vector<1x16xf32>,
        %parallel_loop3A_671 = vector.shape_cast %parallel_loop3A_670 : vector<1x16xf32> to vector<16xf32>
        %parallel_loop3A_672 = arith.subf %parallel_loop3A_671, %parallel_loop3A_657 : vector<16xf32>
        %parallel_loop3A_673 = arith.mulf %get3A_36, %parallel_loop3A_672 : vector<16xf32>
        %parallel_loop3A_674 = arith.addf %parallel_loop3A_657, %parallel_loop3A_673 : vector<16xf32>
        %parallel_loop3A_675 = arith.constant 12 : i32
        %parallel_loop3A_676 = arith.index_cast %parallel_loop3A_675 : i32 to index
        %parallel_loop3A_677 = arith.index_cast %parallel_loop3A_605 : i32 to index
        %parallel_loop3A_678 = tpu.vector_load %arg5[%parallel_loop3A_676, %parallel_loop3A_677] {strides = array<i32>} : memref<64x1024xf32, #tpu.memory_space<vmem>>, vector<1x16xf32>,
        %parallel_loop3A_679 = vector.shape_cast %parallel_loop3A_678 : vector<1x16xf32> to vector<16xf32>
        %parallel_loop3A_680 = vector.shape_cast %parallel_loop3A_674 : vector<16xf32> to vector<1x16xf32>
        tpu.vector_store %arg5[%parallel_loop3A_676, %parallel_loop3A_677], %parallel_loop3A_680 {strides = array<i32>} : memref<64x1024xf32, #tpu.memory_space<vmem>>, vector<1x16xf32>,
        %parallel_loop3A_681 = arith.constant 14 : i32
        %parallel_loop3A_682 = arith.index_cast %parallel_loop3A_681 : i32 to index
        %parallel_loop3A_683 = arith.index_cast %parallel_loop3A_605 : i32 to index
        %parallel_loop3A_684 = tpu.vector_load %arg5[%parallel_loop3A_682, %parallel_loop3A_683] {strides = array<i32>} : memref<64x1024xf32, #tpu.memory_space<vmem>>, vector<1x16xf32>,
        %parallel_loop3A_685 = vector.shape_cast %parallel_loop3A_684 : vector<1x16xf32> to vector<16xf32>
        %parallel_loop3A_686 = arith.subf %parallel_loop3A_685, %parallel_loop3A_671 : vector<16xf32>
        %parallel_loop3A_687 = arith.mulf %get3A_36, %parallel_loop3A_686 : vector<16xf32>
        %parallel_loop3A_688 = arith.addf %parallel_loop3A_671, %parallel_loop3A_687 : vector<16xf32>
        %parallel_loop3A_689 = arith.constant 13 : i32
        %parallel_loop3A_690 = arith.index_cast %parallel_loop3A_689 : i32 to index
        %parallel_loop3A_691 = arith.index_cast %parallel_loop3A_605 : i32 to index
        %parallel_loop3A_692 = tpu.vector_load %arg5[%parallel_loop3A_690, %parallel_loop3A_691] {strides = array<i32>} : memref<64x1024xf32, #tpu.memory_space<vmem>>, vector<1x16xf32>,
        %parallel_loop3A_693 = vector.shape_cast %parallel_loop3A_692 : vector<1x16xf32> to vector<16xf32>
        %parallel_loop3A_694 = vector.shape_cast %parallel_loop3A_688 : vector<16xf32> to vector<1x16xf32>
        tpu.vector_store %arg5[%parallel_loop3A_690, %parallel_loop3A_691], %parallel_loop3A_694 {strides = array<i32>} : memref<64x1024xf32, #tpu.memory_space<vmem>>, vector<1x16xf32>,
        %parallel_loop3A_695 = arith.constant 15 : i32
        %parallel_loop3A_696 = arith.index_cast %parallel_loop3A_695 : i32 to index
        %parallel_loop3A_697 = arith.index_cast %parallel_loop3A_605 : i32 to index
        %parallel_loop3A_698 = tpu.vector_load %arg5[%parallel_loop3A_696, %parallel_loop3A_697] {strides = array<i32>} : memref<64x1024xf32, #tpu.memory_space<vmem>>, vector<1x16xf32>,
        %parallel_loop3A_699 = vector.shape_cast %parallel_loop3A_698 : vector<1x16xf32> to vector<16xf32>
        %parallel_loop3A_700 = arith.subf %parallel_loop3A_699, %parallel_loop3A_685 : vector<16xf32>
        %parallel_loop3A_701 = arith.mulf %get3A_36, %parallel_loop3A_700 : vector<16xf32>
        %parallel_loop3A_702 = arith.addf %parallel_loop3A_685, %parallel_loop3A_701 : vector<16xf32>
        %parallel_loop3A_703 = arith.constant 14 : i32
        %parallel_loop3A_704 = arith.index_cast %parallel_loop3A_703 : i32 to index
        %parallel_loop3A_705 = arith.index_cast %parallel_loop3A_605 : i32 to index
        %parallel_loop3A_706 = tpu.vector_load %arg5[%parallel_loop3A_704, %parallel_loop3A_705] {strides = array<i32>} : memref<64x1024xf32, #tpu.memory_space<vmem>>, vector<1x16xf32>,
        %parallel_loop3A_707 = vector.shape_cast %parallel_loop3A_706 : vector<1x16xf32> to vector<16xf32>
        %parallel_loop3A_708 = vector.shape_cast %parallel_loop3A_702 : vector<16xf32> to vector<1x16xf32>
        tpu.vector_store %arg5[%parallel_loop3A_704, %parallel_loop3A_705], %parallel_loop3A_708 {strides = array<i32>} : memref<64x1024xf32, #tpu.memory_space<vmem>>, vector<1x16xf32>,
        %parallel_loop3A_709 = arith.constant 16 : i32
        %parallel_loop3A_710 = arith.index_cast %parallel_loop3A_709 : i32 to index
        %parallel_loop3A_711 = arith.index_cast %parallel_loop3A_605 : i32 to index
        %parallel_loop3A_712 = tpu.vector_load %arg5[%parallel_loop3A_710, %parallel_loop3A_711] {strides = array<i32>} : memref<64x1024xf32, #tpu.memory_space<vmem>>, vector<1x16xf32>,
        %parallel_loop3A_713 = vector.shape_cast %parallel_loop3A_712 : vector<1x16xf32> to vector<16xf32>
        %parallel_loop3A_714 = arith.subf %parallel_loop3A_713, %parallel_loop3A_699 : vector<16xf32>
        %parallel_loop3A_715 = arith.mulf %get3A_36, %parallel_loop3A_714 : vector<16xf32>
        %parallel_loop3A_716 = arith.addf %parallel_loop3A_699, %parallel_loop3A_715 : vector<16xf32>
        %parallel_loop3A_717 = arith.constant 15 : i32
        %parallel_loop3A_718 = arith.index_cast %parallel_loop3A_717 : i32 to index
        %parallel_loop3A_719 = arith.index_cast %parallel_loop3A_605 : i32 to index
        %parallel_loop3A_720 = tpu.vector_load %arg5[%parallel_loop3A_718, %parallel_loop3A_719] {strides = array<i32>} : memref<64x1024xf32, #tpu.memory_space<vmem>>, vector<1x16xf32>,
        %parallel_loop3A_721 = vector.shape_cast %parallel_loop3A_720 : vector<1x16xf32> to vector<16xf32>
        %parallel_loop3A_722 = vector.shape_cast %parallel_loop3A_716 : vector<16xf32> to vector<1x16xf32>
        tpu.vector_store %arg5[%parallel_loop3A_718, %parallel_loop3A_719], %parallel_loop3A_722 {strides = array<i32>} : memref<64x1024xf32, #tpu.memory_space<vmem>>, vector<1x16xf32>,
      } {sc.loop_unroll_factor = 1 : i64, sc.parallel_access}
      %mul3A_314 = arith.constant 8 : i32
      %mul3A_315 = arith.muli %add3A_274, %mul3A_314 : i32
      %add3A_316 = arith.addi %mul3A_32, %mul3A_315 : i32
      %dma_start3A_317 = arith.constant 8 : i32
      %dma_start3A_318 = arith.constant 0 : i32
      %dma_start3A_319 = tpu.memref_slice %arg5[%dma_start3A_317, %dma_start3A_318] : memref<64x1024xf32, #tpu.memory_space<vmem>> -> memref<8x1024xf32, #tpu.memory_space<vmem>>
      %dma_start3A_320 = arith.constant 0 : i32
      %dma_start3A_321 = tpu.memref_slice %arg4[%select_n3A, %add3A_316, %dma_start3A_320] : memref<4x8192x1024xf32, #tpu.memory_space<hbm>> -> memref<1x8x1024xf32, #tpu.memory_space<hbm>>
      %dma_start3A_322 = tpu.memref_squeeze %dma_start3A_321 : memref<1x8x1024xf32, #tpu.memory_space<hbm>> -> memref<8x1024xf32, #tpu.memory_space<hbm>>
      %dma_start3A_323 = arith.constant 0 : i32
      %dma_start3A_324 = tpu.memref_slice %arg4[%select_n3A, %add3A_316, %dma_start3A_323] : memref<4x8192x1024xf32, #tpu.memory_space<hbm>> -> memref<1x8x1024xf32, #tpu.memory_space<hbm>>
      %dma_start3A_325 = tpu.memref_squeeze %dma_start3A_324 : memref<1x8x1024xf32, #tpu.memory_space<hbm>> -> memref<8x1024xf32, #tpu.memory_space<hbm>>
      %dma_start3A_326 = arith.constant 8 : i32
      %dma_start3A_327 = arith.constant 0 : i32
      %dma_start3A_328 = tpu.memref_slice %arg5[%dma_start3A_326, %dma_start3A_327] : memref<64x1024xf32, #tpu.memory_space<vmem>> -> memref<8x1024xf32, #tpu.memory_space<vmem>>
      tpu.enqueue_dma source(%dma_start3A_328 : memref<8x1024xf32, #tpu.memory_space<vmem>>) target(%dma_start3A_325 : memref<8x1024xf32, #tpu.memory_space<hbm>>) target_semaphore(%arg17 : memref<!tpu.dma_semaphore, #tpu.memory_space<semaphore_mem>>)
      %mul3A_329 = arith.constant 8 : i32
      %mul3A_330 = arith.muli %mul3A_329, %scan3A_216 : i32
      %add3A_331 = arith.constant 2 : i32
      %add3A_332 = arith.addi %mul3A_330, %add3A_331 : i32
      %gt3A_333 = arith.constant 0 : i32
      %gt3A_334 = arith.cmpi sgt, %scan3A_216, %gt3A_333 : i32
      %convert_element_type3A_335 = arith.extui %gt3A_334 : i1 to i32
      %cond3A_336 = arith.constant 0 : i32
      %cond3A_337 = arith.cmpi ne, %convert_element_type3A_335, %cond3A_336 : i32
      scf.if %cond3A_337 {
        %dma_wait3A_605 = arith.constant 48 : i32
        %dma_wait3A_606 = arith.constant 0 : i32
        %dma_wait3A_607 = tpu.memref_slice %arg5[%dma_wait3A_605, %dma_wait3A_606] : memref<64x1024xf32, #tpu.memory_space<vmem>> -> memref<8x1024xf32, #tpu.memory_space<vmem>>
        %dma_wait3A_608 = arith.constant 0 : i32
        %dma_wait3A_609 = arith.constant 0 : i32
        %dma_wait3A_610 = tpu.memref_slice %arg4[%select_n3A, %dma_wait3A_608, %dma_wait3A_609] : memref<4x8192x1024xf32, #tpu.memory_space<hbm>> -> memref<1x8x1024xf32, #tpu.memory_space<hbm>>
        %dma_wait3A_611 = tpu.memref_squeeze %dma_wait3A_610 : memref<1x8x1024xf32, #tpu.memory_space<hbm>> -> memref<8x1024xf32, #tpu.memory_space<hbm>>
        %dma_wait3A_612 = arith.constant 0 : i32
        %dma_wait3A_613 = arith.constant 0 : i32
        %dma_wait3A_614 = tpu.memref_slice %arg4[%select_n3A, %dma_wait3A_612, %dma_wait3A_613] : memref<4x8192x1024xf32, #tpu.memory_space<hbm>> -> memref<1x8x1024xf32, #tpu.memory_space<hbm>>
        %dma_wait3A_615 = tpu.memref_squeeze %dma_wait3A_614 : memref<1x8x1024xf32, #tpu.memory_space<hbm>> -> memref<8x1024xf32, #tpu.memory_space<hbm>>
        %dma_wait3A_616 = arith.constant 48 : i32
        %dma_wait3A_617 = arith.constant 0 : i32
        %dma_wait3A_618 = tpu.memref_slice %arg5[%dma_wait3A_616, %dma_wait3A_617] : memref<64x1024xf32, #tpu.memory_space<vmem>> -> memref<8x1024xf32, #tpu.memory_space<vmem>>
        tpu.wait_dma2 semaphore(%arg22 : memref<!tpu.dma_semaphore, #tpu.memory_space<semaphore_mem>>) src(%dma_wait3A_618 : memref<8x1024xf32, #tpu.memory_space<vmem>>) dst(%dma_wait3A_615 : memref<8x1024xf32, #tpu.memory_space<hbm>>)
      } else {
      }
      %add3A_338 = arith.constant 4 : i32
      %add3A_339 = arith.addi %add3A_332, %add3A_338 : i32
      %mul3A_340 = arith.constant 8 : i32
      %mul3A_341 = arith.muli %add3A_339, %mul3A_340 : i32
      %add3A_342 = arith.addi %mul3A_32, %mul3A_341 : i32
      %dma_start3A_343 = arith.constant 48 : i32
      %dma_start3A_344 = arith.constant 0 : i32
      %dma_start3A_345 = tpu.memref_slice %arg5[%dma_start3A_343, %dma_start3A_344] : memref<64x1024xf32, #tpu.memory_space<vmem>> -> memref<8x1024xf32, #tpu.memory_space<vmem>>
      %dma_start3A_346 = arith.constant 0 : i32
      %dma_start3A_347 = tpu.memref_slice %arg2[%select_n3A, %add3A_342, %dma_start3A_346] : memref<4x8192x1024xf32, #tpu.memory_space<hbm>> -> memref<1x8x1024xf32, #tpu.memory_space<hbm>>
      %dma_start3A_348 = tpu.memref_squeeze %dma_start3A_347 : memref<1x8x1024xf32, #tpu.memory_space<hbm>> -> memref<8x1024xf32, #tpu.memory_space<hbm>>
      %dma_start3A_349 = arith.constant 48 : i32
      %dma_start3A_350 = arith.constant 0 : i32
      %dma_start3A_351 = tpu.memref_slice %arg5[%dma_start3A_349, %dma_start3A_350] : memref<64x1024xf32, #tpu.memory_space<vmem>> -> memref<8x1024xf32, #tpu.memory_space<vmem>>
      %dma_start3A_352 = arith.constant 0 : i32
      %dma_start3A_353 = tpu.memref_slice %arg2[%select_n3A, %add3A_342, %dma_start3A_352] : memref<4x8192x1024xf32, #tpu.memory_space<hbm>> -> memref<1x8x1024xf32, #tpu.memory_space<hbm>>
      %dma_start3A_354 = tpu.memref_squeeze %dma_start3A_353 : memref<1x8x1024xf32, #tpu.memory_space<hbm>> -> memref<8x1024xf32, #tpu.memory_space<hbm>>
      tpu.enqueue_dma source(%dma_start3A_354 : memref<8x1024xf32, #tpu.memory_space<hbm>>) target(%dma_start3A_351 : memref<8x1024xf32, #tpu.memory_space<vmem>>) target_semaphore(%arg14 : memref<!tpu.dma_semaphore, #tpu.memory_space<semaphore_mem>>)
      %dma_wait3A_355 = arith.constant 24 : i32
      %dma_wait3A_356 = arith.constant 0 : i32
      %dma_wait3A_357 = tpu.memref_slice %arg5[%dma_wait3A_355, %dma_wait3A_356] : memref<64x1024xf32, #tpu.memory_space<vmem>> -> memref<8x1024xf32, #tpu.memory_space<vmem>>
      %dma_wait3A_358 = arith.constant 0 : i32
      %dma_wait3A_359 = arith.constant 0 : i32
      %dma_wait3A_360 = tpu.memref_slice %arg2[%select_n3A, %dma_wait3A_358, %dma_wait3A_359] : memref<4x8192x1024xf32, #tpu.memory_space<hbm>> -> memref<1x8x1024xf32, #tpu.memory_space<hbm>>
      %dma_wait3A_361 = tpu.memref_squeeze %dma_wait3A_360 : memref<1x8x1024xf32, #tpu.memory_space<hbm>> -> memref<8x1024xf32, #tpu.memory_space<hbm>>
      %dma_wait3A_362 = arith.constant 24 : i32
      %dma_wait3A_363 = arith.constant 0 : i32
      %dma_wait3A_364 = tpu.memref_slice %arg5[%dma_wait3A_362, %dma_wait3A_363] : memref<64x1024xf32, #tpu.memory_space<vmem>> -> memref<8x1024xf32, #tpu.memory_space<vmem>>
      %dma_wait3A_365 = arith.constant 0 : i32
      %dma_wait3A_366 = arith.constant 0 : i32
      %dma_wait3A_367 = tpu.memref_slice %arg2[%select_n3A, %dma_wait3A_365, %dma_wait3A_366] : memref<4x8192x1024xf32, #tpu.memory_space<hbm>> -> memref<1x8x1024xf32, #tpu.memory_space<hbm>>
      %dma_wait3A_368 = tpu.memref_squeeze %dma_wait3A_367 : memref<1x8x1024xf32, #tpu.memory_space<hbm>> -> memref<8x1024xf32, #tpu.memory_space<hbm>>
      tpu.wait_dma2 semaphore(%arg11 : memref<!tpu.dma_semaphore, #tpu.memory_space<semaphore_mem>>) src(%dma_wait3A_368 : memref<8x1024xf32, #tpu.memory_space<hbm>>) dst(%dma_wait3A_364 : memref<8x1024xf32, #tpu.memory_space<vmem>>)
      %parallel_loop3A_369 = arith.constant 0 : i32
      %parallel_loop3A_370 = arith.constant 1024 : i32
      %parallel_loop3A_371 = arith.constant 16 : i32
      scf.for %parallel_loop3A_605 = %parallel_loop3A_369 to %parallel_loop3A_370 step %parallel_loop3A_371  : i32 {
        %parallel_loop3A_606 = arith.constant 16 : i32
        %parallel_loop3A_607 = arith.index_cast %parallel_loop3A_606 : i32 to index
        %parallel_loop3A_608 = arith.index_cast %parallel_loop3A_605 : i32 to index
        %parallel_loop3A_609 = tpu.vector_load %arg5[%parallel_loop3A_607, %parallel_loop3A_608] {strides = array<i32>} : memref<64x1024xf32, #tpu.memory_space<vmem>>, vector<1x16xf32>,
        %parallel_loop3A_610 = vector.shape_cast %parallel_loop3A_609 : vector<1x16xf32> to vector<16xf32>
        %parallel_loop3A_611 = arith.constant 17 : i32
        %parallel_loop3A_612 = arith.index_cast %parallel_loop3A_611 : i32 to index
        %parallel_loop3A_613 = arith.index_cast %parallel_loop3A_605 : i32 to index
        %parallel_loop3A_614 = tpu.vector_load %arg5[%parallel_loop3A_612, %parallel_loop3A_613] {strides = array<i32>} : memref<64x1024xf32, #tpu.memory_space<vmem>>, vector<1x16xf32>,
        %parallel_loop3A_615 = vector.shape_cast %parallel_loop3A_614 : vector<1x16xf32> to vector<16xf32>
        %parallel_loop3A_616 = arith.subf %parallel_loop3A_615, %parallel_loop3A_610 : vector<16xf32>
        %parallel_loop3A_617 = arith.mulf %get3A_36, %parallel_loop3A_616 : vector<16xf32>
        %parallel_loop3A_618 = arith.addf %parallel_loop3A_610, %parallel_loop3A_617 : vector<16xf32>
        %parallel_loop3A_619 = arith.constant 16 : i32
        %parallel_loop3A_620 = arith.index_cast %parallel_loop3A_619 : i32 to index
        %parallel_loop3A_621 = arith.index_cast %parallel_loop3A_605 : i32 to index
        %parallel_loop3A_622 = tpu.vector_load %arg5[%parallel_loop3A_620, %parallel_loop3A_621] {strides = array<i32>} : memref<64x1024xf32, #tpu.memory_space<vmem>>, vector<1x16xf32>,
        %parallel_loop3A_623 = vector.shape_cast %parallel_loop3A_622 : vector<1x16xf32> to vector<16xf32>
        %parallel_loop3A_624 = vector.shape_cast %parallel_loop3A_618 : vector<16xf32> to vector<1x16xf32>
        tpu.vector_store %arg5[%parallel_loop3A_620, %parallel_loop3A_621], %parallel_loop3A_624 {strides = array<i32>} : memref<64x1024xf32, #tpu.memory_space<vmem>>, vector<1x16xf32>,
        %parallel_loop3A_625 = arith.constant 18 : i32
        %parallel_loop3A_626 = arith.index_cast %parallel_loop3A_625 : i32 to index
        %parallel_loop3A_627 = arith.index_cast %parallel_loop3A_605 : i32 to index
        %parallel_loop3A_628 = tpu.vector_load %arg5[%parallel_loop3A_626, %parallel_loop3A_627] {strides = array<i32>} : memref<64x1024xf32, #tpu.memory_space<vmem>>, vector<1x16xf32>,
        %parallel_loop3A_629 = vector.shape_cast %parallel_loop3A_628 : vector<1x16xf32> to vector<16xf32>
        %parallel_loop3A_630 = arith.subf %parallel_loop3A_629, %parallel_loop3A_615 : vector<16xf32>
        %parallel_loop3A_631 = arith.mulf %get3A_36, %parallel_loop3A_630 : vector<16xf32>
        %parallel_loop3A_632 = arith.addf %parallel_loop3A_615, %parallel_loop3A_631 : vector<16xf32>
        %parallel_loop3A_633 = arith.constant 17 : i32
        %parallel_loop3A_634 = arith.index_cast %parallel_loop3A_633 : i32 to index
        %parallel_loop3A_635 = arith.index_cast %parallel_loop3A_605 : i32 to index
        %parallel_loop3A_636 = tpu.vector_load %arg5[%parallel_loop3A_634, %parallel_loop3A_635] {strides = array<i32>} : memref<64x1024xf32, #tpu.memory_space<vmem>>, vector<1x16xf32>,
        %parallel_loop3A_637 = vector.shape_cast %parallel_loop3A_636 : vector<1x16xf32> to vector<16xf32>
        %parallel_loop3A_638 = vector.shape_cast %parallel_loop3A_632 : vector<16xf32> to vector<1x16xf32>
        tpu.vector_store %arg5[%parallel_loop3A_634, %parallel_loop3A_635], %parallel_loop3A_638 {strides = array<i32>} : memref<64x1024xf32, #tpu.memory_space<vmem>>, vector<1x16xf32>,
        %parallel_loop3A_639 = arith.constant 19 : i32
        %parallel_loop3A_640 = arith.index_cast %parallel_loop3A_639 : i32 to index
        %parallel_loop3A_641 = arith.index_cast %parallel_loop3A_605 : i32 to index
        %parallel_loop3A_642 = tpu.vector_load %arg5[%parallel_loop3A_640, %parallel_loop3A_641] {strides = array<i32>} : memref<64x1024xf32, #tpu.memory_space<vmem>>, vector<1x16xf32>,
        %parallel_loop3A_643 = vector.shape_cast %parallel_loop3A_642 : vector<1x16xf32> to vector<16xf32>
        %parallel_loop3A_644 = arith.subf %parallel_loop3A_643, %parallel_loop3A_629 : vector<16xf32>
        %parallel_loop3A_645 = arith.mulf %get3A_36, %parallel_loop3A_644 : vector<16xf32>
        %parallel_loop3A_646 = arith.addf %parallel_loop3A_629, %parallel_loop3A_645 : vector<16xf32>
        %parallel_loop3A_647 = arith.constant 18 : i32
        %parallel_loop3A_648 = arith.index_cast %parallel_loop3A_647 : i32 to index
        %parallel_loop3A_649 = arith.index_cast %parallel_loop3A_605 : i32 to index
        %parallel_loop3A_650 = tpu.vector_load %arg5[%parallel_loop3A_648, %parallel_loop3A_649] {strides = array<i32>} : memref<64x1024xf32, #tpu.memory_space<vmem>>, vector<1x16xf32>,
        %parallel_loop3A_651 = vector.shape_cast %parallel_loop3A_650 : vector<1x16xf32> to vector<16xf32>
        %parallel_loop3A_652 = vector.shape_cast %parallel_loop3A_646 : vector<16xf32> to vector<1x16xf32>
        tpu.vector_store %arg5[%parallel_loop3A_648, %parallel_loop3A_649], %parallel_loop3A_652 {strides = array<i32>} : memref<64x1024xf32, #tpu.memory_space<vmem>>, vector<1x16xf32>,
        %parallel_loop3A_653 = arith.constant 20 : i32
        %parallel_loop3A_654 = arith.index_cast %parallel_loop3A_653 : i32 to index
        %parallel_loop3A_655 = arith.index_cast %parallel_loop3A_605 : i32 to index
        %parallel_loop3A_656 = tpu.vector_load %arg5[%parallel_loop3A_654, %parallel_loop3A_655] {strides = array<i32>} : memref<64x1024xf32, #tpu.memory_space<vmem>>, vector<1x16xf32>,
        %parallel_loop3A_657 = vector.shape_cast %parallel_loop3A_656 : vector<1x16xf32> to vector<16xf32>
        %parallel_loop3A_658 = arith.subf %parallel_loop3A_657, %parallel_loop3A_643 : vector<16xf32>
        %parallel_loop3A_659 = arith.mulf %get3A_36, %parallel_loop3A_658 : vector<16xf32>
        %parallel_loop3A_660 = arith.addf %parallel_loop3A_643, %parallel_loop3A_659 : vector<16xf32>
        %parallel_loop3A_661 = arith.constant 19 : i32
        %parallel_loop3A_662 = arith.index_cast %parallel_loop3A_661 : i32 to index
        %parallel_loop3A_663 = arith.index_cast %parallel_loop3A_605 : i32 to index
        %parallel_loop3A_664 = tpu.vector_load %arg5[%parallel_loop3A_662, %parallel_loop3A_663] {strides = array<i32>} : memref<64x1024xf32, #tpu.memory_space<vmem>>, vector<1x16xf32>,
        %parallel_loop3A_665 = vector.shape_cast %parallel_loop3A_664 : vector<1x16xf32> to vector<16xf32>
        %parallel_loop3A_666 = vector.shape_cast %parallel_loop3A_660 : vector<16xf32> to vector<1x16xf32>
        tpu.vector_store %arg5[%parallel_loop3A_662, %parallel_loop3A_663], %parallel_loop3A_666 {strides = array<i32>} : memref<64x1024xf32, #tpu.memory_space<vmem>>, vector<1x16xf32>,
        %parallel_loop3A_667 = arith.constant 21 : i32
        %parallel_loop3A_668 = arith.index_cast %parallel_loop3A_667 : i32 to index
        %parallel_loop3A_669 = arith.index_cast %parallel_loop3A_605 : i32 to index
        %parallel_loop3A_670 = tpu.vector_load %arg5[%parallel_loop3A_668, %parallel_loop3A_669] {strides = array<i32>} : memref<64x1024xf32, #tpu.memory_space<vmem>>, vector<1x16xf32>,
        %parallel_loop3A_671 = vector.shape_cast %parallel_loop3A_670 : vector<1x16xf32> to vector<16xf32>
        %parallel_loop3A_672 = arith.subf %parallel_loop3A_671, %parallel_loop3A_657 : vector<16xf32>
        %parallel_loop3A_673 = arith.mulf %get3A_36, %parallel_loop3A_672 : vector<16xf32>
        %parallel_loop3A_674 = arith.addf %parallel_loop3A_657, %parallel_loop3A_673 : vector<16xf32>
        %parallel_loop3A_675 = arith.constant 20 : i32
        %parallel_loop3A_676 = arith.index_cast %parallel_loop3A_675 : i32 to index
        %parallel_loop3A_677 = arith.index_cast %parallel_loop3A_605 : i32 to index
        %parallel_loop3A_678 = tpu.vector_load %arg5[%parallel_loop3A_676, %parallel_loop3A_677] {strides = array<i32>} : memref<64x1024xf32, #tpu.memory_space<vmem>>, vector<1x16xf32>,
        %parallel_loop3A_679 = vector.shape_cast %parallel_loop3A_678 : vector<1x16xf32> to vector<16xf32>
        %parallel_loop3A_680 = vector.shape_cast %parallel_loop3A_674 : vector<16xf32> to vector<1x16xf32>
        tpu.vector_store %arg5[%parallel_loop3A_676, %parallel_loop3A_677], %parallel_loop3A_680 {strides = array<i32>} : memref<64x1024xf32, #tpu.memory_space<vmem>>, vector<1x16xf32>,
        %parallel_loop3A_681 = arith.constant 22 : i32
        %parallel_loop3A_682 = arith.index_cast %parallel_loop3A_681 : i32 to index
        %parallel_loop3A_683 = arith.index_cast %parallel_loop3A_605 : i32 to index
        %parallel_loop3A_684 = tpu.vector_load %arg5[%parallel_loop3A_682, %parallel_loop3A_683] {strides = array<i32>} : memref<64x1024xf32, #tpu.memory_space<vmem>>, vector<1x16xf32>,
        %parallel_loop3A_685 = vector.shape_cast %parallel_loop3A_684 : vector<1x16xf32> to vector<16xf32>
        %parallel_loop3A_686 = arith.subf %parallel_loop3A_685, %parallel_loop3A_671 : vector<16xf32>
        %parallel_loop3A_687 = arith.mulf %get3A_36, %parallel_loop3A_686 : vector<16xf32>
        %parallel_loop3A_688 = arith.addf %parallel_loop3A_671, %parallel_loop3A_687 : vector<16xf32>
        %parallel_loop3A_689 = arith.constant 21 : i32
        %parallel_loop3A_690 = arith.index_cast %parallel_loop3A_689 : i32 to index
        %parallel_loop3A_691 = arith.index_cast %parallel_loop3A_605 : i32 to index
        %parallel_loop3A_692 = tpu.vector_load %arg5[%parallel_loop3A_690, %parallel_loop3A_691] {strides = array<i32>} : memref<64x1024xf32, #tpu.memory_space<vmem>>, vector<1x16xf32>,
        %parallel_loop3A_693 = vector.shape_cast %parallel_loop3A_692 : vector<1x16xf32> to vector<16xf32>
        %parallel_loop3A_694 = vector.shape_cast %parallel_loop3A_688 : vector<16xf32> to vector<1x16xf32>
        tpu.vector_store %arg5[%parallel_loop3A_690, %parallel_loop3A_691], %parallel_loop3A_694 {strides = array<i32>} : memref<64x1024xf32, #tpu.memory_space<vmem>>, vector<1x16xf32>,
        %parallel_loop3A_695 = arith.constant 23 : i32
        %parallel_loop3A_696 = arith.index_cast %parallel_loop3A_695 : i32 to index
        %parallel_loop3A_697 = arith.index_cast %parallel_loop3A_605 : i32 to index
        %parallel_loop3A_698 = tpu.vector_load %arg5[%parallel_loop3A_696, %parallel_loop3A_697] {strides = array<i32>} : memref<64x1024xf32, #tpu.memory_space<vmem>>, vector<1x16xf32>,
        %parallel_loop3A_699 = vector.shape_cast %parallel_loop3A_698 : vector<1x16xf32> to vector<16xf32>
        %parallel_loop3A_700 = arith.subf %parallel_loop3A_699, %parallel_loop3A_685 : vector<16xf32>
        %parallel_loop3A_701 = arith.mulf %get3A_36, %parallel_loop3A_700 : vector<16xf32>
        %parallel_loop3A_702 = arith.addf %parallel_loop3A_685, %parallel_loop3A_701 : vector<16xf32>
        %parallel_loop3A_703 = arith.constant 22 : i32
        %parallel_loop3A_704 = arith.index_cast %parallel_loop3A_703 : i32 to index
        %parallel_loop3A_705 = arith.index_cast %parallel_loop3A_605 : i32 to index
        %parallel_loop3A_706 = tpu.vector_load %arg5[%parallel_loop3A_704, %parallel_loop3A_705] {strides = array<i32>} : memref<64x1024xf32, #tpu.memory_space<vmem>>, vector<1x16xf32>,
        %parallel_loop3A_707 = vector.shape_cast %parallel_loop3A_706 : vector<1x16xf32> to vector<16xf32>
        %parallel_loop3A_708 = vector.shape_cast %parallel_loop3A_702 : vector<16xf32> to vector<1x16xf32>
        tpu.vector_store %arg5[%parallel_loop3A_704, %parallel_loop3A_705], %parallel_loop3A_708 {strides = array<i32>} : memref<64x1024xf32, #tpu.memory_space<vmem>>, vector<1x16xf32>,
        %parallel_loop3A_709 = arith.constant 24 : i32
        %parallel_loop3A_710 = arith.index_cast %parallel_loop3A_709 : i32 to index
        %parallel_loop3A_711 = arith.index_cast %parallel_loop3A_605 : i32 to index
        %parallel_loop3A_712 = tpu.vector_load %arg5[%parallel_loop3A_710, %parallel_loop3A_711] {strides = array<i32>} : memref<64x1024xf32, #tpu.memory_space<vmem>>, vector<1x16xf32>,
        %parallel_loop3A_713 = vector.shape_cast %parallel_loop3A_712 : vector<1x16xf32> to vector<16xf32>
        %parallel_loop3A_714 = arith.subf %parallel_loop3A_713, %parallel_loop3A_699 : vector<16xf32>
        %parallel_loop3A_715 = arith.mulf %get3A_36, %parallel_loop3A_714 : vector<16xf32>
        %parallel_loop3A_716 = arith.addf %parallel_loop3A_699, %parallel_loop3A_715 : vector<16xf32>
        %parallel_loop3A_717 = arith.constant 23 : i32
        %parallel_loop3A_718 = arith.index_cast %parallel_loop3A_717 : i32 to index
        %parallel_loop3A_719 = arith.index_cast %parallel_loop3A_605 : i32 to index
        %parallel_loop3A_720 = tpu.vector_load %arg5[%parallel_loop3A_718, %parallel_loop3A_719] {strides = array<i32>} : memref<64x1024xf32, #tpu.memory_space<vmem>>, vector<1x16xf32>,
        %parallel_loop3A_721 = vector.shape_cast %parallel_loop3A_720 : vector<1x16xf32> to vector<16xf32>
        %parallel_loop3A_722 = vector.shape_cast %parallel_loop3A_716 : vector<16xf32> to vector<1x16xf32>
        tpu.vector_store %arg5[%parallel_loop3A_718, %parallel_loop3A_719], %parallel_loop3A_722 {strides = array<i32>} : memref<64x1024xf32, #tpu.memory_space<vmem>>, vector<1x16xf32>,
      } {sc.loop_unroll_factor = 1 : i64, sc.parallel_access}
      %mul3A_372 = arith.constant 8 : i32
      %mul3A_373 = arith.muli %add3A_332, %mul3A_372 : i32
      %add3A_374 = arith.addi %mul3A_32, %mul3A_373 : i32
      %dma_start3A_375 = arith.constant 16 : i32
      %dma_start3A_376 = arith.constant 0 : i32
      %dma_start3A_377 = tpu.memref_slice %arg5[%dma_start3A_375, %dma_start3A_376] : memref<64x1024xf32, #tpu.memory_space<vmem>> -> memref<8x1024xf32, #tpu.memory_space<vmem>>
      %dma_start3A_378 = arith.constant 0 : i32
      %dma_start3A_379 = tpu.memref_slice %arg4[%select_n3A, %add3A_374, %dma_start3A_378] : memref<4x8192x1024xf32, #tpu.memory_space<hbm>> -> memref<1x8x1024xf32, #tpu.memory_space<hbm>>
      %dma_start3A_380 = tpu.memref_squeeze %dma_start3A_379 : memref<1x8x1024xf32, #tpu.memory_space<hbm>> -> memref<8x1024xf32, #tpu.memory_space<hbm>>
      %dma_start3A_381 = arith.constant 0 : i32
      %dma_start3A_382 = tpu.memref_slice %arg4[%select_n3A, %add3A_374, %dma_start3A_381] : memref<4x8192x1024xf32, #tpu.memory_space<hbm>> -> memref<1x8x1024xf32, #tpu.memory_space<hbm>>
      %dma_start3A_383 = tpu.memref_squeeze %dma_start3A_382 : memref<1x8x1024xf32, #tpu.memory_space<hbm>> -> memref<8x1024xf32, #tpu.memory_space<hbm>>
      %dma_start3A_384 = arith.constant 16 : i32
      %dma_start3A_385 = arith.constant 0 : i32
      %dma_start3A_386 = tpu.memref_slice %arg5[%dma_start3A_384, %dma_start3A_385] : memref<64x1024xf32, #tpu.memory_space<vmem>> -> memref<8x1024xf32, #tpu.memory_space<vmem>>
      tpu.enqueue_dma source(%dma_start3A_386 : memref<8x1024xf32, #tpu.memory_space<vmem>>) target(%dma_start3A_383 : memref<8x1024xf32, #tpu.memory_space<hbm>>) target_semaphore(%arg18 : memref<!tpu.dma_semaphore, #tpu.memory_space<semaphore_mem>>)
      %mul3A_387 = arith.constant 8 : i32
      %mul3A_388 = arith.muli %mul3A_387, %scan3A_216 : i32
      %add3A_389 = arith.constant 3 : i32
      %add3A_390 = arith.addi %mul3A_388, %add3A_389 : i32
      %gt3A_391 = arith.constant 0 : i32
      %gt3A_392 = arith.cmpi sgt, %scan3A_216, %gt3A_391 : i32
      %convert_element_type3A_393 = arith.extui %gt3A_392 : i1 to i32
      %cond3A_394 = arith.constant 0 : i32
      %cond3A_395 = arith.cmpi ne, %convert_element_type3A_393, %cond3A_394 : i32
      scf.if %cond3A_395 {
        %dma_wait3A_605 = arith.constant 56 : i32
        %dma_wait3A_606 = arith.constant 0 : i32
        %dma_wait3A_607 = tpu.memref_slice %arg5[%dma_wait3A_605, %dma_wait3A_606] : memref<64x1024xf32, #tpu.memory_space<vmem>> -> memref<8x1024xf32, #tpu.memory_space<vmem>>
        %dma_wait3A_608 = arith.constant 0 : i32
        %dma_wait3A_609 = arith.constant 0 : i32
        %dma_wait3A_610 = tpu.memref_slice %arg4[%select_n3A, %dma_wait3A_608, %dma_wait3A_609] : memref<4x8192x1024xf32, #tpu.memory_space<hbm>> -> memref<1x8x1024xf32, #tpu.memory_space<hbm>>
        %dma_wait3A_611 = tpu.memref_squeeze %dma_wait3A_610 : memref<1x8x1024xf32, #tpu.memory_space<hbm>> -> memref<8x1024xf32, #tpu.memory_space<hbm>>
        %dma_wait3A_612 = arith.constant 0 : i32
        %dma_wait3A_613 = arith.constant 0 : i32
        %dma_wait3A_614 = tpu.memref_slice %arg4[%select_n3A, %dma_wait3A_612, %dma_wait3A_613] : memref<4x8192x1024xf32, #tpu.memory_space<hbm>> -> memref<1x8x1024xf32, #tpu.memory_space<hbm>>
        %dma_wait3A_615 = tpu.memref_squeeze %dma_wait3A_614 : memref<1x8x1024xf32, #tpu.memory_space<hbm>> -> memref<8x1024xf32, #tpu.memory_space<hbm>>
        %dma_wait3A_616 = arith.constant 56 : i32
        %dma_wait3A_617 = arith.constant 0 : i32
        %dma_wait3A_618 = tpu.memref_slice %arg5[%dma_wait3A_616, %dma_wait3A_617] : memref<64x1024xf32, #tpu.memory_space<vmem>> -> memref<8x1024xf32, #tpu.memory_space<vmem>>
        tpu.wait_dma2 semaphore(%arg23 : memref<!tpu.dma_semaphore, #tpu.memory_space<semaphore_mem>>) src(%dma_wait3A_618 : memref<8x1024xf32, #tpu.memory_space<vmem>>) dst(%dma_wait3A_615 : memref<8x1024xf32, #tpu.memory_space<hbm>>)
      } else {
      }
      %add3A_396 = arith.constant 4 : i32
      %add3A_397 = arith.addi %add3A_390, %add3A_396 : i32
      %mul3A_398 = arith.constant 8 : i32
      %mul3A_399 = arith.muli %add3A_397, %mul3A_398 : i32
      %add3A_400 = arith.addi %mul3A_32, %mul3A_399 : i32
      %dma_start3A_401 = arith.constant 56 : i32
      %dma_start3A_402 = arith.constant 0 : i32
      %dma_start3A_403 = tpu.memref_slice %arg5[%dma_start3A_401, %dma_start3A_402] : memref<64x1024xf32, #tpu.memory_space<vmem>> -> memref<8x1024xf32, #tpu.memory_space<vmem>>
      %dma_start3A_404 = arith.constant 0 : i32
      %dma_start3A_405 = tpu.memref_slice %arg2[%select_n3A, %add3A_400, %dma_start3A_404] : memref<4x8192x1024xf32, #tpu.memory_space<hbm>> -> memref<1x8x1024xf32, #tpu.memory_space<hbm>>
      %dma_start3A_406 = tpu.memref_squeeze %dma_start3A_405 : memref<1x8x1024xf32, #tpu.memory_space<hbm>> -> memref<8x1024xf32, #tpu.memory_space<hbm>>
      %dma_start3A_407 = arith.constant 56 : i32
      %dma_start3A_408 = arith.constant 0 : i32
      %dma_start3A_409 = tpu.memref_slice %arg5[%dma_start3A_407, %dma_start3A_408] : memref<64x1024xf32, #tpu.memory_space<vmem>> -> memref<8x1024xf32, #tpu.memory_space<vmem>>
      %dma_start3A_410 = arith.constant 0 : i32
      %dma_start3A_411 = tpu.memref_slice %arg2[%select_n3A, %add3A_400, %dma_start3A_410] : memref<4x8192x1024xf32, #tpu.memory_space<hbm>> -> memref<1x8x1024xf32, #tpu.memory_space<hbm>>
      %dma_start3A_412 = tpu.memref_squeeze %dma_start3A_411 : memref<1x8x1024xf32, #tpu.memory_space<hbm>> -> memref<8x1024xf32, #tpu.memory_space<hbm>>
      tpu.enqueue_dma source(%dma_start3A_412 : memref<8x1024xf32, #tpu.memory_space<hbm>>) target(%dma_start3A_409 : memref<8x1024xf32, #tpu.memory_space<vmem>>) target_semaphore(%arg15 : memref<!tpu.dma_semaphore, #tpu.memory_space<semaphore_mem>>)
      %dma_wait3A_413 = arith.constant 32 : i32
      %dma_wait3A_414 = arith.constant 0 : i32
      %dma_wait3A_415 = tpu.memref_slice %arg5[%dma_wait3A_413, %dma_wait3A_414] : memref<64x1024xf32, #tpu.memory_space<vmem>> -> memref<8x1024xf32, #tpu.memory_space<vmem>>
      %dma_wait3A_416 = arith.constant 0 : i32
      %dma_wait3A_417 = arith.constant 0 : i32
      %dma_wait3A_418 = tpu.memref_slice %arg2[%select_n3A, %dma_wait3A_416, %dma_wait3A_417] : memref<4x8192x1024xf32, #tpu.memory_space<hbm>> -> memref<1x8x1024xf32, #tpu.memory_space<hbm>>
      %dma_wait3A_419 = tpu.memref_squeeze %dma_wait3A_418 : memref<1x8x1024xf32, #tpu.memory_space<hbm>> -> memref<8x1024xf32, #tpu.memory_space<hbm>>
      %dma_wait3A_420 = arith.constant 32 : i32
      %dma_wait3A_421 = arith.constant 0 : i32
      %dma_wait3A_422 = tpu.memref_slice %arg5[%dma_wait3A_420, %dma_wait3A_421] : memref<64x1024xf32, #tpu.memory_space<vmem>> -> memref<8x1024xf32, #tpu.memory_space<vmem>>
      %dma_wait3A_423 = arith.constant 0 : i32
      %dma_wait3A_424 = arith.constant 0 : i32
      %dma_wait3A_425 = tpu.memref_slice %arg2[%select_n3A, %dma_wait3A_423, %dma_wait3A_424] : memref<4x8192x1024xf32, #tpu.memory_space<hbm>> -> memref<1x8x1024xf32, #tpu.memory_space<hbm>>
      %dma_wait3A_426 = tpu.memref_squeeze %dma_wait3A_425 : memref<1x8x1024xf32, #tpu.memory_space<hbm>> -> memref<8x1024xf32, #tpu.memory_space<hbm>>
      tpu.wait_dma2 semaphore(%arg12 : memref<!tpu.dma_semaphore, #tpu.memory_space<semaphore_mem>>) src(%dma_wait3A_426 : memref<8x1024xf32, #tpu.memory_space<hbm>>) dst(%dma_wait3A_422 : memref<8x1024xf32, #tpu.memory_space<vmem>>)
      %parallel_loop3A_427 = arith.constant 0 : i32
      %parallel_loop3A_428 = arith.constant 1024 : i32
      %parallel_loop3A_429 = arith.constant 16 : i32
      scf.for %parallel_loop3A_605 = %parallel_loop3A_427 to %parallel_loop3A_428 step %parallel_loop3A_429  : i32 {
        %parallel_loop3A_606 = arith.constant 24 : i32
        %parallel_loop3A_607 = arith.index_cast %parallel_loop3A_606 : i32 to index
        %parallel_loop3A_608 = arith.index_cast %parallel_loop3A_605 : i32 to index
        %parallel_loop3A_609 = tpu.vector_load %arg5[%parallel_loop3A_607, %parallel_loop3A_608] {strides = array<i32>} : memref<64x1024xf32, #tpu.memory_space<vmem>>, vector<1x16xf32>,
        %parallel_loop3A_610 = vector.shape_cast %parallel_loop3A_609 : vector<1x16xf32> to vector<16xf32>
        %parallel_loop3A_611 = arith.constant 25 : i32
        %parallel_loop3A_612 = arith.index_cast %parallel_loop3A_611 : i32 to index
        %parallel_loop3A_613 = arith.index_cast %parallel_loop3A_605 : i32 to index
        %parallel_loop3A_614 = tpu.vector_load %arg5[%parallel_loop3A_612, %parallel_loop3A_613] {strides = array<i32>} : memref<64x1024xf32, #tpu.memory_space<vmem>>, vector<1x16xf32>,
        %parallel_loop3A_615 = vector.shape_cast %parallel_loop3A_614 : vector<1x16xf32> to vector<16xf32>
        %parallel_loop3A_616 = arith.subf %parallel_loop3A_615, %parallel_loop3A_610 : vector<16xf32>
        %parallel_loop3A_617 = arith.mulf %get3A_36, %parallel_loop3A_616 : vector<16xf32>
        %parallel_loop3A_618 = arith.addf %parallel_loop3A_610, %parallel_loop3A_617 : vector<16xf32>
        %parallel_loop3A_619 = arith.constant 24 : i32
        %parallel_loop3A_620 = arith.index_cast %parallel_loop3A_619 : i32 to index
        %parallel_loop3A_621 = arith.index_cast %parallel_loop3A_605 : i32 to index
        %parallel_loop3A_622 = tpu.vector_load %arg5[%parallel_loop3A_620, %parallel_loop3A_621] {strides = array<i32>} : memref<64x1024xf32, #tpu.memory_space<vmem>>, vector<1x16xf32>,
        %parallel_loop3A_623 = vector.shape_cast %parallel_loop3A_622 : vector<1x16xf32> to vector<16xf32>
        %parallel_loop3A_624 = vector.shape_cast %parallel_loop3A_618 : vector<16xf32> to vector<1x16xf32>
        tpu.vector_store %arg5[%parallel_loop3A_620, %parallel_loop3A_621], %parallel_loop3A_624 {strides = array<i32>} : memref<64x1024xf32, #tpu.memory_space<vmem>>, vector<1x16xf32>,
        %parallel_loop3A_625 = arith.constant 26 : i32
        %parallel_loop3A_626 = arith.index_cast %parallel_loop3A_625 : i32 to index
        %parallel_loop3A_627 = arith.index_cast %parallel_loop3A_605 : i32 to index
        %parallel_loop3A_628 = tpu.vector_load %arg5[%parallel_loop3A_626, %parallel_loop3A_627] {strides = array<i32>} : memref<64x1024xf32, #tpu.memory_space<vmem>>, vector<1x16xf32>,
        %parallel_loop3A_629 = vector.shape_cast %parallel_loop3A_628 : vector<1x16xf32> to vector<16xf32>
        %parallel_loop3A_630 = arith.subf %parallel_loop3A_629, %parallel_loop3A_615 : vector<16xf32>
        %parallel_loop3A_631 = arith.mulf %get3A_36, %parallel_loop3A_630 : vector<16xf32>
        %parallel_loop3A_632 = arith.addf %parallel_loop3A_615, %parallel_loop3A_631 : vector<16xf32>
        %parallel_loop3A_633 = arith.constant 25 : i32
        %parallel_loop3A_634 = arith.index_cast %parallel_loop3A_633 : i32 to index
        %parallel_loop3A_635 = arith.index_cast %parallel_loop3A_605 : i32 to index
        %parallel_loop3A_636 = tpu.vector_load %arg5[%parallel_loop3A_634, %parallel_loop3A_635] {strides = array<i32>} : memref<64x1024xf32, #tpu.memory_space<vmem>>, vector<1x16xf32>,
        %parallel_loop3A_637 = vector.shape_cast %parallel_loop3A_636 : vector<1x16xf32> to vector<16xf32>
        %parallel_loop3A_638 = vector.shape_cast %parallel_loop3A_632 : vector<16xf32> to vector<1x16xf32>
        tpu.vector_store %arg5[%parallel_loop3A_634, %parallel_loop3A_635], %parallel_loop3A_638 {strides = array<i32>} : memref<64x1024xf32, #tpu.memory_space<vmem>>, vector<1x16xf32>,
        %parallel_loop3A_639 = arith.constant 27 : i32
        %parallel_loop3A_640 = arith.index_cast %parallel_loop3A_639 : i32 to index
        %parallel_loop3A_641 = arith.index_cast %parallel_loop3A_605 : i32 to index
        %parallel_loop3A_642 = tpu.vector_load %arg5[%parallel_loop3A_640, %parallel_loop3A_641] {strides = array<i32>} : memref<64x1024xf32, #tpu.memory_space<vmem>>, vector<1x16xf32>,
        %parallel_loop3A_643 = vector.shape_cast %parallel_loop3A_642 : vector<1x16xf32> to vector<16xf32>
        %parallel_loop3A_644 = arith.subf %parallel_loop3A_643, %parallel_loop3A_629 : vector<16xf32>
        %parallel_loop3A_645 = arith.mulf %get3A_36, %parallel_loop3A_644 : vector<16xf32>
        %parallel_loop3A_646 = arith.addf %parallel_loop3A_629, %parallel_loop3A_645 : vector<16xf32>
        %parallel_loop3A_647 = arith.constant 26 : i32
        %parallel_loop3A_648 = arith.index_cast %parallel_loop3A_647 : i32 to index
        %parallel_loop3A_649 = arith.index_cast %parallel_loop3A_605 : i32 to index
        %parallel_loop3A_650 = tpu.vector_load %arg5[%parallel_loop3A_648, %parallel_loop3A_649] {strides = array<i32>} : memref<64x1024xf32, #tpu.memory_space<vmem>>, vector<1x16xf32>,
        %parallel_loop3A_651 = vector.shape_cast %parallel_loop3A_650 : vector<1x16xf32> to vector<16xf32>
        %parallel_loop3A_652 = vector.shape_cast %parallel_loop3A_646 : vector<16xf32> to vector<1x16xf32>
        tpu.vector_store %arg5[%parallel_loop3A_648, %parallel_loop3A_649], %parallel_loop3A_652 {strides = array<i32>} : memref<64x1024xf32, #tpu.memory_space<vmem>>, vector<1x16xf32>,
        %parallel_loop3A_653 = arith.constant 28 : i32
        %parallel_loop3A_654 = arith.index_cast %parallel_loop3A_653 : i32 to index
        %parallel_loop3A_655 = arith.index_cast %parallel_loop3A_605 : i32 to index
        %parallel_loop3A_656 = tpu.vector_load %arg5[%parallel_loop3A_654, %parallel_loop3A_655] {strides = array<i32>} : memref<64x1024xf32, #tpu.memory_space<vmem>>, vector<1x16xf32>,
        %parallel_loop3A_657 = vector.shape_cast %parallel_loop3A_656 : vector<1x16xf32> to vector<16xf32>
        %parallel_loop3A_658 = arith.subf %parallel_loop3A_657, %parallel_loop3A_643 : vector<16xf32>
        %parallel_loop3A_659 = arith.mulf %get3A_36, %parallel_loop3A_658 : vector<16xf32>
        %parallel_loop3A_660 = arith.addf %parallel_loop3A_643, %parallel_loop3A_659 : vector<16xf32>
        %parallel_loop3A_661 = arith.constant 27 : i32
        %parallel_loop3A_662 = arith.index_cast %parallel_loop3A_661 : i32 to index
        %parallel_loop3A_663 = arith.index_cast %parallel_loop3A_605 : i32 to index
        %parallel_loop3A_664 = tpu.vector_load %arg5[%parallel_loop3A_662, %parallel_loop3A_663] {strides = array<i32>} : memref<64x1024xf32, #tpu.memory_space<vmem>>, vector<1x16xf32>,
        %parallel_loop3A_665 = vector.shape_cast %parallel_loop3A_664 : vector<1x16xf32> to vector<16xf32>
        %parallel_loop3A_666 = vector.shape_cast %parallel_loop3A_660 : vector<16xf32> to vector<1x16xf32>
        tpu.vector_store %arg5[%parallel_loop3A_662, %parallel_loop3A_663], %parallel_loop3A_666 {strides = array<i32>} : memref<64x1024xf32, #tpu.memory_space<vmem>>, vector<1x16xf32>,
        %parallel_loop3A_667 = arith.constant 29 : i32
        %parallel_loop3A_668 = arith.index_cast %parallel_loop3A_667 : i32 to index
        %parallel_loop3A_669 = arith.index_cast %parallel_loop3A_605 : i32 to index
        %parallel_loop3A_670 = tpu.vector_load %arg5[%parallel_loop3A_668, %parallel_loop3A_669] {strides = array<i32>} : memref<64x1024xf32, #tpu.memory_space<vmem>>, vector<1x16xf32>,
        %parallel_loop3A_671 = vector.shape_cast %parallel_loop3A_670 : vector<1x16xf32> to vector<16xf32>
        %parallel_loop3A_672 = arith.subf %parallel_loop3A_671, %parallel_loop3A_657 : vector<16xf32>
        %parallel_loop3A_673 = arith.mulf %get3A_36, %parallel_loop3A_672 : vector<16xf32>
        %parallel_loop3A_674 = arith.addf %parallel_loop3A_657, %parallel_loop3A_673 : vector<16xf32>
        %parallel_loop3A_675 = arith.constant 28 : i32
        %parallel_loop3A_676 = arith.index_cast %parallel_loop3A_675 : i32 to index
        %parallel_loop3A_677 = arith.index_cast %parallel_loop3A_605 : i32 to index
        %parallel_loop3A_678 = tpu.vector_load %arg5[%parallel_loop3A_676, %parallel_loop3A_677] {strides = array<i32>} : memref<64x1024xf32, #tpu.memory_space<vmem>>, vector<1x16xf32>,
        %parallel_loop3A_679 = vector.shape_cast %parallel_loop3A_678 : vector<1x16xf32> to vector<16xf32>
        %parallel_loop3A_680 = vector.shape_cast %parallel_loop3A_674 : vector<16xf32> to vector<1x16xf32>
        tpu.vector_store %arg5[%parallel_loop3A_676, %parallel_loop3A_677], %parallel_loop3A_680 {strides = array<i32>} : memref<64x1024xf32, #tpu.memory_space<vmem>>, vector<1x16xf32>,
        %parallel_loop3A_681 = arith.constant 30 : i32
        %parallel_loop3A_682 = arith.index_cast %parallel_loop3A_681 : i32 to index
        %parallel_loop3A_683 = arith.index_cast %parallel_loop3A_605 : i32 to index
        %parallel_loop3A_684 = tpu.vector_load %arg5[%parallel_loop3A_682, %parallel_loop3A_683] {strides = array<i32>} : memref<64x1024xf32, #tpu.memory_space<vmem>>, vector<1x16xf32>,
        %parallel_loop3A_685 = vector.shape_cast %parallel_loop3A_684 : vector<1x16xf32> to vector<16xf32>
        %parallel_loop3A_686 = arith.subf %parallel_loop3A_685, %parallel_loop3A_671 : vector<16xf32>
        %parallel_loop3A_687 = arith.mulf %get3A_36, %parallel_loop3A_686 : vector<16xf32>
        %parallel_loop3A_688 = arith.addf %parallel_loop3A_671, %parallel_loop3A_687 : vector<16xf32>
        %parallel_loop3A_689 = arith.constant 29 : i32
        %parallel_loop3A_690 = arith.index_cast %parallel_loop3A_689 : i32 to index
        %parallel_loop3A_691 = arith.index_cast %parallel_loop3A_605 : i32 to index
        %parallel_loop3A_692 = tpu.vector_load %arg5[%parallel_loop3A_690, %parallel_loop3A_691] {strides = array<i32>} : memref<64x1024xf32, #tpu.memory_space<vmem>>, vector<1x16xf32>,
        %parallel_loop3A_693 = vector.shape_cast %parallel_loop3A_692 : vector<1x16xf32> to vector<16xf32>
        %parallel_loop3A_694 = vector.shape_cast %parallel_loop3A_688 : vector<16xf32> to vector<1x16xf32>
        tpu.vector_store %arg5[%parallel_loop3A_690, %parallel_loop3A_691], %parallel_loop3A_694 {strides = array<i32>} : memref<64x1024xf32, #tpu.memory_space<vmem>>, vector<1x16xf32>,
        %parallel_loop3A_695 = arith.constant 31 : i32
        %parallel_loop3A_696 = arith.index_cast %parallel_loop3A_695 : i32 to index
        %parallel_loop3A_697 = arith.index_cast %parallel_loop3A_605 : i32 to index
        %parallel_loop3A_698 = tpu.vector_load %arg5[%parallel_loop3A_696, %parallel_loop3A_697] {strides = array<i32>} : memref<64x1024xf32, #tpu.memory_space<vmem>>, vector<1x16xf32>,
        %parallel_loop3A_699 = vector.shape_cast %parallel_loop3A_698 : vector<1x16xf32> to vector<16xf32>
        %parallel_loop3A_700 = arith.subf %parallel_loop3A_699, %parallel_loop3A_685 : vector<16xf32>
        %parallel_loop3A_701 = arith.mulf %get3A_36, %parallel_loop3A_700 : vector<16xf32>
        %parallel_loop3A_702 = arith.addf %parallel_loop3A_685, %parallel_loop3A_701 : vector<16xf32>
        %parallel_loop3A_703 = arith.constant 30 : i32
        %parallel_loop3A_704 = arith.index_cast %parallel_loop3A_703 : i32 to index
        %parallel_loop3A_705 = arith.index_cast %parallel_loop3A_605 : i32 to index
        %parallel_loop3A_706 = tpu.vector_load %arg5[%parallel_loop3A_704, %parallel_loop3A_705] {strides = array<i32>} : memref<64x1024xf32, #tpu.memory_space<vmem>>, vector<1x16xf32>,
        %parallel_loop3A_707 = vector.shape_cast %parallel_loop3A_706 : vector<1x16xf32> to vector<16xf32>
        %parallel_loop3A_708 = vector.shape_cast %parallel_loop3A_702 : vector<16xf32> to vector<1x16xf32>
        tpu.vector_store %arg5[%parallel_loop3A_704, %parallel_loop3A_705], %parallel_loop3A_708 {strides = array<i32>} : memref<64x1024xf32, #tpu.memory_space<vmem>>, vector<1x16xf32>,
        %parallel_loop3A_709 = arith.constant 32 : i32
        %parallel_loop3A_710 = arith.index_cast %parallel_loop3A_709 : i32 to index
        %parallel_loop3A_711 = arith.index_cast %parallel_loop3A_605 : i32 to index
        %parallel_loop3A_712 = tpu.vector_load %arg5[%parallel_loop3A_710, %parallel_loop3A_711] {strides = array<i32>} : memref<64x1024xf32, #tpu.memory_space<vmem>>, vector<1x16xf32>,
        %parallel_loop3A_713 = vector.shape_cast %parallel_loop3A_712 : vector<1x16xf32> to vector<16xf32>
        %parallel_loop3A_714 = arith.subf %parallel_loop3A_713, %parallel_loop3A_699 : vector<16xf32>
        %parallel_loop3A_715 = arith.mulf %get3A_36, %parallel_loop3A_714 : vector<16xf32>
        %parallel_loop3A_716 = arith.addf %parallel_loop3A_699, %parallel_loop3A_715 : vector<16xf32>
        %parallel_loop3A_717 = arith.constant 31 : i32
        %parallel_loop3A_718 = arith.index_cast %parallel_loop3A_717 : i32 to index
        %parallel_loop3A_719 = arith.index_cast %parallel_loop3A_605 : i32 to index
        %parallel_loop3A_720 = tpu.vector_load %arg5[%parallel_loop3A_718, %parallel_loop3A_719] {strides = array<i32>} : memref<64x1024xf32, #tpu.memory_space<vmem>>, vector<1x16xf32>,
        %parallel_loop3A_721 = vector.shape_cast %parallel_loop3A_720 : vector<1x16xf32> to vector<16xf32>
        %parallel_loop3A_722 = vector.shape_cast %parallel_loop3A_716 : vector<16xf32> to vector<1x16xf32>
        tpu.vector_store %arg5[%parallel_loop3A_718, %parallel_loop3A_719], %parallel_loop3A_722 {strides = array<i32>} : memref<64x1024xf32, #tpu.memory_space<vmem>>, vector<1x16xf32>,
      } {sc.loop_unroll_factor = 1 : i64, sc.parallel_access}
      %mul3A_430 = arith.constant 8 : i32
      %mul3A_431 = arith.muli %add3A_390, %mul3A_430 : i32
      %add3A_432 = arith.addi %mul3A_32, %mul3A_431 : i32
      %dma_start3A_433 = arith.constant 24 : i32
      %dma_start3A_434 = arith.constant 0 : i32
      %dma_start3A_435 = tpu.memref_slice %arg5[%dma_start3A_433, %dma_start3A_434] : memref<64x1024xf32, #tpu.memory_space<vmem>> -> memref<8x1024xf32, #tpu.memory_space<vmem>>
      %dma_start3A_436 = arith.constant 0 : i32
      %dma_start3A_437 = tpu.memref_slice %arg4[%select_n3A, %add3A_432, %dma_start3A_436] : memref<4x8192x1024xf32, #tpu.memory_space<hbm>> -> memref<1x8x1024xf32, #tpu.memory_space<hbm>>
      %dma_start3A_438 = tpu.memref_squeeze %dma_start3A_437 : memref<1x8x1024xf32, #tpu.memory_space<hbm>> -> memref<8x1024xf32, #tpu.memory_space<hbm>>
      %dma_start3A_439 = arith.constant 0 : i32
      %dma_start3A_440 = tpu.memref_slice %arg4[%select_n3A, %add3A_432, %dma_start3A_439] : memref<4x8192x1024xf32, #tpu.memory_space<hbm>> -> memref<1x8x1024xf32, #tpu.memory_space<hbm>>
      %dma_start3A_441 = tpu.memref_squeeze %dma_start3A_440 : memref<1x8x1024xf32, #tpu.memory_space<hbm>> -> memref<8x1024xf32, #tpu.memory_space<hbm>>
      %dma_start3A_442 = arith.constant 24 : i32
      %dma_start3A_443 = arith.constant 0 : i32
      %dma_start3A_444 = tpu.memref_slice %arg5[%dma_start3A_442, %dma_start3A_443] : memref<64x1024xf32, #tpu.memory_space<vmem>> -> memref<8x1024xf32, #tpu.memory_space<vmem>>
      tpu.enqueue_dma source(%dma_start3A_444 : memref<8x1024xf32, #tpu.memory_space<vmem>>) target(%dma_start3A_441 : memref<8x1024xf32, #tpu.memory_space<hbm>>) target_semaphore(%arg19 : memref<!tpu.dma_semaphore, #tpu.memory_space<semaphore_mem>>)
      %mul3A_445 = arith.constant 8 : i32
      %mul3A_446 = arith.muli %mul3A_445, %scan3A_216 : i32
      %add3A_447 = arith.constant 4 : i32
      %add3A_448 = arith.addi %mul3A_446, %add3A_447 : i32
      %lt3A_449 = arith.constant 15 : i32
      %lt3A_450 = arith.cmpi slt, %scan3A_216, %lt3A_449 : i32
      %convert_element_type3A_451 = arith.extui %lt3A_450 : i1 to i32
      %cond3A_452 = arith.constant 0 : i32
      %cond3A_453 = arith.cmpi ne, %convert_element_type3A_451, %cond3A_452 : i32
      scf.if %cond3A_453 {
        %dma_wait3A_605 = arith.constant 0 : i32
        %dma_wait3A_606 = arith.constant 0 : i32
        %dma_wait3A_607 = tpu.memref_slice %arg5[%dma_wait3A_605, %dma_wait3A_606] : memref<64x1024xf32, #tpu.memory_space<vmem>> -> memref<8x1024xf32, #tpu.memory_space<vmem>>
        %dma_wait3A_608 = arith.constant 0 : i32
        %dma_wait3A_609 = arith.constant 0 : i32
        %dma_wait3A_610 = tpu.memref_slice %arg4[%select_n3A, %dma_wait3A_608, %dma_wait3A_609] : memref<4x8192x1024xf32, #tpu.memory_space<hbm>> -> memref<1x8x1024xf32, #tpu.memory_space<hbm>>
        %dma_wait3A_611 = tpu.memref_squeeze %dma_wait3A_610 : memref<1x8x1024xf32, #tpu.memory_space<hbm>> -> memref<8x1024xf32, #tpu.memory_space<hbm>>
        %dma_wait3A_612 = arith.constant 0 : i32
        %dma_wait3A_613 = arith.constant 0 : i32
        %dma_wait3A_614 = tpu.memref_slice %arg4[%select_n3A, %dma_wait3A_612, %dma_wait3A_613] : memref<4x8192x1024xf32, #tpu.memory_space<hbm>> -> memref<1x8x1024xf32, #tpu.memory_space<hbm>>
        %dma_wait3A_615 = tpu.memref_squeeze %dma_wait3A_614 : memref<1x8x1024xf32, #tpu.memory_space<hbm>> -> memref<8x1024xf32, #tpu.memory_space<hbm>>
        %dma_wait3A_616 = arith.constant 0 : i32
        %dma_wait3A_617 = arith.constant 0 : i32
        %dma_wait3A_618 = tpu.memref_slice %arg5[%dma_wait3A_616, %dma_wait3A_617] : memref<64x1024xf32, #tpu.memory_space<vmem>> -> memref<8x1024xf32, #tpu.memory_space<vmem>>
        tpu.wait_dma2 semaphore(%arg16 : memref<!tpu.dma_semaphore, #tpu.memory_space<semaphore_mem>>) src(%dma_wait3A_618 : memref<8x1024xf32, #tpu.memory_space<vmem>>) dst(%dma_wait3A_615 : memref<8x1024xf32, #tpu.memory_space<hbm>>)
        %add3A_619 = arith.constant 4 : i32
        %add3A_620 = arith.addi %add3A_448, %add3A_619 : i32
        %mul3A_621 = arith.constant 8 : i32
        %mul3A_622 = arith.muli %add3A_620, %mul3A_621 : i32
        %add3A_623 = arith.addi %mul3A_32, %mul3A_622 : i32
        %dma_start3A_624 = arith.constant 0 : i32
        %dma_start3A_625 = arith.constant 0 : i32
        %dma_start3A_626 = tpu.memref_slice %arg5[%dma_start3A_624, %dma_start3A_625] : memref<64x1024xf32, #tpu.memory_space<vmem>> -> memref<8x1024xf32, #tpu.memory_space<vmem>>
        %dma_start3A_627 = arith.constant 0 : i32
        %dma_start3A_628 = tpu.memref_slice %arg2[%select_n3A, %add3A_623, %dma_start3A_627] : memref<4x8192x1024xf32, #tpu.memory_space<hbm>> -> memref<1x8x1024xf32, #tpu.memory_space<hbm>>
        %dma_start3A_629 = tpu.memref_squeeze %dma_start3A_628 : memref<1x8x1024xf32, #tpu.memory_space<hbm>> -> memref<8x1024xf32, #tpu.memory_space<hbm>>
        %dma_start3A_630 = arith.constant 0 : i32
        %dma_start3A_631 = arith.constant 0 : i32
        %dma_start3A_632 = tpu.memref_slice %arg5[%dma_start3A_630, %dma_start3A_631] : memref<64x1024xf32, #tpu.memory_space<vmem>> -> memref<8x1024xf32, #tpu.memory_space<vmem>>
        %dma_start3A_633 = arith.constant 0 : i32
        %dma_start3A_634 = tpu.memref_slice %arg2[%select_n3A, %add3A_623, %dma_start3A_633] : memref<4x8192x1024xf32, #tpu.memory_space<hbm>> -> memref<1x8x1024xf32, #tpu.memory_space<hbm>>
        %dma_start3A_635 = tpu.memref_squeeze %dma_start3A_634 : memref<1x8x1024xf32, #tpu.memory_space<hbm>> -> memref<8x1024xf32, #tpu.memory_space<hbm>>
        tpu.enqueue_dma source(%dma_start3A_635 : memref<8x1024xf32, #tpu.memory_space<hbm>>) target(%dma_start3A_632 : memref<8x1024xf32, #tpu.memory_space<vmem>>) target_semaphore(%arg8 : memref<!tpu.dma_semaphore, #tpu.memory_space<semaphore_mem>>)
      } else {
      }
      %dma_wait3A_454 = arith.constant 40 : i32
      %dma_wait3A_455 = arith.constant 0 : i32
      %dma_wait3A_456 = tpu.memref_slice %arg5[%dma_wait3A_454, %dma_wait3A_455] : memref<64x1024xf32, #tpu.memory_space<vmem>> -> memref<8x1024xf32, #tpu.memory_space<vmem>>
      %dma_wait3A_457 = arith.constant 0 : i32
      %dma_wait3A_458 = arith.constant 0 : i32
      %dma_wait3A_459 = tpu.memref_slice %arg2[%select_n3A, %dma_wait3A_457, %dma_wait3A_458] : memref<4x8192x1024xf32, #tpu.memory_space<hbm>> -> memref<1x8x1024xf32, #tpu.memory_space<hbm>>
      %dma_wait3A_460 = tpu.memref_squeeze %dma_wait3A_459 : memref<1x8x1024xf32, #tpu.memory_space<hbm>> -> memref<8x1024xf32, #tpu.memory_space<hbm>>
      %dma_wait3A_461 = arith.constant 40 : i32
      %dma_wait3A_462 = arith.constant 0 : i32
      %dma_wait3A_463 = tpu.memref_slice %arg5[%dma_wait3A_461, %dma_wait3A_462] : memref<64x1024xf32, #tpu.memory_space<vmem>> -> memref<8x1024xf32, #tpu.memory_space<vmem>>
      %dma_wait3A_464 = arith.constant 0 : i32
      %dma_wait3A_465 = arith.constant 0 : i32
      %dma_wait3A_466 = tpu.memref_slice %arg2[%select_n3A, %dma_wait3A_464, %dma_wait3A_465] : memref<4x8192x1024xf32, #tpu.memory_space<hbm>> -> memref<1x8x1024xf32, #tpu.memory_space<hbm>>
      %dma_wait3A_467 = tpu.memref_squeeze %dma_wait3A_466 : memref<1x8x1024xf32, #tpu.memory_space<hbm>> -> memref<8x1024xf32, #tpu.memory_space<hbm>>
      tpu.wait_dma2 semaphore(%arg13 : memref<!tpu.dma_semaphore, #tpu.memory_space<semaphore_mem>>) src(%dma_wait3A_467 : memref<8x1024xf32, #tpu.memory_space<hbm>>) dst(%dma_wait3A_463 : memref<8x1024xf32, #tpu.memory_space<vmem>>)
      %parallel_loop3A_468 = arith.constant 0 : i32
      %parallel_loop3A_469 = arith.constant 1024 : i32
      %parallel_loop3A_470 = arith.constant 16 : i32
      scf.for %parallel_loop3A_605 = %parallel_loop3A_468 to %parallel_loop3A_469 step %parallel_loop3A_470  : i32 {
        %parallel_loop3A_606 = arith.constant 32 : i32
        %parallel_loop3A_607 = arith.index_cast %parallel_loop3A_606 : i32 to index
        %parallel_loop3A_608 = arith.index_cast %parallel_loop3A_605 : i32 to index
        %parallel_loop3A_609 = tpu.vector_load %arg5[%parallel_loop3A_607, %parallel_loop3A_608] {strides = array<i32>} : memref<64x1024xf32, #tpu.memory_space<vmem>>, vector<1x16xf32>,
        %parallel_loop3A_610 = vector.shape_cast %parallel_loop3A_609 : vector<1x16xf32> to vector<16xf32>
        %parallel_loop3A_611 = arith.constant 33 : i32
        %parallel_loop3A_612 = arith.index_cast %parallel_loop3A_611 : i32 to index
        %parallel_loop3A_613 = arith.index_cast %parallel_loop3A_605 : i32 to index
        %parallel_loop3A_614 = tpu.vector_load %arg5[%parallel_loop3A_612, %parallel_loop3A_613] {strides = array<i32>} : memref<64x1024xf32, #tpu.memory_space<vmem>>, vector<1x16xf32>,
        %parallel_loop3A_615 = vector.shape_cast %parallel_loop3A_614 : vector<1x16xf32> to vector<16xf32>
        %parallel_loop3A_616 = arith.subf %parallel_loop3A_615, %parallel_loop3A_610 : vector<16xf32>
        %parallel_loop3A_617 = arith.mulf %get3A_36, %parallel_loop3A_616 : vector<16xf32>
        %parallel_loop3A_618 = arith.addf %parallel_loop3A_610, %parallel_loop3A_617 : vector<16xf32>
        %parallel_loop3A_619 = arith.constant 32 : i32
        %parallel_loop3A_620 = arith.index_cast %parallel_loop3A_619 : i32 to index
        %parallel_loop3A_621 = arith.index_cast %parallel_loop3A_605 : i32 to index
        %parallel_loop3A_622 = tpu.vector_load %arg5[%parallel_loop3A_620, %parallel_loop3A_621] {strides = array<i32>} : memref<64x1024xf32, #tpu.memory_space<vmem>>, vector<1x16xf32>,
        %parallel_loop3A_623 = vector.shape_cast %parallel_loop3A_622 : vector<1x16xf32> to vector<16xf32>
        %parallel_loop3A_624 = vector.shape_cast %parallel_loop3A_618 : vector<16xf32> to vector<1x16xf32>
        tpu.vector_store %arg5[%parallel_loop3A_620, %parallel_loop3A_621], %parallel_loop3A_624 {strides = array<i32>} : memref<64x1024xf32, #tpu.memory_space<vmem>>, vector<1x16xf32>,
        %parallel_loop3A_625 = arith.constant 34 : i32
        %parallel_loop3A_626 = arith.index_cast %parallel_loop3A_625 : i32 to index
        %parallel_loop3A_627 = arith.index_cast %parallel_loop3A_605 : i32 to index
        %parallel_loop3A_628 = tpu.vector_load %arg5[%parallel_loop3A_626, %parallel_loop3A_627] {strides = array<i32>} : memref<64x1024xf32, #tpu.memory_space<vmem>>, vector<1x16xf32>,
        %parallel_loop3A_629 = vector.shape_cast %parallel_loop3A_628 : vector<1x16xf32> to vector<16xf32>
        %parallel_loop3A_630 = arith.subf %parallel_loop3A_629, %parallel_loop3A_615 : vector<16xf32>
        %parallel_loop3A_631 = arith.mulf %get3A_36, %parallel_loop3A_630 : vector<16xf32>
        %parallel_loop3A_632 = arith.addf %parallel_loop3A_615, %parallel_loop3A_631 : vector<16xf32>
        %parallel_loop3A_633 = arith.constant 33 : i32
        %parallel_loop3A_634 = arith.index_cast %parallel_loop3A_633 : i32 to index
        %parallel_loop3A_635 = arith.index_cast %parallel_loop3A_605 : i32 to index
        %parallel_loop3A_636 = tpu.vector_load %arg5[%parallel_loop3A_634, %parallel_loop3A_635] {strides = array<i32>} : memref<64x1024xf32, #tpu.memory_space<vmem>>, vector<1x16xf32>,
        %parallel_loop3A_637 = vector.shape_cast %parallel_loop3A_636 : vector<1x16xf32> to vector<16xf32>
        %parallel_loop3A_638 = vector.shape_cast %parallel_loop3A_632 : vector<16xf32> to vector<1x16xf32>
        tpu.vector_store %arg5[%parallel_loop3A_634, %parallel_loop3A_635], %parallel_loop3A_638 {strides = array<i32>} : memref<64x1024xf32, #tpu.memory_space<vmem>>, vector<1x16xf32>,
        %parallel_loop3A_639 = arith.constant 35 : i32
        %parallel_loop3A_640 = arith.index_cast %parallel_loop3A_639 : i32 to index
        %parallel_loop3A_641 = arith.index_cast %parallel_loop3A_605 : i32 to index
        %parallel_loop3A_642 = tpu.vector_load %arg5[%parallel_loop3A_640, %parallel_loop3A_641] {strides = array<i32>} : memref<64x1024xf32, #tpu.memory_space<vmem>>, vector<1x16xf32>,
        %parallel_loop3A_643 = vector.shape_cast %parallel_loop3A_642 : vector<1x16xf32> to vector<16xf32>
        %parallel_loop3A_644 = arith.subf %parallel_loop3A_643, %parallel_loop3A_629 : vector<16xf32>
        %parallel_loop3A_645 = arith.mulf %get3A_36, %parallel_loop3A_644 : vector<16xf32>
        %parallel_loop3A_646 = arith.addf %parallel_loop3A_629, %parallel_loop3A_645 : vector<16xf32>
        %parallel_loop3A_647 = arith.constant 34 : i32
        %parallel_loop3A_648 = arith.index_cast %parallel_loop3A_647 : i32 to index
        %parallel_loop3A_649 = arith.index_cast %parallel_loop3A_605 : i32 to index
        %parallel_loop3A_650 = tpu.vector_load %arg5[%parallel_loop3A_648, %parallel_loop3A_649] {strides = array<i32>} : memref<64x1024xf32, #tpu.memory_space<vmem>>, vector<1x16xf32>,
        %parallel_loop3A_651 = vector.shape_cast %parallel_loop3A_650 : vector<1x16xf32> to vector<16xf32>
        %parallel_loop3A_652 = vector.shape_cast %parallel_loop3A_646 : vector<16xf32> to vector<1x16xf32>
        tpu.vector_store %arg5[%parallel_loop3A_648, %parallel_loop3A_649], %parallel_loop3A_652 {strides = array<i32>} : memref<64x1024xf32, #tpu.memory_space<vmem>>, vector<1x16xf32>,
        %parallel_loop3A_653 = arith.constant 36 : i32
        %parallel_loop3A_654 = arith.index_cast %parallel_loop3A_653 : i32 to index
        %parallel_loop3A_655 = arith.index_cast %parallel_loop3A_605 : i32 to index
        %parallel_loop3A_656 = tpu.vector_load %arg5[%parallel_loop3A_654, %parallel_loop3A_655] {strides = array<i32>} : memref<64x1024xf32, #tpu.memory_space<vmem>>, vector<1x16xf32>,
        %parallel_loop3A_657 = vector.shape_cast %parallel_loop3A_656 : vector<1x16xf32> to vector<16xf32>
        %parallel_loop3A_658 = arith.subf %parallel_loop3A_657, %parallel_loop3A_643 : vector<16xf32>
        %parallel_loop3A_659 = arith.mulf %get3A_36, %parallel_loop3A_658 : vector<16xf32>
        %parallel_loop3A_660 = arith.addf %parallel_loop3A_643, %parallel_loop3A_659 : vector<16xf32>
        %parallel_loop3A_661 = arith.constant 35 : i32
        %parallel_loop3A_662 = arith.index_cast %parallel_loop3A_661 : i32 to index
        %parallel_loop3A_663 = arith.index_cast %parallel_loop3A_605 : i32 to index
        %parallel_loop3A_664 = tpu.vector_load %arg5[%parallel_loop3A_662, %parallel_loop3A_663] {strides = array<i32>} : memref<64x1024xf32, #tpu.memory_space<vmem>>, vector<1x16xf32>,
        %parallel_loop3A_665 = vector.shape_cast %parallel_loop3A_664 : vector<1x16xf32> to vector<16xf32>
        %parallel_loop3A_666 = vector.shape_cast %parallel_loop3A_660 : vector<16xf32> to vector<1x16xf32>
        tpu.vector_store %arg5[%parallel_loop3A_662, %parallel_loop3A_663], %parallel_loop3A_666 {strides = array<i32>} : memref<64x1024xf32, #tpu.memory_space<vmem>>, vector<1x16xf32>,
        %parallel_loop3A_667 = arith.constant 37 : i32
        %parallel_loop3A_668 = arith.index_cast %parallel_loop3A_667 : i32 to index
        %parallel_loop3A_669 = arith.index_cast %parallel_loop3A_605 : i32 to index
        %parallel_loop3A_670 = tpu.vector_load %arg5[%parallel_loop3A_668, %parallel_loop3A_669] {strides = array<i32>} : memref<64x1024xf32, #tpu.memory_space<vmem>>, vector<1x16xf32>,
        %parallel_loop3A_671 = vector.shape_cast %parallel_loop3A_670 : vector<1x16xf32> to vector<16xf32>
        %parallel_loop3A_672 = arith.subf %parallel_loop3A_671, %parallel_loop3A_657 : vector<16xf32>
        %parallel_loop3A_673 = arith.mulf %get3A_36, %parallel_loop3A_672 : vector<16xf32>
        %parallel_loop3A_674 = arith.addf %parallel_loop3A_657, %parallel_loop3A_673 : vector<16xf32>
        %parallel_loop3A_675 = arith.constant 36 : i32
        %parallel_loop3A_676 = arith.index_cast %parallel_loop3A_675 : i32 to index
        %parallel_loop3A_677 = arith.index_cast %parallel_loop3A_605 : i32 to index
        %parallel_loop3A_678 = tpu.vector_load %arg5[%parallel_loop3A_676, %parallel_loop3A_677] {strides = array<i32>} : memref<64x1024xf32, #tpu.memory_space<vmem>>, vector<1x16xf32>,
        %parallel_loop3A_679 = vector.shape_cast %parallel_loop3A_678 : vector<1x16xf32> to vector<16xf32>
        %parallel_loop3A_680 = vector.shape_cast %parallel_loop3A_674 : vector<16xf32> to vector<1x16xf32>
        tpu.vector_store %arg5[%parallel_loop3A_676, %parallel_loop3A_677], %parallel_loop3A_680 {strides = array<i32>} : memref<64x1024xf32, #tpu.memory_space<vmem>>, vector<1x16xf32>,
        %parallel_loop3A_681 = arith.constant 38 : i32
        %parallel_loop3A_682 = arith.index_cast %parallel_loop3A_681 : i32 to index
        %parallel_loop3A_683 = arith.index_cast %parallel_loop3A_605 : i32 to index
        %parallel_loop3A_684 = tpu.vector_load %arg5[%parallel_loop3A_682, %parallel_loop3A_683] {strides = array<i32>} : memref<64x1024xf32, #tpu.memory_space<vmem>>, vector<1x16xf32>,
        %parallel_loop3A_685 = vector.shape_cast %parallel_loop3A_684 : vector<1x16xf32> to vector<16xf32>
        %parallel_loop3A_686 = arith.subf %parallel_loop3A_685, %parallel_loop3A_671 : vector<16xf32>
        %parallel_loop3A_687 = arith.mulf %get3A_36, %parallel_loop3A_686 : vector<16xf32>
        %parallel_loop3A_688 = arith.addf %parallel_loop3A_671, %parallel_loop3A_687 : vector<16xf32>
        %parallel_loop3A_689 = arith.constant 37 : i32
        %parallel_loop3A_690 = arith.index_cast %parallel_loop3A_689 : i32 to index
        %parallel_loop3A_691 = arith.index_cast %parallel_loop3A_605 : i32 to index
        %parallel_loop3A_692 = tpu.vector_load %arg5[%parallel_loop3A_690, %parallel_loop3A_691] {strides = array<i32>} : memref<64x1024xf32, #tpu.memory_space<vmem>>, vector<1x16xf32>,
        %parallel_loop3A_693 = vector.shape_cast %parallel_loop3A_692 : vector<1x16xf32> to vector<16xf32>
        %parallel_loop3A_694 = vector.shape_cast %parallel_loop3A_688 : vector<16xf32> to vector<1x16xf32>
        tpu.vector_store %arg5[%parallel_loop3A_690, %parallel_loop3A_691], %parallel_loop3A_694 {strides = array<i32>} : memref<64x1024xf32, #tpu.memory_space<vmem>>, vector<1x16xf32>,
        %parallel_loop3A_695 = arith.constant 39 : i32
        %parallel_loop3A_696 = arith.index_cast %parallel_loop3A_695 : i32 to index
        %parallel_loop3A_697 = arith.index_cast %parallel_loop3A_605 : i32 to index
        %parallel_loop3A_698 = tpu.vector_load %arg5[%parallel_loop3A_696, %parallel_loop3A_697] {strides = array<i32>} : memref<64x1024xf32, #tpu.memory_space<vmem>>, vector<1x16xf32>,
        %parallel_loop3A_699 = vector.shape_cast %parallel_loop3A_698 : vector<1x16xf32> to vector<16xf32>
        %parallel_loop3A_700 = arith.subf %parallel_loop3A_699, %parallel_loop3A_685 : vector<16xf32>
        %parallel_loop3A_701 = arith.mulf %get3A_36, %parallel_loop3A_700 : vector<16xf32>
        %parallel_loop3A_702 = arith.addf %parallel_loop3A_685, %parallel_loop3A_701 : vector<16xf32>
        %parallel_loop3A_703 = arith.constant 38 : i32
        %parallel_loop3A_704 = arith.index_cast %parallel_loop3A_703 : i32 to index
        %parallel_loop3A_705 = arith.index_cast %parallel_loop3A_605 : i32 to index
        %parallel_loop3A_706 = tpu.vector_load %arg5[%parallel_loop3A_704, %parallel_loop3A_705] {strides = array<i32>} : memref<64x1024xf32, #tpu.memory_space<vmem>>, vector<1x16xf32>,
        %parallel_loop3A_707 = vector.shape_cast %parallel_loop3A_706 : vector<1x16xf32> to vector<16xf32>
        %parallel_loop3A_708 = vector.shape_cast %parallel_loop3A_702 : vector<16xf32> to vector<1x16xf32>
        tpu.vector_store %arg5[%parallel_loop3A_704, %parallel_loop3A_705], %parallel_loop3A_708 {strides = array<i32>} : memref<64x1024xf32, #tpu.memory_space<vmem>>, vector<1x16xf32>,
        %parallel_loop3A_709 = arith.constant 40 : i32
        %parallel_loop3A_710 = arith.index_cast %parallel_loop3A_709 : i32 to index
        %parallel_loop3A_711 = arith.index_cast %parallel_loop3A_605 : i32 to index
        %parallel_loop3A_712 = tpu.vector_load %arg5[%parallel_loop3A_710, %parallel_loop3A_711] {strides = array<i32>} : memref<64x1024xf32, #tpu.memory_space<vmem>>, vector<1x16xf32>,
        %parallel_loop3A_713 = vector.shape_cast %parallel_loop3A_712 : vector<1x16xf32> to vector<16xf32>
        %parallel_loop3A_714 = arith.subf %parallel_loop3A_713, %parallel_loop3A_699 : vector<16xf32>
        %parallel_loop3A_715 = arith.mulf %get3A_36, %parallel_loop3A_714 : vector<16xf32>
        %parallel_loop3A_716 = arith.addf %parallel_loop3A_699, %parallel_loop3A_715 : vector<16xf32>
        %parallel_loop3A_717 = arith.constant 39 : i32
        %parallel_loop3A_718 = arith.index_cast %parallel_loop3A_717 : i32 to index
        %parallel_loop3A_719 = arith.index_cast %parallel_loop3A_605 : i32 to index
        %parallel_loop3A_720 = tpu.vector_load %arg5[%parallel_loop3A_718, %parallel_loop3A_719] {strides = array<i32>} : memref<64x1024xf32, #tpu.memory_space<vmem>>, vector<1x16xf32>,
        %parallel_loop3A_721 = vector.shape_cast %parallel_loop3A_720 : vector<1x16xf32> to vector<16xf32>
        %parallel_loop3A_722 = vector.shape_cast %parallel_loop3A_716 : vector<16xf32> to vector<1x16xf32>
        tpu.vector_store %arg5[%parallel_loop3A_718, %parallel_loop3A_719], %parallel_loop3A_722 {strides = array<i32>} : memref<64x1024xf32, #tpu.memory_space<vmem>>, vector<1x16xf32>,
      } {sc.loop_unroll_factor = 1 : i64, sc.parallel_access}
      %mul3A_471 = arith.constant 8 : i32
      %mul3A_472 = arith.muli %add3A_448, %mul3A_471 : i32
      %add3A_473 = arith.addi %mul3A_32, %mul3A_472 : i32
      %dma_start3A_474 = arith.constant 32 : i32
      %dma_start3A_475 = arith.constant 0 : i32
      %dma_start3A_476 = tpu.memref_slice %arg5[%dma_start3A_474, %dma_start3A_475] : memref<64x1024xf32, #tpu.memory_space<vmem>> -> memref<8x1024xf32, #tpu.memory_space<vmem>>
      %dma_start3A_477 = arith.constant 0 : i32
      %dma_start3A_478 = tpu.memref_slice %arg4[%select_n3A, %add3A_473, %dma_start3A_477] : memref<4x8192x1024xf32, #tpu.memory_space<hbm>> -> memref<1x8x1024xf32, #tpu.memory_space<hbm>>
      %dma_start3A_479 = tpu.memref_squeeze %dma_start3A_478 : memref<1x8x1024xf32, #tpu.memory_space<hbm>> -> memref<8x1024xf32, #tpu.memory_space<hbm>>
      %dma_start3A_480 = arith.constant 0 : i32
      %dma_start3A_481 = tpu.memref_slice %arg4[%select_n3A, %add3A_473, %dma_start3A_480] : memref<4x8192x1024xf32, #tpu.memory_space<hbm>> -> memref<1x8x1024xf32, #tpu.memory_space<hbm>>
      %dma_start3A_482 = tpu.memref_squeeze %dma_start3A_481 : memref<1x8x1024xf32, #tpu.memory_space<hbm>> -> memref<8x1024xf32, #tpu.memory_space<hbm>>
      %dma_start3A_483 = arith.constant 32 : i32
      %dma_start3A_484 = arith.constant 0 : i32
      %dma_start3A_485 = tpu.memref_slice %arg5[%dma_start3A_483, %dma_start3A_484] : memref<64x1024xf32, #tpu.memory_space<vmem>> -> memref<8x1024xf32, #tpu.memory_space<vmem>>
      tpu.enqueue_dma source(%dma_start3A_485 : memref<8x1024xf32, #tpu.memory_space<vmem>>) target(%dma_start3A_482 : memref<8x1024xf32, #tpu.memory_space<hbm>>) target_semaphore(%arg20 : memref<!tpu.dma_semaphore, #tpu.memory_space<semaphore_mem>>)
      %mul3A_486 = arith.constant 8 : i32
      %mul3A_487 = arith.muli %mul3A_486, %scan3A_216 : i32
      %add3A_488 = arith.constant 5 : i32
      %add3A_489 = arith.addi %mul3A_487, %add3A_488 : i32
      %lt3A_490 = arith.constant 15 : i32
      %lt3A_491 = arith.cmpi slt, %scan3A_216, %lt3A_490 : i32
      %convert_element_type3A_492 = arith.extui %lt3A_491 : i1 to i32
      %cond3A_493 = arith.constant 0 : i32
      %cond3A_494 = arith.cmpi ne, %convert_element_type3A_492, %cond3A_493 : i32
      scf.if %cond3A_494 {
        %dma_wait3A_605 = arith.constant 8 : i32
        %dma_wait3A_606 = arith.constant 0 : i32
        %dma_wait3A_607 = tpu.memref_slice %arg5[%dma_wait3A_605, %dma_wait3A_606] : memref<64x1024xf32, #tpu.memory_space<vmem>> -> memref<8x1024xf32, #tpu.memory_space<vmem>>
        %dma_wait3A_608 = arith.constant 0 : i32
        %dma_wait3A_609 = arith.constant 0 : i32
        %dma_wait3A_610 = tpu.memref_slice %arg4[%select_n3A, %dma_wait3A_608, %dma_wait3A_609] : memref<4x8192x1024xf32, #tpu.memory_space<hbm>> -> memref<1x8x1024xf32, #tpu.memory_space<hbm>>
        %dma_wait3A_611 = tpu.memref_squeeze %dma_wait3A_610 : memref<1x8x1024xf32, #tpu.memory_space<hbm>> -> memref<8x1024xf32, #tpu.memory_space<hbm>>
        %dma_wait3A_612 = arith.constant 0 : i32
        %dma_wait3A_613 = arith.constant 0 : i32
        %dma_wait3A_614 = tpu.memref_slice %arg4[%select_n3A, %dma_wait3A_612, %dma_wait3A_613] : memref<4x8192x1024xf32, #tpu.memory_space<hbm>> -> memref<1x8x1024xf32, #tpu.memory_space<hbm>>
        %dma_wait3A_615 = tpu.memref_squeeze %dma_wait3A_614 : memref<1x8x1024xf32, #tpu.memory_space<hbm>> -> memref<8x1024xf32, #tpu.memory_space<hbm>>
        %dma_wait3A_616 = arith.constant 8 : i32
        %dma_wait3A_617 = arith.constant 0 : i32
        %dma_wait3A_618 = tpu.memref_slice %arg5[%dma_wait3A_616, %dma_wait3A_617] : memref<64x1024xf32, #tpu.memory_space<vmem>> -> memref<8x1024xf32, #tpu.memory_space<vmem>>
        tpu.wait_dma2 semaphore(%arg17 : memref<!tpu.dma_semaphore, #tpu.memory_space<semaphore_mem>>) src(%dma_wait3A_618 : memref<8x1024xf32, #tpu.memory_space<vmem>>) dst(%dma_wait3A_615 : memref<8x1024xf32, #tpu.memory_space<hbm>>)
        %add3A_619 = arith.constant 4 : i32
        %add3A_620 = arith.addi %add3A_489, %add3A_619 : i32
        %mul3A_621 = arith.constant 8 : i32
        %mul3A_622 = arith.muli %add3A_620, %mul3A_621 : i32
        %add3A_623 = arith.addi %mul3A_32, %mul3A_622 : i32
        %dma_start3A_624 = arith.constant 8 : i32
        %dma_start3A_625 = arith.constant 0 : i32
        %dma_start3A_626 = tpu.memref_slice %arg5[%dma_start3A_624, %dma_start3A_625] : memref<64x1024xf32, #tpu.memory_space<vmem>> -> memref<8x1024xf32, #tpu.memory_space<vmem>>
        %dma_start3A_627 = arith.constant 0 : i32
        %dma_start3A_628 = tpu.memref_slice %arg2[%select_n3A, %add3A_623, %dma_start3A_627] : memref<4x8192x1024xf32, #tpu.memory_space<hbm>> -> memref<1x8x1024xf32, #tpu.memory_space<hbm>>
        %dma_start3A_629 = tpu.memref_squeeze %dma_start3A_628 : memref<1x8x1024xf32, #tpu.memory_space<hbm>> -> memref<8x1024xf32, #tpu.memory_space<hbm>>
        %dma_start3A_630 = arith.constant 8 : i32
        %dma_start3A_631 = arith.constant 0 : i32
        %dma_start3A_632 = tpu.memref_slice %arg5[%dma_start3A_630, %dma_start3A_631] : memref<64x1024xf32, #tpu.memory_space<vmem>> -> memref<8x1024xf32, #tpu.memory_space<vmem>>
        %dma_start3A_633 = arith.constant 0 : i32
        %dma_start3A_634 = tpu.memref_slice %arg2[%select_n3A, %add3A_623, %dma_start3A_633] : memref<4x8192x1024xf32, #tpu.memory_space<hbm>> -> memref<1x8x1024xf32, #tpu.memory_space<hbm>>
        %dma_start3A_635 = tpu.memref_squeeze %dma_start3A_634 : memref<1x8x1024xf32, #tpu.memory_space<hbm>> -> memref<8x1024xf32, #tpu.memory_space<hbm>>
        tpu.enqueue_dma source(%dma_start3A_635 : memref<8x1024xf32, #tpu.memory_space<hbm>>) target(%dma_start3A_632 : memref<8x1024xf32, #tpu.memory_space<vmem>>) target_semaphore(%arg9 : memref<!tpu.dma_semaphore, #tpu.memory_space<semaphore_mem>>)
      } else {
      }
      %dma_wait3A_495 = arith.constant 48 : i32
      %dma_wait3A_496 = arith.constant 0 : i32
      %dma_wait3A_497 = tpu.memref_slice %arg5[%dma_wait3A_495, %dma_wait3A_496] : memref<64x1024xf32, #tpu.memory_space<vmem>> -> memref<8x1024xf32, #tpu.memory_space<vmem>>
      %dma_wait3A_498 = arith.constant 0 : i32
      %dma_wait3A_499 = arith.constant 0 : i32
      %dma_wait3A_500 = tpu.memref_slice %arg2[%select_n3A, %dma_wait3A_498, %dma_wait3A_499] : memref<4x8192x1024xf32, #tpu.memory_space<hbm>> -> memref<1x8x1024xf32, #tpu.memory_space<hbm>>
      %dma_wait3A_501 = tpu.memref_squeeze %dma_wait3A_500 : memref<1x8x1024xf32, #tpu.memory_space<hbm>> -> memref<8x1024xf32, #tpu.memory_space<hbm>>
      %dma_wait3A_502 = arith.constant 48 : i32
      %dma_wait3A_503 = arith.constant 0 : i32
      %dma_wait3A_504 = tpu.memref_slice %arg5[%dma_wait3A_502, %dma_wait3A_503] : memref<64x1024xf32, #tpu.memory_space<vmem>> -> memref<8x1024xf32, #tpu.memory_space<vmem>>
      %dma_wait3A_505 = arith.constant 0 : i32
      %dma_wait3A_506 = arith.constant 0 : i32
      %dma_wait3A_507 = tpu.memref_slice %arg2[%select_n3A, %dma_wait3A_505, %dma_wait3A_506] : memref<4x8192x1024xf32, #tpu.memory_space<hbm>> -> memref<1x8x1024xf32, #tpu.memory_space<hbm>>
      %dma_wait3A_508 = tpu.memref_squeeze %dma_wait3A_507 : memref<1x8x1024xf32, #tpu.memory_space<hbm>> -> memref<8x1024xf32, #tpu.memory_space<hbm>>
      tpu.wait_dma2 semaphore(%arg14 : memref<!tpu.dma_semaphore, #tpu.memory_space<semaphore_mem>>) src(%dma_wait3A_508 : memref<8x1024xf32, #tpu.memory_space<hbm>>) dst(%dma_wait3A_504 : memref<8x1024xf32, #tpu.memory_space<vmem>>)
      %parallel_loop3A_509 = arith.constant 0 : i32
      %parallel_loop3A_510 = arith.constant 1024 : i32
      %parallel_loop3A_511 = arith.constant 16 : i32
      scf.for %parallel_loop3A_605 = %parallel_loop3A_509 to %parallel_loop3A_510 step %parallel_loop3A_511  : i32 {
        %parallel_loop3A_606 = arith.constant 40 : i32
        %parallel_loop3A_607 = arith.index_cast %parallel_loop3A_606 : i32 to index
        %parallel_loop3A_608 = arith.index_cast %parallel_loop3A_605 : i32 to index
        %parallel_loop3A_609 = tpu.vector_load %arg5[%parallel_loop3A_607, %parallel_loop3A_608] {strides = array<i32>} : memref<64x1024xf32, #tpu.memory_space<vmem>>, vector<1x16xf32>,
        %parallel_loop3A_610 = vector.shape_cast %parallel_loop3A_609 : vector<1x16xf32> to vector<16xf32>
        %parallel_loop3A_611 = arith.constant 41 : i32
        %parallel_loop3A_612 = arith.index_cast %parallel_loop3A_611 : i32 to index
        %parallel_loop3A_613 = arith.index_cast %parallel_loop3A_605 : i32 to index
        %parallel_loop3A_614 = tpu.vector_load %arg5[%parallel_loop3A_612, %parallel_loop3A_613] {strides = array<i32>} : memref<64x1024xf32, #tpu.memory_space<vmem>>, vector<1x16xf32>,
        %parallel_loop3A_615 = vector.shape_cast %parallel_loop3A_614 : vector<1x16xf32> to vector<16xf32>
        %parallel_loop3A_616 = arith.subf %parallel_loop3A_615, %parallel_loop3A_610 : vector<16xf32>
        %parallel_loop3A_617 = arith.mulf %get3A_36, %parallel_loop3A_616 : vector<16xf32>
        %parallel_loop3A_618 = arith.addf %parallel_loop3A_610, %parallel_loop3A_617 : vector<16xf32>
        %parallel_loop3A_619 = arith.constant 40 : i32
        %parallel_loop3A_620 = arith.index_cast %parallel_loop3A_619 : i32 to index
        %parallel_loop3A_621 = arith.index_cast %parallel_loop3A_605 : i32 to index
        %parallel_loop3A_622 = tpu.vector_load %arg5[%parallel_loop3A_620, %parallel_loop3A_621] {strides = array<i32>} : memref<64x1024xf32, #tpu.memory_space<vmem>>, vector<1x16xf32>,
        %parallel_loop3A_623 = vector.shape_cast %parallel_loop3A_622 : vector<1x16xf32> to vector<16xf32>
        %parallel_loop3A_624 = vector.shape_cast %parallel_loop3A_618 : vector<16xf32> to vector<1x16xf32>
        tpu.vector_store %arg5[%parallel_loop3A_620, %parallel_loop3A_621], %parallel_loop3A_624 {strides = array<i32>} : memref<64x1024xf32, #tpu.memory_space<vmem>>, vector<1x16xf32>,
        %parallel_loop3A_625 = arith.constant 42 : i32
        %parallel_loop3A_626 = arith.index_cast %parallel_loop3A_625 : i32 to index
        %parallel_loop3A_627 = arith.index_cast %parallel_loop3A_605 : i32 to index
        %parallel_loop3A_628 = tpu.vector_load %arg5[%parallel_loop3A_626, %parallel_loop3A_627] {strides = array<i32>} : memref<64x1024xf32, #tpu.memory_space<vmem>>, vector<1x16xf32>,
        %parallel_loop3A_629 = vector.shape_cast %parallel_loop3A_628 : vector<1x16xf32> to vector<16xf32>
        %parallel_loop3A_630 = arith.subf %parallel_loop3A_629, %parallel_loop3A_615 : vector<16xf32>
        %parallel_loop3A_631 = arith.mulf %get3A_36, %parallel_loop3A_630 : vector<16xf32>
        %parallel_loop3A_632 = arith.addf %parallel_loop3A_615, %parallel_loop3A_631 : vector<16xf32>
        %parallel_loop3A_633 = arith.constant 41 : i32
        %parallel_loop3A_634 = arith.index_cast %parallel_loop3A_633 : i32 to index
        %parallel_loop3A_635 = arith.index_cast %parallel_loop3A_605 : i32 to index
        %parallel_loop3A_636 = tpu.vector_load %arg5[%parallel_loop3A_634, %parallel_loop3A_635] {strides = array<i32>} : memref<64x1024xf32, #tpu.memory_space<vmem>>, vector<1x16xf32>,
        %parallel_loop3A_637 = vector.shape_cast %parallel_loop3A_636 : vector<1x16xf32> to vector<16xf32>
        %parallel_loop3A_638 = vector.shape_cast %parallel_loop3A_632 : vector<16xf32> to vector<1x16xf32>
        tpu.vector_store %arg5[%parallel_loop3A_634, %parallel_loop3A_635], %parallel_loop3A_638 {strides = array<i32>} : memref<64x1024xf32, #tpu.memory_space<vmem>>, vector<1x16xf32>,
        %parallel_loop3A_639 = arith.constant 43 : i32
        %parallel_loop3A_640 = arith.index_cast %parallel_loop3A_639 : i32 to index
        %parallel_loop3A_641 = arith.index_cast %parallel_loop3A_605 : i32 to index
        %parallel_loop3A_642 = tpu.vector_load %arg5[%parallel_loop3A_640, %parallel_loop3A_641] {strides = array<i32>} : memref<64x1024xf32, #tpu.memory_space<vmem>>, vector<1x16xf32>,
        %parallel_loop3A_643 = vector.shape_cast %parallel_loop3A_642 : vector<1x16xf32> to vector<16xf32>
        %parallel_loop3A_644 = arith.subf %parallel_loop3A_643, %parallel_loop3A_629 : vector<16xf32>
        %parallel_loop3A_645 = arith.mulf %get3A_36, %parallel_loop3A_644 : vector<16xf32>
        %parallel_loop3A_646 = arith.addf %parallel_loop3A_629, %parallel_loop3A_645 : vector<16xf32>
        %parallel_loop3A_647 = arith.constant 42 : i32
        %parallel_loop3A_648 = arith.index_cast %parallel_loop3A_647 : i32 to index
        %parallel_loop3A_649 = arith.index_cast %parallel_loop3A_605 : i32 to index
        %parallel_loop3A_650 = tpu.vector_load %arg5[%parallel_loop3A_648, %parallel_loop3A_649] {strides = array<i32>} : memref<64x1024xf32, #tpu.memory_space<vmem>>, vector<1x16xf32>,
        %parallel_loop3A_651 = vector.shape_cast %parallel_loop3A_650 : vector<1x16xf32> to vector<16xf32>
        %parallel_loop3A_652 = vector.shape_cast %parallel_loop3A_646 : vector<16xf32> to vector<1x16xf32>
        tpu.vector_store %arg5[%parallel_loop3A_648, %parallel_loop3A_649], %parallel_loop3A_652 {strides = array<i32>} : memref<64x1024xf32, #tpu.memory_space<vmem>>, vector<1x16xf32>,
        %parallel_loop3A_653 = arith.constant 44 : i32
        %parallel_loop3A_654 = arith.index_cast %parallel_loop3A_653 : i32 to index
        %parallel_loop3A_655 = arith.index_cast %parallel_loop3A_605 : i32 to index
        %parallel_loop3A_656 = tpu.vector_load %arg5[%parallel_loop3A_654, %parallel_loop3A_655] {strides = array<i32>} : memref<64x1024xf32, #tpu.memory_space<vmem>>, vector<1x16xf32>,
        %parallel_loop3A_657 = vector.shape_cast %parallel_loop3A_656 : vector<1x16xf32> to vector<16xf32>
        %parallel_loop3A_658 = arith.subf %parallel_loop3A_657, %parallel_loop3A_643 : vector<16xf32>
        %parallel_loop3A_659 = arith.mulf %get3A_36, %parallel_loop3A_658 : vector<16xf32>
        %parallel_loop3A_660 = arith.addf %parallel_loop3A_643, %parallel_loop3A_659 : vector<16xf32>
        %parallel_loop3A_661 = arith.constant 43 : i32
        %parallel_loop3A_662 = arith.index_cast %parallel_loop3A_661 : i32 to index
        %parallel_loop3A_663 = arith.index_cast %parallel_loop3A_605 : i32 to index
        %parallel_loop3A_664 = tpu.vector_load %arg5[%parallel_loop3A_662, %parallel_loop3A_663] {strides = array<i32>} : memref<64x1024xf32, #tpu.memory_space<vmem>>, vector<1x16xf32>,
        %parallel_loop3A_665 = vector.shape_cast %parallel_loop3A_664 : vector<1x16xf32> to vector<16xf32>
        %parallel_loop3A_666 = vector.shape_cast %parallel_loop3A_660 : vector<16xf32> to vector<1x16xf32>
        tpu.vector_store %arg5[%parallel_loop3A_662, %parallel_loop3A_663], %parallel_loop3A_666 {strides = array<i32>} : memref<64x1024xf32, #tpu.memory_space<vmem>>, vector<1x16xf32>,
        %parallel_loop3A_667 = arith.constant 45 : i32
        %parallel_loop3A_668 = arith.index_cast %parallel_loop3A_667 : i32 to index
        %parallel_loop3A_669 = arith.index_cast %parallel_loop3A_605 : i32 to index
        %parallel_loop3A_670 = tpu.vector_load %arg5[%parallel_loop3A_668, %parallel_loop3A_669] {strides = array<i32>} : memref<64x1024xf32, #tpu.memory_space<vmem>>, vector<1x16xf32>,
        %parallel_loop3A_671 = vector.shape_cast %parallel_loop3A_670 : vector<1x16xf32> to vector<16xf32>
        %parallel_loop3A_672 = arith.subf %parallel_loop3A_671, %parallel_loop3A_657 : vector<16xf32>
        %parallel_loop3A_673 = arith.mulf %get3A_36, %parallel_loop3A_672 : vector<16xf32>
        %parallel_loop3A_674 = arith.addf %parallel_loop3A_657, %parallel_loop3A_673 : vector<16xf32>
        %parallel_loop3A_675 = arith.constant 44 : i32
        %parallel_loop3A_676 = arith.index_cast %parallel_loop3A_675 : i32 to index
        %parallel_loop3A_677 = arith.index_cast %parallel_loop3A_605 : i32 to index
        %parallel_loop3A_678 = tpu.vector_load %arg5[%parallel_loop3A_676, %parallel_loop3A_677] {strides = array<i32>} : memref<64x1024xf32, #tpu.memory_space<vmem>>, vector<1x16xf32>,
        %parallel_loop3A_679 = vector.shape_cast %parallel_loop3A_678 : vector<1x16xf32> to vector<16xf32>
        %parallel_loop3A_680 = vector.shape_cast %parallel_loop3A_674 : vector<16xf32> to vector<1x16xf32>
        tpu.vector_store %arg5[%parallel_loop3A_676, %parallel_loop3A_677], %parallel_loop3A_680 {strides = array<i32>} : memref<64x1024xf32, #tpu.memory_space<vmem>>, vector<1x16xf32>,
        %parallel_loop3A_681 = arith.constant 46 : i32
        %parallel_loop3A_682 = arith.index_cast %parallel_loop3A_681 : i32 to index
        %parallel_loop3A_683 = arith.index_cast %parallel_loop3A_605 : i32 to index
        %parallel_loop3A_684 = tpu.vector_load %arg5[%parallel_loop3A_682, %parallel_loop3A_683] {strides = array<i32>} : memref<64x1024xf32, #tpu.memory_space<vmem>>, vector<1x16xf32>,
        %parallel_loop3A_685 = vector.shape_cast %parallel_loop3A_684 : vector<1x16xf32> to vector<16xf32>
        %parallel_loop3A_686 = arith.subf %parallel_loop3A_685, %parallel_loop3A_671 : vector<16xf32>
        %parallel_loop3A_687 = arith.mulf %get3A_36, %parallel_loop3A_686 : vector<16xf32>
        %parallel_loop3A_688 = arith.addf %parallel_loop3A_671, %parallel_loop3A_687 : vector<16xf32>
        %parallel_loop3A_689 = arith.constant 45 : i32
        %parallel_loop3A_690 = arith.index_cast %parallel_loop3A_689 : i32 to index
        %parallel_loop3A_691 = arith.index_cast %parallel_loop3A_605 : i32 to index
        %parallel_loop3A_692 = tpu.vector_load %arg5[%parallel_loop3A_690, %parallel_loop3A_691] {strides = array<i32>} : memref<64x1024xf32, #tpu.memory_space<vmem>>, vector<1x16xf32>,
        %parallel_loop3A_693 = vector.shape_cast %parallel_loop3A_692 : vector<1x16xf32> to vector<16xf32>
        %parallel_loop3A_694 = vector.shape_cast %parallel_loop3A_688 : vector<16xf32> to vector<1x16xf32>
        tpu.vector_store %arg5[%parallel_loop3A_690, %parallel_loop3A_691], %parallel_loop3A_694 {strides = array<i32>} : memref<64x1024xf32, #tpu.memory_space<vmem>>, vector<1x16xf32>,
        %parallel_loop3A_695 = arith.constant 47 : i32
        %parallel_loop3A_696 = arith.index_cast %parallel_loop3A_695 : i32 to index
        %parallel_loop3A_697 = arith.index_cast %parallel_loop3A_605 : i32 to index
        %parallel_loop3A_698 = tpu.vector_load %arg5[%parallel_loop3A_696, %parallel_loop3A_697] {strides = array<i32>} : memref<64x1024xf32, #tpu.memory_space<vmem>>, vector<1x16xf32>,
        %parallel_loop3A_699 = vector.shape_cast %parallel_loop3A_698 : vector<1x16xf32> to vector<16xf32>
        %parallel_loop3A_700 = arith.subf %parallel_loop3A_699, %parallel_loop3A_685 : vector<16xf32>
        %parallel_loop3A_701 = arith.mulf %get3A_36, %parallel_loop3A_700 : vector<16xf32>
        %parallel_loop3A_702 = arith.addf %parallel_loop3A_685, %parallel_loop3A_701 : vector<16xf32>
        %parallel_loop3A_703 = arith.constant 46 : i32
        %parallel_loop3A_704 = arith.index_cast %parallel_loop3A_703 : i32 to index
        %parallel_loop3A_705 = arith.index_cast %parallel_loop3A_605 : i32 to index
        %parallel_loop3A_706 = tpu.vector_load %arg5[%parallel_loop3A_704, %parallel_loop3A_705] {strides = array<i32>} : memref<64x1024xf32, #tpu.memory_space<vmem>>, vector<1x16xf32>,
        %parallel_loop3A_707 = vector.shape_cast %parallel_loop3A_706 : vector<1x16xf32> to vector<16xf32>
        %parallel_loop3A_708 = vector.shape_cast %parallel_loop3A_702 : vector<16xf32> to vector<1x16xf32>
        tpu.vector_store %arg5[%parallel_loop3A_704, %parallel_loop3A_705], %parallel_loop3A_708 {strides = array<i32>} : memref<64x1024xf32, #tpu.memory_space<vmem>>, vector<1x16xf32>,
        %parallel_loop3A_709 = arith.constant 48 : i32
        %parallel_loop3A_710 = arith.index_cast %parallel_loop3A_709 : i32 to index
        %parallel_loop3A_711 = arith.index_cast %parallel_loop3A_605 : i32 to index
        %parallel_loop3A_712 = tpu.vector_load %arg5[%parallel_loop3A_710, %parallel_loop3A_711] {strides = array<i32>} : memref<64x1024xf32, #tpu.memory_space<vmem>>, vector<1x16xf32>,
        %parallel_loop3A_713 = vector.shape_cast %parallel_loop3A_712 : vector<1x16xf32> to vector<16xf32>
        %parallel_loop3A_714 = arith.subf %parallel_loop3A_713, %parallel_loop3A_699 : vector<16xf32>
        %parallel_loop3A_715 = arith.mulf %get3A_36, %parallel_loop3A_714 : vector<16xf32>
        %parallel_loop3A_716 = arith.addf %parallel_loop3A_699, %parallel_loop3A_715 : vector<16xf32>
        %parallel_loop3A_717 = arith.constant 47 : i32
        %parallel_loop3A_718 = arith.index_cast %parallel_loop3A_717 : i32 to index
        %parallel_loop3A_719 = arith.index_cast %parallel_loop3A_605 : i32 to index
        %parallel_loop3A_720 = tpu.vector_load %arg5[%parallel_loop3A_718, %parallel_loop3A_719] {strides = array<i32>} : memref<64x1024xf32, #tpu.memory_space<vmem>>, vector<1x16xf32>,
        %parallel_loop3A_721 = vector.shape_cast %parallel_loop3A_720 : vector<1x16xf32> to vector<16xf32>
        %parallel_loop3A_722 = vector.shape_cast %parallel_loop3A_716 : vector<16xf32> to vector<1x16xf32>
        tpu.vector_store %arg5[%parallel_loop3A_718, %parallel_loop3A_719], %parallel_loop3A_722 {strides = array<i32>} : memref<64x1024xf32, #tpu.memory_space<vmem>>, vector<1x16xf32>,
      } {sc.loop_unroll_factor = 1 : i64, sc.parallel_access}
      %mul3A_512 = arith.constant 8 : i32
      %mul3A_513 = arith.muli %add3A_489, %mul3A_512 : i32
      %add3A_514 = arith.addi %mul3A_32, %mul3A_513 : i32
      %dma_start3A_515 = arith.constant 40 : i32
      %dma_start3A_516 = arith.constant 0 : i32
      %dma_start3A_517 = tpu.memref_slice %arg5[%dma_start3A_515, %dma_start3A_516] : memref<64x1024xf32, #tpu.memory_space<vmem>> -> memref<8x1024xf32, #tpu.memory_space<vmem>>
      %dma_start3A_518 = arith.constant 0 : i32
      %dma_start3A_519 = tpu.memref_slice %arg4[%select_n3A, %add3A_514, %dma_start3A_518] : memref<4x8192x1024xf32, #tpu.memory_space<hbm>> -> memref<1x8x1024xf32, #tpu.memory_space<hbm>>
      %dma_start3A_520 = tpu.memref_squeeze %dma_start3A_519 : memref<1x8x1024xf32, #tpu.memory_space<hbm>> -> memref<8x1024xf32, #tpu.memory_space<hbm>>
      %dma_start3A_521 = arith.constant 0 : i32
      %dma_start3A_522 = tpu.memref_slice %arg4[%select_n3A, %add3A_514, %dma_start3A_521] : memref<4x8192x1024xf32, #tpu.memory_space<hbm>> -> memref<1x8x1024xf32, #tpu.memory_space<hbm>>
      %dma_start3A_523 = tpu.memref_squeeze %dma_start3A_522 : memref<1x8x1024xf32, #tpu.memory_space<hbm>> -> memref<8x1024xf32, #tpu.memory_space<hbm>>
      %dma_start3A_524 = arith.constant 40 : i32
      %dma_start3A_525 = arith.constant 0 : i32
      %dma_start3A_526 = tpu.memref_slice %arg5[%dma_start3A_524, %dma_start3A_525] : memref<64x1024xf32, #tpu.memory_space<vmem>> -> memref<8x1024xf32, #tpu.memory_space<vmem>>
      tpu.enqueue_dma source(%dma_start3A_526 : memref<8x1024xf32, #tpu.memory_space<vmem>>) target(%dma_start3A_523 : memref<8x1024xf32, #tpu.memory_space<hbm>>) target_semaphore(%arg21 : memref<!tpu.dma_semaphore, #tpu.memory_space<semaphore_mem>>)
      %mul3A_527 = arith.constant 8 : i32
      %mul3A_528 = arith.muli %mul3A_527, %scan3A_216 : i32
      %add3A_529 = arith.constant 6 : i32
      %add3A_530 = arith.addi %mul3A_528, %add3A_529 : i32
      %lt3A_531 = arith.constant 15 : i32
      %lt3A_532 = arith.cmpi slt, %scan3A_216, %lt3A_531 : i32
      %convert_element_type3A_533 = arith.extui %lt3A_532 : i1 to i32
      %cond3A_534 = arith.constant 0 : i32
      %cond3A_535 = arith.cmpi ne, %convert_element_type3A_533, %cond3A_534 : i32
      scf.if %cond3A_535 {
        %dma_wait3A_605 = arith.constant 16 : i32
        %dma_wait3A_606 = arith.constant 0 : i32
        %dma_wait3A_607 = tpu.memref_slice %arg5[%dma_wait3A_605, %dma_wait3A_606] : memref<64x1024xf32, #tpu.memory_space<vmem>> -> memref<8x1024xf32, #tpu.memory_space<vmem>>
        %dma_wait3A_608 = arith.constant 0 : i32
        %dma_wait3A_609 = arith.constant 0 : i32
        %dma_wait3A_610 = tpu.memref_slice %arg4[%select_n3A, %dma_wait3A_608, %dma_wait3A_609] : memref<4x8192x1024xf32, #tpu.memory_space<hbm>> -> memref<1x8x1024xf32, #tpu.memory_space<hbm>>
        %dma_wait3A_611 = tpu.memref_squeeze %dma_wait3A_610 : memref<1x8x1024xf32, #tpu.memory_space<hbm>> -> memref<8x1024xf32, #tpu.memory_space<hbm>>
        %dma_wait3A_612 = arith.constant 0 : i32
        %dma_wait3A_613 = arith.constant 0 : i32
        %dma_wait3A_614 = tpu.memref_slice %arg4[%select_n3A, %dma_wait3A_612, %dma_wait3A_613] : memref<4x8192x1024xf32, #tpu.memory_space<hbm>> -> memref<1x8x1024xf32, #tpu.memory_space<hbm>>
        %dma_wait3A_615 = tpu.memref_squeeze %dma_wait3A_614 : memref<1x8x1024xf32, #tpu.memory_space<hbm>> -> memref<8x1024xf32, #tpu.memory_space<hbm>>
        %dma_wait3A_616 = arith.constant 16 : i32
        %dma_wait3A_617 = arith.constant 0 : i32
        %dma_wait3A_618 = tpu.memref_slice %arg5[%dma_wait3A_616, %dma_wait3A_617] : memref<64x1024xf32, #tpu.memory_space<vmem>> -> memref<8x1024xf32, #tpu.memory_space<vmem>>
        tpu.wait_dma2 semaphore(%arg18 : memref<!tpu.dma_semaphore, #tpu.memory_space<semaphore_mem>>) src(%dma_wait3A_618 : memref<8x1024xf32, #tpu.memory_space<vmem>>) dst(%dma_wait3A_615 : memref<8x1024xf32, #tpu.memory_space<hbm>>)
        %add3A_619 = arith.constant 4 : i32
        %add3A_620 = arith.addi %add3A_530, %add3A_619 : i32
        %mul3A_621 = arith.constant 8 : i32
        %mul3A_622 = arith.muli %add3A_620, %mul3A_621 : i32
        %add3A_623 = arith.addi %mul3A_32, %mul3A_622 : i32
        %dma_start3A_624 = arith.constant 16 : i32
        %dma_start3A_625 = arith.constant 0 : i32
        %dma_start3A_626 = tpu.memref_slice %arg5[%dma_start3A_624, %dma_start3A_625] : memref<64x1024xf32, #tpu.memory_space<vmem>> -> memref<8x1024xf32, #tpu.memory_space<vmem>>
        %dma_start3A_627 = arith.constant 0 : i32
        %dma_start3A_628 = tpu.memref_slice %arg2[%select_n3A, %add3A_623, %dma_start3A_627] : memref<4x8192x1024xf32, #tpu.memory_space<hbm>> -> memref<1x8x1024xf32, #tpu.memory_space<hbm>>
        %dma_start3A_629 = tpu.memref_squeeze %dma_start3A_628 : memref<1x8x1024xf32, #tpu.memory_space<hbm>> -> memref<8x1024xf32, #tpu.memory_space<hbm>>
        %dma_start3A_630 = arith.constant 16 : i32
        %dma_start3A_631 = arith.constant 0 : i32
        %dma_start3A_632 = tpu.memref_slice %arg5[%dma_start3A_630, %dma_start3A_631] : memref<64x1024xf32, #tpu.memory_space<vmem>> -> memref<8x1024xf32, #tpu.memory_space<vmem>>
        %dma_start3A_633 = arith.constant 0 : i32
        %dma_start3A_634 = tpu.memref_slice %arg2[%select_n3A, %add3A_623, %dma_start3A_633] : memref<4x8192x1024xf32, #tpu.memory_space<hbm>> -> memref<1x8x1024xf32, #tpu.memory_space<hbm>>
        %dma_start3A_635 = tpu.memref_squeeze %dma_start3A_634 : memref<1x8x1024xf32, #tpu.memory_space<hbm>> -> memref<8x1024xf32, #tpu.memory_space<hbm>>
        tpu.enqueue_dma source(%dma_start3A_635 : memref<8x1024xf32, #tpu.memory_space<hbm>>) target(%dma_start3A_632 : memref<8x1024xf32, #tpu.memory_space<vmem>>) target_semaphore(%arg10 : memref<!tpu.dma_semaphore, #tpu.memory_space<semaphore_mem>>)
      } else {
      }
      %dma_wait3A_536 = arith.constant 56 : i32
      %dma_wait3A_537 = arith.constant 0 : i32
      %dma_wait3A_538 = tpu.memref_slice %arg5[%dma_wait3A_536, %dma_wait3A_537] : memref<64x1024xf32, #tpu.memory_space<vmem>> -> memref<8x1024xf32, #tpu.memory_space<vmem>>
      %dma_wait3A_539 = arith.constant 0 : i32
      %dma_wait3A_540 = arith.constant 0 : i32
      %dma_wait3A_541 = tpu.memref_slice %arg2[%select_n3A, %dma_wait3A_539, %dma_wait3A_540] : memref<4x8192x1024xf32, #tpu.memory_space<hbm>> -> memref<1x8x1024xf32, #tpu.memory_space<hbm>>
      %dma_wait3A_542 = tpu.memref_squeeze %dma_wait3A_541 : memref<1x8x1024xf32, #tpu.memory_space<hbm>> -> memref<8x1024xf32, #tpu.memory_space<hbm>>
      %dma_wait3A_543 = arith.constant 56 : i32
      %dma_wait3A_544 = arith.constant 0 : i32
      %dma_wait3A_545 = tpu.memref_slice %arg5[%dma_wait3A_543, %dma_wait3A_544] : memref<64x1024xf32, #tpu.memory_space<vmem>> -> memref<8x1024xf32, #tpu.memory_space<vmem>>
      %dma_wait3A_546 = arith.constant 0 : i32
      %dma_wait3A_547 = arith.constant 0 : i32
      %dma_wait3A_548 = tpu.memref_slice %arg2[%select_n3A, %dma_wait3A_546, %dma_wait3A_547] : memref<4x8192x1024xf32, #tpu.memory_space<hbm>> -> memref<1x8x1024xf32, #tpu.memory_space<hbm>>
      %dma_wait3A_549 = tpu.memref_squeeze %dma_wait3A_548 : memref<1x8x1024xf32, #tpu.memory_space<hbm>> -> memref<8x1024xf32, #tpu.memory_space<hbm>>
      tpu.wait_dma2 semaphore(%arg15 : memref<!tpu.dma_semaphore, #tpu.memory_space<semaphore_mem>>) src(%dma_wait3A_549 : memref<8x1024xf32, #tpu.memory_space<hbm>>) dst(%dma_wait3A_545 : memref<8x1024xf32, #tpu.memory_space<vmem>>)
      %parallel_loop3A_550 = arith.constant 0 : i32
      %parallel_loop3A_551 = arith.constant 1024 : i32
      %parallel_loop3A_552 = arith.constant 16 : i32
      scf.for %parallel_loop3A_605 = %parallel_loop3A_550 to %parallel_loop3A_551 step %parallel_loop3A_552  : i32 {
        %parallel_loop3A_606 = arith.constant 48 : i32
        %parallel_loop3A_607 = arith.index_cast %parallel_loop3A_606 : i32 to index
        %parallel_loop3A_608 = arith.index_cast %parallel_loop3A_605 : i32 to index
        %parallel_loop3A_609 = tpu.vector_load %arg5[%parallel_loop3A_607, %parallel_loop3A_608] {strides = array<i32>} : memref<64x1024xf32, #tpu.memory_space<vmem>>, vector<1x16xf32>,
        %parallel_loop3A_610 = vector.shape_cast %parallel_loop3A_609 : vector<1x16xf32> to vector<16xf32>
        %parallel_loop3A_611 = arith.constant 49 : i32
        %parallel_loop3A_612 = arith.index_cast %parallel_loop3A_611 : i32 to index
        %parallel_loop3A_613 = arith.index_cast %parallel_loop3A_605 : i32 to index
        %parallel_loop3A_614 = tpu.vector_load %arg5[%parallel_loop3A_612, %parallel_loop3A_613] {strides = array<i32>} : memref<64x1024xf32, #tpu.memory_space<vmem>>, vector<1x16xf32>,
        %parallel_loop3A_615 = vector.shape_cast %parallel_loop3A_614 : vector<1x16xf32> to vector<16xf32>
        %parallel_loop3A_616 = arith.subf %parallel_loop3A_615, %parallel_loop3A_610 : vector<16xf32>
        %parallel_loop3A_617 = arith.mulf %get3A_36, %parallel_loop3A_616 : vector<16xf32>
        %parallel_loop3A_618 = arith.addf %parallel_loop3A_610, %parallel_loop3A_617 : vector<16xf32>
        %parallel_loop3A_619 = arith.constant 48 : i32
        %parallel_loop3A_620 = arith.index_cast %parallel_loop3A_619 : i32 to index
        %parallel_loop3A_621 = arith.index_cast %parallel_loop3A_605 : i32 to index
        %parallel_loop3A_622 = tpu.vector_load %arg5[%parallel_loop3A_620, %parallel_loop3A_621] {strides = array<i32>} : memref<64x1024xf32, #tpu.memory_space<vmem>>, vector<1x16xf32>,
        %parallel_loop3A_623 = vector.shape_cast %parallel_loop3A_622 : vector<1x16xf32> to vector<16xf32>
        %parallel_loop3A_624 = vector.shape_cast %parallel_loop3A_618 : vector<16xf32> to vector<1x16xf32>
        tpu.vector_store %arg5[%parallel_loop3A_620, %parallel_loop3A_621], %parallel_loop3A_624 {strides = array<i32>} : memref<64x1024xf32, #tpu.memory_space<vmem>>, vector<1x16xf32>,
        %parallel_loop3A_625 = arith.constant 50 : i32
        %parallel_loop3A_626 = arith.index_cast %parallel_loop3A_625 : i32 to index
        %parallel_loop3A_627 = arith.index_cast %parallel_loop3A_605 : i32 to index
        %parallel_loop3A_628 = tpu.vector_load %arg5[%parallel_loop3A_626, %parallel_loop3A_627] {strides = array<i32>} : memref<64x1024xf32, #tpu.memory_space<vmem>>, vector<1x16xf32>,
        %parallel_loop3A_629 = vector.shape_cast %parallel_loop3A_628 : vector<1x16xf32> to vector<16xf32>
        %parallel_loop3A_630 = arith.subf %parallel_loop3A_629, %parallel_loop3A_615 : vector<16xf32>
        %parallel_loop3A_631 = arith.mulf %get3A_36, %parallel_loop3A_630 : vector<16xf32>
        %parallel_loop3A_632 = arith.addf %parallel_loop3A_615, %parallel_loop3A_631 : vector<16xf32>
        %parallel_loop3A_633 = arith.constant 49 : i32
        %parallel_loop3A_634 = arith.index_cast %parallel_loop3A_633 : i32 to index
        %parallel_loop3A_635 = arith.index_cast %parallel_loop3A_605 : i32 to index
        %parallel_loop3A_636 = tpu.vector_load %arg5[%parallel_loop3A_634, %parallel_loop3A_635] {strides = array<i32>} : memref<64x1024xf32, #tpu.memory_space<vmem>>, vector<1x16xf32>,
        %parallel_loop3A_637 = vector.shape_cast %parallel_loop3A_636 : vector<1x16xf32> to vector<16xf32>
        %parallel_loop3A_638 = vector.shape_cast %parallel_loop3A_632 : vector<16xf32> to vector<1x16xf32>
        tpu.vector_store %arg5[%parallel_loop3A_634, %parallel_loop3A_635], %parallel_loop3A_638 {strides = array<i32>} : memref<64x1024xf32, #tpu.memory_space<vmem>>, vector<1x16xf32>,
        %parallel_loop3A_639 = arith.constant 51 : i32
        %parallel_loop3A_640 = arith.index_cast %parallel_loop3A_639 : i32 to index
        %parallel_loop3A_641 = arith.index_cast %parallel_loop3A_605 : i32 to index
        %parallel_loop3A_642 = tpu.vector_load %arg5[%parallel_loop3A_640, %parallel_loop3A_641] {strides = array<i32>} : memref<64x1024xf32, #tpu.memory_space<vmem>>, vector<1x16xf32>,
        %parallel_loop3A_643 = vector.shape_cast %parallel_loop3A_642 : vector<1x16xf32> to vector<16xf32>
        %parallel_loop3A_644 = arith.subf %parallel_loop3A_643, %parallel_loop3A_629 : vector<16xf32>
        %parallel_loop3A_645 = arith.mulf %get3A_36, %parallel_loop3A_644 : vector<16xf32>
        %parallel_loop3A_646 = arith.addf %parallel_loop3A_629, %parallel_loop3A_645 : vector<16xf32>
        %parallel_loop3A_647 = arith.constant 50 : i32
        %parallel_loop3A_648 = arith.index_cast %parallel_loop3A_647 : i32 to index
        %parallel_loop3A_649 = arith.index_cast %parallel_loop3A_605 : i32 to index
        %parallel_loop3A_650 = tpu.vector_load %arg5[%parallel_loop3A_648, %parallel_loop3A_649] {strides = array<i32>} : memref<64x1024xf32, #tpu.memory_space<vmem>>, vector<1x16xf32>,
        %parallel_loop3A_651 = vector.shape_cast %parallel_loop3A_650 : vector<1x16xf32> to vector<16xf32>
        %parallel_loop3A_652 = vector.shape_cast %parallel_loop3A_646 : vector<16xf32> to vector<1x16xf32>
        tpu.vector_store %arg5[%parallel_loop3A_648, %parallel_loop3A_649], %parallel_loop3A_652 {strides = array<i32>} : memref<64x1024xf32, #tpu.memory_space<vmem>>, vector<1x16xf32>,
        %parallel_loop3A_653 = arith.constant 52 : i32
        %parallel_loop3A_654 = arith.index_cast %parallel_loop3A_653 : i32 to index
        %parallel_loop3A_655 = arith.index_cast %parallel_loop3A_605 : i32 to index
        %parallel_loop3A_656 = tpu.vector_load %arg5[%parallel_loop3A_654, %parallel_loop3A_655] {strides = array<i32>} : memref<64x1024xf32, #tpu.memory_space<vmem>>, vector<1x16xf32>,
        %parallel_loop3A_657 = vector.shape_cast %parallel_loop3A_656 : vector<1x16xf32> to vector<16xf32>
        %parallel_loop3A_658 = arith.subf %parallel_loop3A_657, %parallel_loop3A_643 : vector<16xf32>
        %parallel_loop3A_659 = arith.mulf %get3A_36, %parallel_loop3A_658 : vector<16xf32>
        %parallel_loop3A_660 = arith.addf %parallel_loop3A_643, %parallel_loop3A_659 : vector<16xf32>
        %parallel_loop3A_661 = arith.constant 51 : i32
        %parallel_loop3A_662 = arith.index_cast %parallel_loop3A_661 : i32 to index
        %parallel_loop3A_663 = arith.index_cast %parallel_loop3A_605 : i32 to index
        %parallel_loop3A_664 = tpu.vector_load %arg5[%parallel_loop3A_662, %parallel_loop3A_663] {strides = array<i32>} : memref<64x1024xf32, #tpu.memory_space<vmem>>, vector<1x16xf32>,
        %parallel_loop3A_665 = vector.shape_cast %parallel_loop3A_664 : vector<1x16xf32> to vector<16xf32>
        %parallel_loop3A_666 = vector.shape_cast %parallel_loop3A_660 : vector<16xf32> to vector<1x16xf32>
        tpu.vector_store %arg5[%parallel_loop3A_662, %parallel_loop3A_663], %parallel_loop3A_666 {strides = array<i32>} : memref<64x1024xf32, #tpu.memory_space<vmem>>, vector<1x16xf32>,
        %parallel_loop3A_667 = arith.constant 53 : i32
        %parallel_loop3A_668 = arith.index_cast %parallel_loop3A_667 : i32 to index
        %parallel_loop3A_669 = arith.index_cast %parallel_loop3A_605 : i32 to index
        %parallel_loop3A_670 = tpu.vector_load %arg5[%parallel_loop3A_668, %parallel_loop3A_669] {strides = array<i32>} : memref<64x1024xf32, #tpu.memory_space<vmem>>, vector<1x16xf32>,
        %parallel_loop3A_671 = vector.shape_cast %parallel_loop3A_670 : vector<1x16xf32> to vector<16xf32>
        %parallel_loop3A_672 = arith.subf %parallel_loop3A_671, %parallel_loop3A_657 : vector<16xf32>
        %parallel_loop3A_673 = arith.mulf %get3A_36, %parallel_loop3A_672 : vector<16xf32>
        %parallel_loop3A_674 = arith.addf %parallel_loop3A_657, %parallel_loop3A_673 : vector<16xf32>
        %parallel_loop3A_675 = arith.constant 52 : i32
        %parallel_loop3A_676 = arith.index_cast %parallel_loop3A_675 : i32 to index
        %parallel_loop3A_677 = arith.index_cast %parallel_loop3A_605 : i32 to index
        %parallel_loop3A_678 = tpu.vector_load %arg5[%parallel_loop3A_676, %parallel_loop3A_677] {strides = array<i32>} : memref<64x1024xf32, #tpu.memory_space<vmem>>, vector<1x16xf32>,
        %parallel_loop3A_679 = vector.shape_cast %parallel_loop3A_678 : vector<1x16xf32> to vector<16xf32>
        %parallel_loop3A_680 = vector.shape_cast %parallel_loop3A_674 : vector<16xf32> to vector<1x16xf32>
        tpu.vector_store %arg5[%parallel_loop3A_676, %parallel_loop3A_677], %parallel_loop3A_680 {strides = array<i32>} : memref<64x1024xf32, #tpu.memory_space<vmem>>, vector<1x16xf32>,
        %parallel_loop3A_681 = arith.constant 54 : i32
        %parallel_loop3A_682 = arith.index_cast %parallel_loop3A_681 : i32 to index
        %parallel_loop3A_683 = arith.index_cast %parallel_loop3A_605 : i32 to index
        %parallel_loop3A_684 = tpu.vector_load %arg5[%parallel_loop3A_682, %parallel_loop3A_683] {strides = array<i32>} : memref<64x1024xf32, #tpu.memory_space<vmem>>, vector<1x16xf32>,
        %parallel_loop3A_685 = vector.shape_cast %parallel_loop3A_684 : vector<1x16xf32> to vector<16xf32>
        %parallel_loop3A_686 = arith.subf %parallel_loop3A_685, %parallel_loop3A_671 : vector<16xf32>
        %parallel_loop3A_687 = arith.mulf %get3A_36, %parallel_loop3A_686 : vector<16xf32>
        %parallel_loop3A_688 = arith.addf %parallel_loop3A_671, %parallel_loop3A_687 : vector<16xf32>
        %parallel_loop3A_689 = arith.constant 53 : i32
        %parallel_loop3A_690 = arith.index_cast %parallel_loop3A_689 : i32 to index
        %parallel_loop3A_691 = arith.index_cast %parallel_loop3A_605 : i32 to index
        %parallel_loop3A_692 = tpu.vector_load %arg5[%parallel_loop3A_690, %parallel_loop3A_691] {strides = array<i32>} : memref<64x1024xf32, #tpu.memory_space<vmem>>, vector<1x16xf32>,
        %parallel_loop3A_693 = vector.shape_cast %parallel_loop3A_692 : vector<1x16xf32> to vector<16xf32>
        %parallel_loop3A_694 = vector.shape_cast %parallel_loop3A_688 : vector<16xf32> to vector<1x16xf32>
        tpu.vector_store %arg5[%parallel_loop3A_690, %parallel_loop3A_691], %parallel_loop3A_694 {strides = array<i32>} : memref<64x1024xf32, #tpu.memory_space<vmem>>, vector<1x16xf32>,
        %parallel_loop3A_695 = arith.constant 55 : i32
        %parallel_loop3A_696 = arith.index_cast %parallel_loop3A_695 : i32 to index
        %parallel_loop3A_697 = arith.index_cast %parallel_loop3A_605 : i32 to index
        %parallel_loop3A_698 = tpu.vector_load %arg5[%parallel_loop3A_696, %parallel_loop3A_697] {strides = array<i32>} : memref<64x1024xf32, #tpu.memory_space<vmem>>, vector<1x16xf32>,
        %parallel_loop3A_699 = vector.shape_cast %parallel_loop3A_698 : vector<1x16xf32> to vector<16xf32>
        %parallel_loop3A_700 = arith.subf %parallel_loop3A_699, %parallel_loop3A_685 : vector<16xf32>
        %parallel_loop3A_701 = arith.mulf %get3A_36, %parallel_loop3A_700 : vector<16xf32>
        %parallel_loop3A_702 = arith.addf %parallel_loop3A_685, %parallel_loop3A_701 : vector<16xf32>
        %parallel_loop3A_703 = arith.constant 54 : i32
        %parallel_loop3A_704 = arith.index_cast %parallel_loop3A_703 : i32 to index
        %parallel_loop3A_705 = arith.index_cast %parallel_loop3A_605 : i32 to index
        %parallel_loop3A_706 = tpu.vector_load %arg5[%parallel_loop3A_704, %parallel_loop3A_705] {strides = array<i32>} : memref<64x1024xf32, #tpu.memory_space<vmem>>, vector<1x16xf32>,
        %parallel_loop3A_707 = vector.shape_cast %parallel_loop3A_706 : vector<1x16xf32> to vector<16xf32>
        %parallel_loop3A_708 = vector.shape_cast %parallel_loop3A_702 : vector<16xf32> to vector<1x16xf32>
        tpu.vector_store %arg5[%parallel_loop3A_704, %parallel_loop3A_705], %parallel_loop3A_708 {strides = array<i32>} : memref<64x1024xf32, #tpu.memory_space<vmem>>, vector<1x16xf32>,
        %parallel_loop3A_709 = arith.constant 56 : i32
        %parallel_loop3A_710 = arith.index_cast %parallel_loop3A_709 : i32 to index
        %parallel_loop3A_711 = arith.index_cast %parallel_loop3A_605 : i32 to index
        %parallel_loop3A_712 = tpu.vector_load %arg5[%parallel_loop3A_710, %parallel_loop3A_711] {strides = array<i32>} : memref<64x1024xf32, #tpu.memory_space<vmem>>, vector<1x16xf32>,
        %parallel_loop3A_713 = vector.shape_cast %parallel_loop3A_712 : vector<1x16xf32> to vector<16xf32>
        %parallel_loop3A_714 = arith.subf %parallel_loop3A_713, %parallel_loop3A_699 : vector<16xf32>
        %parallel_loop3A_715 = arith.mulf %get3A_36, %parallel_loop3A_714 : vector<16xf32>
        %parallel_loop3A_716 = arith.addf %parallel_loop3A_699, %parallel_loop3A_715 : vector<16xf32>
        %parallel_loop3A_717 = arith.constant 55 : i32
        %parallel_loop3A_718 = arith.index_cast %parallel_loop3A_717 : i32 to index
        %parallel_loop3A_719 = arith.index_cast %parallel_loop3A_605 : i32 to index
        %parallel_loop3A_720 = tpu.vector_load %arg5[%parallel_loop3A_718, %parallel_loop3A_719] {strides = array<i32>} : memref<64x1024xf32, #tpu.memory_space<vmem>>, vector<1x16xf32>,
        %parallel_loop3A_721 = vector.shape_cast %parallel_loop3A_720 : vector<1x16xf32> to vector<16xf32>
        %parallel_loop3A_722 = vector.shape_cast %parallel_loop3A_716 : vector<16xf32> to vector<1x16xf32>
        tpu.vector_store %arg5[%parallel_loop3A_718, %parallel_loop3A_719], %parallel_loop3A_722 {strides = array<i32>} : memref<64x1024xf32, #tpu.memory_space<vmem>>, vector<1x16xf32>,
      } {sc.loop_unroll_factor = 1 : i64, sc.parallel_access}
      %mul3A_553 = arith.constant 8 : i32
      %mul3A_554 = arith.muli %add3A_530, %mul3A_553 : i32
      %add3A_555 = arith.addi %mul3A_32, %mul3A_554 : i32
      %dma_start3A_556 = arith.constant 48 : i32
      %dma_start3A_557 = arith.constant 0 : i32
      %dma_start3A_558 = tpu.memref_slice %arg5[%dma_start3A_556, %dma_start3A_557] : memref<64x1024xf32, #tpu.memory_space<vmem>> -> memref<8x1024xf32, #tpu.memory_space<vmem>>
      %dma_start3A_559 = arith.constant 0 : i32
      %dma_start3A_560 = tpu.memref_slice %arg4[%select_n3A, %add3A_555, %dma_start3A_559] : memref<4x8192x1024xf32, #tpu.memory_space<hbm>> -> memref<1x8x1024xf32, #tpu.memory_space<hbm>>
      %dma_start3A_561 = tpu.memref_squeeze %dma_start3A_560 : memref<1x8x1024xf32, #tpu.memory_space<hbm>> -> memref<8x1024xf32, #tpu.memory_space<hbm>>
      %dma_start3A_562 = arith.constant 0 : i32
      %dma_start3A_563 = tpu.memref_slice %arg4[%select_n3A, %add3A_555, %dma_start3A_562] : memref<4x8192x1024xf32, #tpu.memory_space<hbm>> -> memref<1x8x1024xf32, #tpu.memory_space<hbm>>
      %dma_start3A_564 = tpu.memref_squeeze %dma_start3A_563 : memref<1x8x1024xf32, #tpu.memory_space<hbm>> -> memref<8x1024xf32, #tpu.memory_space<hbm>>
      %dma_start3A_565 = arith.constant 48 : i32
      %dma_start3A_566 = arith.constant 0 : i32
      %dma_start3A_567 = tpu.memref_slice %arg5[%dma_start3A_565, %dma_start3A_566] : memref<64x1024xf32, #tpu.memory_space<vmem>> -> memref<8x1024xf32, #tpu.memory_space<vmem>>
      tpu.enqueue_dma source(%dma_start3A_567 : memref<8x1024xf32, #tpu.memory_space<vmem>>) target(%dma_start3A_564 : memref<8x1024xf32, #tpu.memory_space<hbm>>) target_semaphore(%arg22 : memref<!tpu.dma_semaphore, #tpu.memory_space<semaphore_mem>>)
      %mul3A_568 = arith.constant 8 : i32
      %mul3A_569 = arith.muli %mul3A_568, %scan3A_216 : i32
      %add3A_570 = arith.constant 7 : i32
      %add3A_571 = arith.addi %mul3A_569, %add3A_570 : i32
      %lt3A_572 = arith.constant 15 : i32
      %lt3A_573 = arith.cmpi slt, %scan3A_216, %lt3A_572 : i32
      %convert_element_type3A_574 = arith.extui %lt3A_573 : i1 to i32
      %cond3A_575 = arith.constant 0 : i32
      %cond3A_576 = arith.cmpi ne, %convert_element_type3A_574, %cond3A_575 : i32
      scf.if %cond3A_576 {
        %dma_wait3A_605 = arith.constant 24 : i32
        %dma_wait3A_606 = arith.constant 0 : i32
        %dma_wait3A_607 = tpu.memref_slice %arg5[%dma_wait3A_605, %dma_wait3A_606] : memref<64x1024xf32, #tpu.memory_space<vmem>> -> memref<8x1024xf32, #tpu.memory_space<vmem>>
        %dma_wait3A_608 = arith.constant 0 : i32
        %dma_wait3A_609 = arith.constant 0 : i32
        %dma_wait3A_610 = tpu.memref_slice %arg4[%select_n3A, %dma_wait3A_608, %dma_wait3A_609] : memref<4x8192x1024xf32, #tpu.memory_space<hbm>> -> memref<1x8x1024xf32, #tpu.memory_space<hbm>>
        %dma_wait3A_611 = tpu.memref_squeeze %dma_wait3A_610 : memref<1x8x1024xf32, #tpu.memory_space<hbm>> -> memref<8x1024xf32, #tpu.memory_space<hbm>>
        %dma_wait3A_612 = arith.constant 0 : i32
        %dma_wait3A_613 = arith.constant 0 : i32
        %dma_wait3A_614 = tpu.memref_slice %arg4[%select_n3A, %dma_wait3A_612, %dma_wait3A_613] : memref<4x8192x1024xf32, #tpu.memory_space<hbm>> -> memref<1x8x1024xf32, #tpu.memory_space<hbm>>
        %dma_wait3A_615 = tpu.memref_squeeze %dma_wait3A_614 : memref<1x8x1024xf32, #tpu.memory_space<hbm>> -> memref<8x1024xf32, #tpu.memory_space<hbm>>
        %dma_wait3A_616 = arith.constant 24 : i32
        %dma_wait3A_617 = arith.constant 0 : i32
        %dma_wait3A_618 = tpu.memref_slice %arg5[%dma_wait3A_616, %dma_wait3A_617] : memref<64x1024xf32, #tpu.memory_space<vmem>> -> memref<8x1024xf32, #tpu.memory_space<vmem>>
        tpu.wait_dma2 semaphore(%arg19 : memref<!tpu.dma_semaphore, #tpu.memory_space<semaphore_mem>>) src(%dma_wait3A_618 : memref<8x1024xf32, #tpu.memory_space<vmem>>) dst(%dma_wait3A_615 : memref<8x1024xf32, #tpu.memory_space<hbm>>)
        %add3A_619 = arith.constant 4 : i32
        %add3A_620 = arith.addi %add3A_571, %add3A_619 : i32
        %mul3A_621 = arith.constant 8 : i32
        %mul3A_622 = arith.muli %add3A_620, %mul3A_621 : i32
        %add3A_623 = arith.addi %mul3A_32, %mul3A_622 : i32
        %dma_start3A_624 = arith.constant 24 : i32
        %dma_start3A_625 = arith.constant 0 : i32
        %dma_start3A_626 = tpu.memref_slice %arg5[%dma_start3A_624, %dma_start3A_625] : memref<64x1024xf32, #tpu.memory_space<vmem>> -> memref<8x1024xf32, #tpu.memory_space<vmem>>
        %dma_start3A_627 = arith.constant 0 : i32
        %dma_start3A_628 = tpu.memref_slice %arg2[%select_n3A, %add3A_623, %dma_start3A_627] : memref<4x8192x1024xf32, #tpu.memory_space<hbm>> -> memref<1x8x1024xf32, #tpu.memory_space<hbm>>
        %dma_start3A_629 = tpu.memref_squeeze %dma_start3A_628 : memref<1x8x1024xf32, #tpu.memory_space<hbm>> -> memref<8x1024xf32, #tpu.memory_space<hbm>>
        %dma_start3A_630 = arith.constant 24 : i32
        %dma_start3A_631 = arith.constant 0 : i32
        %dma_start3A_632 = tpu.memref_slice %arg5[%dma_start3A_630, %dma_start3A_631] : memref<64x1024xf32, #tpu.memory_space<vmem>> -> memref<8x1024xf32, #tpu.memory_space<vmem>>
        %dma_start3A_633 = arith.constant 0 : i32
        %dma_start3A_634 = tpu.memref_slice %arg2[%select_n3A, %add3A_623, %dma_start3A_633] : memref<4x8192x1024xf32, #tpu.memory_space<hbm>> -> memref<1x8x1024xf32, #tpu.memory_space<hbm>>
        %dma_start3A_635 = tpu.memref_squeeze %dma_start3A_634 : memref<1x8x1024xf32, #tpu.memory_space<hbm>> -> memref<8x1024xf32, #tpu.memory_space<hbm>>
        tpu.enqueue_dma source(%dma_start3A_635 : memref<8x1024xf32, #tpu.memory_space<hbm>>) target(%dma_start3A_632 : memref<8x1024xf32, #tpu.memory_space<vmem>>) target_semaphore(%arg11 : memref<!tpu.dma_semaphore, #tpu.memory_space<semaphore_mem>>)
      } else {
      }
      %lt3A_577 = arith.constant 15 : i32
      %lt3A_578 = arith.cmpi slt, %scan3A_216, %lt3A_577 : i32
      %convert_element_type3A_579 = arith.extui %lt3A_578 : i1 to i32
      %cond3A_580 = arith.constant 0 : i32
      %cond3A_581 = arith.cmpi ne, %convert_element_type3A_579, %cond3A_580 : i32
      scf.if %cond3A_581 {
        %dma_wait3A_605 = arith.constant 0 : i32
        %dma_wait3A_606 = arith.constant 0 : i32
        %dma_wait3A_607 = tpu.memref_slice %arg5[%dma_wait3A_605, %dma_wait3A_606] : memref<64x1024xf32, #tpu.memory_space<vmem>> -> memref<8x1024xf32, #tpu.memory_space<vmem>>
        %dma_wait3A_608 = arith.constant 0 : i32
        %dma_wait3A_609 = arith.constant 0 : i32
        %dma_wait3A_610 = tpu.memref_slice %arg2[%select_n3A, %dma_wait3A_608, %dma_wait3A_609] : memref<4x8192x1024xf32, #tpu.memory_space<hbm>> -> memref<1x8x1024xf32, #tpu.memory_space<hbm>>
        %dma_wait3A_611 = tpu.memref_squeeze %dma_wait3A_610 : memref<1x8x1024xf32, #tpu.memory_space<hbm>> -> memref<8x1024xf32, #tpu.memory_space<hbm>>
        %dma_wait3A_612 = arith.constant 0 : i32
        %dma_wait3A_613 = arith.constant 0 : i32
        %dma_wait3A_614 = tpu.memref_slice %arg5[%dma_wait3A_612, %dma_wait3A_613] : memref<64x1024xf32, #tpu.memory_space<vmem>> -> memref<8x1024xf32, #tpu.memory_space<vmem>>
        %dma_wait3A_615 = arith.constant 0 : i32
        %dma_wait3A_616 = arith.constant 0 : i32
        %dma_wait3A_617 = tpu.memref_slice %arg2[%select_n3A, %dma_wait3A_615, %dma_wait3A_616] : memref<4x8192x1024xf32, #tpu.memory_space<hbm>> -> memref<1x8x1024xf32, #tpu.memory_space<hbm>>
        %dma_wait3A_618 = tpu.memref_squeeze %dma_wait3A_617 : memref<1x8x1024xf32, #tpu.memory_space<hbm>> -> memref<8x1024xf32, #tpu.memory_space<hbm>>
        tpu.wait_dma2 semaphore(%arg8 : memref<!tpu.dma_semaphore, #tpu.memory_space<semaphore_mem>>) src(%dma_wait3A_618 : memref<8x1024xf32, #tpu.memory_space<hbm>>) dst(%dma_wait3A_614 : memref<8x1024xf32, #tpu.memory_space<vmem>>)
      } else {
      }
      %eq3A_582 = arith.constant 15 : i32
      %eq3A_583 = arith.cmpi eq, %scan3A_216, %eq3A_582 : i32
      %convert_element_type3A_584 = arith.extui %eq3A_583 : i1 to i32
      %cond3A_585 = arith.constant 0 : i32
      %cond3A_586 = arith.cmpi ne, %convert_element_type3A_584, %cond3A_585 : i32
      scf.if %cond3A_586 {
        %dma_wait3A_605 = arith.constant 0 : i32
        %dma_wait3A_606 = arith.constant 0 : i32
        %dma_wait3A_607 = tpu.memref_slice %arg5[%dma_wait3A_605, %dma_wait3A_606] : memref<64x1024xf32, #tpu.memory_space<vmem>> -> memref<8x1024xf32, #tpu.memory_space<vmem>>
        %dma_wait3A_608 = arith.constant 0 : i32
        %dma_wait3A_609 = arith.constant 0 : i32
        %dma_wait3A_610 = tpu.memref_slice %arg4[%select_n3A, %dma_wait3A_608, %dma_wait3A_609] : memref<4x8192x1024xf32, #tpu.memory_space<hbm>> -> memref<1x8x1024xf32, #tpu.memory_space<hbm>>
        %dma_wait3A_611 = tpu.memref_squeeze %dma_wait3A_610 : memref<1x8x1024xf32, #tpu.memory_space<hbm>> -> memref<8x1024xf32, #tpu.memory_space<hbm>>
        %dma_wait3A_612 = arith.constant 0 : i32
        %dma_wait3A_613 = arith.constant 0 : i32
        %dma_wait3A_614 = tpu.memref_slice %arg4[%select_n3A, %dma_wait3A_612, %dma_wait3A_613] : memref<4x8192x1024xf32, #tpu.memory_space<hbm>> -> memref<1x8x1024xf32, #tpu.memory_space<hbm>>
        %dma_wait3A_615 = tpu.memref_squeeze %dma_wait3A_614 : memref<1x8x1024xf32, #tpu.memory_space<hbm>> -> memref<8x1024xf32, #tpu.memory_space<hbm>>
        %dma_wait3A_616 = arith.constant 0 : i32
        %dma_wait3A_617 = arith.constant 0 : i32
        %dma_wait3A_618 = tpu.memref_slice %arg5[%dma_wait3A_616, %dma_wait3A_617] : memref<64x1024xf32, #tpu.memory_space<vmem>> -> memref<8x1024xf32, #tpu.memory_space<vmem>>
        tpu.wait_dma2 semaphore(%arg16 : memref<!tpu.dma_semaphore, #tpu.memory_space<semaphore_mem>>) src(%dma_wait3A_618 : memref<8x1024xf32, #tpu.memory_space<vmem>>) dst(%dma_wait3A_615 : memref<8x1024xf32, #tpu.memory_space<hbm>>)
        %parallel_loop3A_619 = arith.constant 0 : i32
        %parallel_loop3A_620 = arith.constant 1024 : i32
        %parallel_loop3A_621 = arith.constant 16 : i32
        scf.for %parallel_loop3A_622 = %parallel_loop3A_619 to %parallel_loop3A_620 step %parallel_loop3A_621  : i32 {
          %parallel_loop3A_623 = arith.index_cast %sub3A_44 : i32 to index
          %parallel_loop3A_624 = arith.index_cast %parallel_loop3A_622 : i32 to index
          %parallel_loop3A_625 = tpu.vector_load %arg6[%parallel_loop3A_623, %parallel_loop3A_624] {strides = array<i32>} : memref<8x1024xf32, #tpu.memory_space<vmem>>, vector<1x16xf32>,
          %parallel_loop3A_626 = vector.shape_cast %parallel_loop3A_625 : vector<1x16xf32> to vector<16xf32>
          %parallel_loop3A_627 = arith.constant 0 : i32
          %parallel_loop3A_628 = arith.index_cast %parallel_loop3A_627 : i32 to index
          %parallel_loop3A_629 = arith.index_cast %parallel_loop3A_622 : i32 to index
          %parallel_loop3A_630 = tpu.vector_load %arg5[%parallel_loop3A_628, %parallel_loop3A_629] {strides = array<i32>} : memref<64x1024xf32, #tpu.memory_space<vmem>>, vector<1x16xf32>,
          %parallel_loop3A_631 = vector.shape_cast %parallel_loop3A_630 : vector<1x16xf32> to vector<16xf32>
          %parallel_loop3A_632 = vector.shape_cast %parallel_loop3A_626 : vector<16xf32> to vector<1x16xf32>
          tpu.vector_store %arg5[%parallel_loop3A_628, %parallel_loop3A_629], %parallel_loop3A_632 {strides = array<i32>} : memref<64x1024xf32, #tpu.memory_space<vmem>>, vector<1x16xf32>,
        } {sc.loop_unroll_factor = 8 : i64, sc.parallel_access}
      } else {
      }
      %parallel_loop3A_587 = arith.constant 0 : i32
      %parallel_loop3A_588 = arith.constant 1024 : i32
      %parallel_loop3A_589 = arith.constant 16 : i32
      scf.for %parallel_loop3A_605 = %parallel_loop3A_587 to %parallel_loop3A_588 step %parallel_loop3A_589  : i32 {
        %parallel_loop3A_606 = arith.constant 56 : i32
        %parallel_loop3A_607 = arith.index_cast %parallel_loop3A_606 : i32 to index
        %parallel_loop3A_608 = arith.index_cast %parallel_loop3A_605 : i32 to index
        %parallel_loop3A_609 = tpu.vector_load %arg5[%parallel_loop3A_607, %parallel_loop3A_608] {strides = array<i32>} : memref<64x1024xf32, #tpu.memory_space<vmem>>, vector<1x16xf32>,
        %parallel_loop3A_610 = vector.shape_cast %parallel_loop3A_609 : vector<1x16xf32> to vector<16xf32>
        %parallel_loop3A_611 = arith.constant 57 : i32
        %parallel_loop3A_612 = arith.index_cast %parallel_loop3A_611 : i32 to index
        %parallel_loop3A_613 = arith.index_cast %parallel_loop3A_605 : i32 to index
        %parallel_loop3A_614 = tpu.vector_load %arg5[%parallel_loop3A_612, %parallel_loop3A_613] {strides = array<i32>} : memref<64x1024xf32, #tpu.memory_space<vmem>>, vector<1x16xf32>,
        %parallel_loop3A_615 = vector.shape_cast %parallel_loop3A_614 : vector<1x16xf32> to vector<16xf32>
        %parallel_loop3A_616 = arith.subf %parallel_loop3A_615, %parallel_loop3A_610 : vector<16xf32>
        %parallel_loop3A_617 = arith.mulf %get3A_36, %parallel_loop3A_616 : vector<16xf32>
        %parallel_loop3A_618 = arith.addf %parallel_loop3A_610, %parallel_loop3A_617 : vector<16xf32>
        %parallel_loop3A_619 = arith.constant 56 : i32
        %parallel_loop3A_620 = arith.index_cast %parallel_loop3A_619 : i32 to index
        %parallel_loop3A_621 = arith.index_cast %parallel_loop3A_605 : i32 to index
        %parallel_loop3A_622 = tpu.vector_load %arg5[%parallel_loop3A_620, %parallel_loop3A_621] {strides = array<i32>} : memref<64x1024xf32, #tpu.memory_space<vmem>>, vector<1x16xf32>,
        %parallel_loop3A_623 = vector.shape_cast %parallel_loop3A_622 : vector<1x16xf32> to vector<16xf32>
        %parallel_loop3A_624 = vector.shape_cast %parallel_loop3A_618 : vector<16xf32> to vector<1x16xf32>
        tpu.vector_store %arg5[%parallel_loop3A_620, %parallel_loop3A_621], %parallel_loop3A_624 {strides = array<i32>} : memref<64x1024xf32, #tpu.memory_space<vmem>>, vector<1x16xf32>,
        %parallel_loop3A_625 = arith.constant 58 : i32
        %parallel_loop3A_626 = arith.index_cast %parallel_loop3A_625 : i32 to index
        %parallel_loop3A_627 = arith.index_cast %parallel_loop3A_605 : i32 to index
        %parallel_loop3A_628 = tpu.vector_load %arg5[%parallel_loop3A_626, %parallel_loop3A_627] {strides = array<i32>} : memref<64x1024xf32, #tpu.memory_space<vmem>>, vector<1x16xf32>,
        %parallel_loop3A_629 = vector.shape_cast %parallel_loop3A_628 : vector<1x16xf32> to vector<16xf32>
        %parallel_loop3A_630 = arith.subf %parallel_loop3A_629, %parallel_loop3A_615 : vector<16xf32>
        %parallel_loop3A_631 = arith.mulf %get3A_36, %parallel_loop3A_630 : vector<16xf32>
        %parallel_loop3A_632 = arith.addf %parallel_loop3A_615, %parallel_loop3A_631 : vector<16xf32>
        %parallel_loop3A_633 = arith.constant 57 : i32
        %parallel_loop3A_634 = arith.index_cast %parallel_loop3A_633 : i32 to index
        %parallel_loop3A_635 = arith.index_cast %parallel_loop3A_605 : i32 to index
        %parallel_loop3A_636 = tpu.vector_load %arg5[%parallel_loop3A_634, %parallel_loop3A_635] {strides = array<i32>} : memref<64x1024xf32, #tpu.memory_space<vmem>>, vector<1x16xf32>,
        %parallel_loop3A_637 = vector.shape_cast %parallel_loop3A_636 : vector<1x16xf32> to vector<16xf32>
        %parallel_loop3A_638 = vector.shape_cast %parallel_loop3A_632 : vector<16xf32> to vector<1x16xf32>
        tpu.vector_store %arg5[%parallel_loop3A_634, %parallel_loop3A_635], %parallel_loop3A_638 {strides = array<i32>} : memref<64x1024xf32, #tpu.memory_space<vmem>>, vector<1x16xf32>,
        %parallel_loop3A_639 = arith.constant 59 : i32
        %parallel_loop3A_640 = arith.index_cast %parallel_loop3A_639 : i32 to index
        %parallel_loop3A_641 = arith.index_cast %parallel_loop3A_605 : i32 to index
        %parallel_loop3A_642 = tpu.vector_load %arg5[%parallel_loop3A_640, %parallel_loop3A_641] {strides = array<i32>} : memref<64x1024xf32, #tpu.memory_space<vmem>>, vector<1x16xf32>,
        %parallel_loop3A_643 = vector.shape_cast %parallel_loop3A_642 : vector<1x16xf32> to vector<16xf32>
        %parallel_loop3A_644 = arith.subf %parallel_loop3A_643, %parallel_loop3A_629 : vector<16xf32>
        %parallel_loop3A_645 = arith.mulf %get3A_36, %parallel_loop3A_644 : vector<16xf32>
        %parallel_loop3A_646 = arith.addf %parallel_loop3A_629, %parallel_loop3A_645 : vector<16xf32>
        %parallel_loop3A_647 = arith.constant 58 : i32
        %parallel_loop3A_648 = arith.index_cast %parallel_loop3A_647 : i32 to index
        %parallel_loop3A_649 = arith.index_cast %parallel_loop3A_605 : i32 to index
        %parallel_loop3A_650 = tpu.vector_load %arg5[%parallel_loop3A_648, %parallel_loop3A_649] {strides = array<i32>} : memref<64x1024xf32, #tpu.memory_space<vmem>>, vector<1x16xf32>,
        %parallel_loop3A_651 = vector.shape_cast %parallel_loop3A_650 : vector<1x16xf32> to vector<16xf32>
        %parallel_loop3A_652 = vector.shape_cast %parallel_loop3A_646 : vector<16xf32> to vector<1x16xf32>
        tpu.vector_store %arg5[%parallel_loop3A_648, %parallel_loop3A_649], %parallel_loop3A_652 {strides = array<i32>} : memref<64x1024xf32, #tpu.memory_space<vmem>>, vector<1x16xf32>,
        %parallel_loop3A_653 = arith.constant 60 : i32
        %parallel_loop3A_654 = arith.index_cast %parallel_loop3A_653 : i32 to index
        %parallel_loop3A_655 = arith.index_cast %parallel_loop3A_605 : i32 to index
        %parallel_loop3A_656 = tpu.vector_load %arg5[%parallel_loop3A_654, %parallel_loop3A_655] {strides = array<i32>} : memref<64x1024xf32, #tpu.memory_space<vmem>>, vector<1x16xf32>,
        %parallel_loop3A_657 = vector.shape_cast %parallel_loop3A_656 : vector<1x16xf32> to vector<16xf32>
        %parallel_loop3A_658 = arith.subf %parallel_loop3A_657, %parallel_loop3A_643 : vector<16xf32>
        %parallel_loop3A_659 = arith.mulf %get3A_36, %parallel_loop3A_658 : vector<16xf32>
        %parallel_loop3A_660 = arith.addf %parallel_loop3A_643, %parallel_loop3A_659 : vector<16xf32>
        %parallel_loop3A_661 = arith.constant 59 : i32
        %parallel_loop3A_662 = arith.index_cast %parallel_loop3A_661 : i32 to index
        %parallel_loop3A_663 = arith.index_cast %parallel_loop3A_605 : i32 to index
        %parallel_loop3A_664 = tpu.vector_load %arg5[%parallel_loop3A_662, %parallel_loop3A_663] {strides = array<i32>} : memref<64x1024xf32, #tpu.memory_space<vmem>>, vector<1x16xf32>,
        %parallel_loop3A_665 = vector.shape_cast %parallel_loop3A_664 : vector<1x16xf32> to vector<16xf32>
        %parallel_loop3A_666 = vector.shape_cast %parallel_loop3A_660 : vector<16xf32> to vector<1x16xf32>
        tpu.vector_store %arg5[%parallel_loop3A_662, %parallel_loop3A_663], %parallel_loop3A_666 {strides = array<i32>} : memref<64x1024xf32, #tpu.memory_space<vmem>>, vector<1x16xf32>,
        %parallel_loop3A_667 = arith.constant 61 : i32
        %parallel_loop3A_668 = arith.index_cast %parallel_loop3A_667 : i32 to index
        %parallel_loop3A_669 = arith.index_cast %parallel_loop3A_605 : i32 to index
        %parallel_loop3A_670 = tpu.vector_load %arg5[%parallel_loop3A_668, %parallel_loop3A_669] {strides = array<i32>} : memref<64x1024xf32, #tpu.memory_space<vmem>>, vector<1x16xf32>,
        %parallel_loop3A_671 = vector.shape_cast %parallel_loop3A_670 : vector<1x16xf32> to vector<16xf32>
        %parallel_loop3A_672 = arith.subf %parallel_loop3A_671, %parallel_loop3A_657 : vector<16xf32>
        %parallel_loop3A_673 = arith.mulf %get3A_36, %parallel_loop3A_672 : vector<16xf32>
        %parallel_loop3A_674 = arith.addf %parallel_loop3A_657, %parallel_loop3A_673 : vector<16xf32>
        %parallel_loop3A_675 = arith.constant 60 : i32
        %parallel_loop3A_676 = arith.index_cast %parallel_loop3A_675 : i32 to index
        %parallel_loop3A_677 = arith.index_cast %parallel_loop3A_605 : i32 to index
        %parallel_loop3A_678 = tpu.vector_load %arg5[%parallel_loop3A_676, %parallel_loop3A_677] {strides = array<i32>} : memref<64x1024xf32, #tpu.memory_space<vmem>>, vector<1x16xf32>,
        %parallel_loop3A_679 = vector.shape_cast %parallel_loop3A_678 : vector<1x16xf32> to vector<16xf32>
        %parallel_loop3A_680 = vector.shape_cast %parallel_loop3A_674 : vector<16xf32> to vector<1x16xf32>
        tpu.vector_store %arg5[%parallel_loop3A_676, %parallel_loop3A_677], %parallel_loop3A_680 {strides = array<i32>} : memref<64x1024xf32, #tpu.memory_space<vmem>>, vector<1x16xf32>,
        %parallel_loop3A_681 = arith.constant 62 : i32
        %parallel_loop3A_682 = arith.index_cast %parallel_loop3A_681 : i32 to index
        %parallel_loop3A_683 = arith.index_cast %parallel_loop3A_605 : i32 to index
        %parallel_loop3A_684 = tpu.vector_load %arg5[%parallel_loop3A_682, %parallel_loop3A_683] {strides = array<i32>} : memref<64x1024xf32, #tpu.memory_space<vmem>>, vector<1x16xf32>,
        %parallel_loop3A_685 = vector.shape_cast %parallel_loop3A_684 : vector<1x16xf32> to vector<16xf32>
        %parallel_loop3A_686 = arith.subf %parallel_loop3A_685, %parallel_loop3A_671 : vector<16xf32>
        %parallel_loop3A_687 = arith.mulf %get3A_36, %parallel_loop3A_686 : vector<16xf32>
        %parallel_loop3A_688 = arith.addf %parallel_loop3A_671, %parallel_loop3A_687 : vector<16xf32>
        %parallel_loop3A_689 = arith.constant 61 : i32
        %parallel_loop3A_690 = arith.index_cast %parallel_loop3A_689 : i32 to index
        %parallel_loop3A_691 = arith.index_cast %parallel_loop3A_605 : i32 to index
        %parallel_loop3A_692 = tpu.vector_load %arg5[%parallel_loop3A_690, %parallel_loop3A_691] {strides = array<i32>} : memref<64x1024xf32, #tpu.memory_space<vmem>>, vector<1x16xf32>,
        %parallel_loop3A_693 = vector.shape_cast %parallel_loop3A_692 : vector<1x16xf32> to vector<16xf32>
        %parallel_loop3A_694 = vector.shape_cast %parallel_loop3A_688 : vector<16xf32> to vector<1x16xf32>
        tpu.vector_store %arg5[%parallel_loop3A_690, %parallel_loop3A_691], %parallel_loop3A_694 {strides = array<i32>} : memref<64x1024xf32, #tpu.memory_space<vmem>>, vector<1x16xf32>,
        %parallel_loop3A_695 = arith.constant 63 : i32
        %parallel_loop3A_696 = arith.index_cast %parallel_loop3A_695 : i32 to index
        %parallel_loop3A_697 = arith.index_cast %parallel_loop3A_605 : i32 to index
        %parallel_loop3A_698 = tpu.vector_load %arg5[%parallel_loop3A_696, %parallel_loop3A_697] {strides = array<i32>} : memref<64x1024xf32, #tpu.memory_space<vmem>>, vector<1x16xf32>,
        %parallel_loop3A_699 = vector.shape_cast %parallel_loop3A_698 : vector<1x16xf32> to vector<16xf32>
        %parallel_loop3A_700 = arith.subf %parallel_loop3A_699, %parallel_loop3A_685 : vector<16xf32>
        %parallel_loop3A_701 = arith.mulf %get3A_36, %parallel_loop3A_700 : vector<16xf32>
        %parallel_loop3A_702 = arith.addf %parallel_loop3A_685, %parallel_loop3A_701 : vector<16xf32>
        %parallel_loop3A_703 = arith.constant 62 : i32
        %parallel_loop3A_704 = arith.index_cast %parallel_loop3A_703 : i32 to index
        %parallel_loop3A_705 = arith.index_cast %parallel_loop3A_605 : i32 to index
        %parallel_loop3A_706 = tpu.vector_load %arg5[%parallel_loop3A_704, %parallel_loop3A_705] {strides = array<i32>} : memref<64x1024xf32, #tpu.memory_space<vmem>>, vector<1x16xf32>,
        %parallel_loop3A_707 = vector.shape_cast %parallel_loop3A_706 : vector<1x16xf32> to vector<16xf32>
        %parallel_loop3A_708 = vector.shape_cast %parallel_loop3A_702 : vector<16xf32> to vector<1x16xf32>
        tpu.vector_store %arg5[%parallel_loop3A_704, %parallel_loop3A_705], %parallel_loop3A_708 {strides = array<i32>} : memref<64x1024xf32, #tpu.memory_space<vmem>>, vector<1x16xf32>,
        %parallel_loop3A_709 = arith.constant 0 : i32
        %parallel_loop3A_710 = arith.index_cast %parallel_loop3A_709 : i32 to index
        %parallel_loop3A_711 = arith.index_cast %parallel_loop3A_605 : i32 to index
        %parallel_loop3A_712 = tpu.vector_load %arg5[%parallel_loop3A_710, %parallel_loop3A_711] {strides = array<i32>} : memref<64x1024xf32, #tpu.memory_space<vmem>>, vector<1x16xf32>,
        %parallel_loop3A_713 = vector.shape_cast %parallel_loop3A_712 : vector<1x16xf32> to vector<16xf32>
        %parallel_loop3A_714 = arith.subf %parallel_loop3A_713, %parallel_loop3A_699 : vector<16xf32>
        %parallel_loop3A_715 = arith.mulf %get3A_36, %parallel_loop3A_714 : vector<16xf32>
        %parallel_loop3A_716 = arith.addf %parallel_loop3A_699, %parallel_loop3A_715 : vector<16xf32>
        %parallel_loop3A_717 = arith.constant 63 : i32
        %parallel_loop3A_718 = arith.index_cast %parallel_loop3A_717 : i32 to index
        %parallel_loop3A_719 = arith.index_cast %parallel_loop3A_605 : i32 to index
        %parallel_loop3A_720 = tpu.vector_load %arg5[%parallel_loop3A_718, %parallel_loop3A_719] {strides = array<i32>} : memref<64x1024xf32, #tpu.memory_space<vmem>>, vector<1x16xf32>,
        %parallel_loop3A_721 = vector.shape_cast %parallel_loop3A_720 : vector<1x16xf32> to vector<16xf32>
        %parallel_loop3A_722 = vector.shape_cast %parallel_loop3A_716 : vector<16xf32> to vector<1x16xf32>
        tpu.vector_store %arg5[%parallel_loop3A_718, %parallel_loop3A_719], %parallel_loop3A_722 {strides = array<i32>} : memref<64x1024xf32, #tpu.memory_space<vmem>>, vector<1x16xf32>,
      } {sc.loop_unroll_factor = 1 : i64, sc.parallel_access}
      %mul3A_590 = arith.constant 8 : i32
      %mul3A_591 = arith.muli %add3A_571, %mul3A_590 : i32
      %add3A_592 = arith.addi %mul3A_32, %mul3A_591 : i32
      %dma_start3A_593 = arith.constant 56 : i32
      %dma_start3A_594 = arith.constant 0 : i32
      %dma_start3A_595 = tpu.memref_slice %arg5[%dma_start3A_593, %dma_start3A_594] : memref<64x1024xf32, #tpu.memory_space<vmem>> -> memref<8x1024xf32, #tpu.memory_space<vmem>>
      %dma_start3A_596 = arith.constant 0 : i32
      %dma_start3A_597 = tpu.memref_slice %arg4[%select_n3A, %add3A_592, %dma_start3A_596] : memref<4x8192x1024xf32, #tpu.memory_space<hbm>> -> memref<1x8x1024xf32, #tpu.memory_space<hbm>>
      %dma_start3A_598 = tpu.memref_squeeze %dma_start3A_597 : memref<1x8x1024xf32, #tpu.memory_space<hbm>> -> memref<8x1024xf32, #tpu.memory_space<hbm>>
      %dma_start3A_599 = arith.constant 0 : i32
      %dma_start3A_600 = tpu.memref_slice %arg4[%select_n3A, %add3A_592, %dma_start3A_599] : memref<4x8192x1024xf32, #tpu.memory_space<hbm>> -> memref<1x8x1024xf32, #tpu.memory_space<hbm>>
      %dma_start3A_601 = tpu.memref_squeeze %dma_start3A_600 : memref<1x8x1024xf32, #tpu.memory_space<hbm>> -> memref<8x1024xf32, #tpu.memory_space<hbm>>
      %dma_start3A_602 = arith.constant 56 : i32
      %dma_start3A_603 = arith.constant 0 : i32
      %dma_start3A_604 = tpu.memref_slice %arg5[%dma_start3A_602, %dma_start3A_603] : memref<64x1024xf32, #tpu.memory_space<vmem>> -> memref<8x1024xf32, #tpu.memory_space<vmem>>
      tpu.enqueue_dma source(%dma_start3A_604 : memref<8x1024xf32, #tpu.memory_space<vmem>>) target(%dma_start3A_601 : memref<8x1024xf32, #tpu.memory_space<hbm>>) target_semaphore(%arg23 : memref<!tpu.dma_semaphore, #tpu.memory_space<semaphore_mem>>)
    }
    %scan3A_117 = arith.constant 16 : i32
    %dma_wait3A_118 = arith.constant 8 : i32
    %dma_wait3A_119 = arith.constant 0 : i32
    %dma_wait3A_120 = tpu.memref_slice %arg5[%dma_wait3A_118, %dma_wait3A_119] : memref<64x1024xf32, #tpu.memory_space<vmem>> -> memref<8x1024xf32, #tpu.memory_space<vmem>>
    %dma_wait3A_121 = arith.constant 0 : i32
    %dma_wait3A_122 = arith.constant 0 : i32
    %dma_wait3A_123 = tpu.memref_slice %arg4[%select_n3A, %dma_wait3A_121, %dma_wait3A_122] : memref<4x8192x1024xf32, #tpu.memory_space<hbm>> -> memref<1x8x1024xf32, #tpu.memory_space<hbm>>
    %dma_wait3A_124 = tpu.memref_squeeze %dma_wait3A_123 : memref<1x8x1024xf32, #tpu.memory_space<hbm>> -> memref<8x1024xf32, #tpu.memory_space<hbm>>
    %dma_wait3A_125 = arith.constant 0 : i32
    %dma_wait3A_126 = arith.constant 0 : i32
    %dma_wait3A_127 = tpu.memref_slice %arg4[%select_n3A, %dma_wait3A_125, %dma_wait3A_126] : memref<4x8192x1024xf32, #tpu.memory_space<hbm>> -> memref<1x8x1024xf32, #tpu.memory_space<hbm>>
    %dma_wait3A_128 = tpu.memref_squeeze %dma_wait3A_127 : memref<1x8x1024xf32, #tpu.memory_space<hbm>> -> memref<8x1024xf32, #tpu.memory_space<hbm>>
    %dma_wait3A_129 = arith.constant 8 : i32
    %dma_wait3A_130 = arith.constant 0 : i32
    %dma_wait3A_131 = tpu.memref_slice %arg5[%dma_wait3A_129, %dma_wait3A_130] : memref<64x1024xf32, #tpu.memory_space<vmem>> -> memref<8x1024xf32, #tpu.memory_space<vmem>>
    tpu.wait_dma2 semaphore(%arg17 : memref<!tpu.dma_semaphore, #tpu.memory_space<semaphore_mem>>) src(%dma_wait3A_131 : memref<8x1024xf32, #tpu.memory_space<vmem>>) dst(%dma_wait3A_128 : memref<8x1024xf32, #tpu.memory_space<hbm>>)
    %dma_wait3A_132 = arith.constant 16 : i32
    %dma_wait3A_133 = arith.constant 0 : i32
    %dma_wait3A_134 = tpu.memref_slice %arg5[%dma_wait3A_132, %dma_wait3A_133] : memref<64x1024xf32, #tpu.memory_space<vmem>> -> memref<8x1024xf32, #tpu.memory_space<vmem>>
    %dma_wait3A_135 = arith.constant 0 : i32
    %dma_wait3A_136 = arith.constant 0 : i32
    %dma_wait3A_137 = tpu.memref_slice %arg4[%select_n3A, %dma_wait3A_135, %dma_wait3A_136] : memref<4x8192x1024xf32, #tpu.memory_space<hbm>> -> memref<1x8x1024xf32, #tpu.memory_space<hbm>>
    %dma_wait3A_138 = tpu.memref_squeeze %dma_wait3A_137 : memref<1x8x1024xf32, #tpu.memory_space<hbm>> -> memref<8x1024xf32, #tpu.memory_space<hbm>>
    %dma_wait3A_139 = arith.constant 0 : i32
    %dma_wait3A_140 = arith.constant 0 : i32
    %dma_wait3A_141 = tpu.memref_slice %arg4[%select_n3A, %dma_wait3A_139, %dma_wait3A_140] : memref<4x8192x1024xf32, #tpu.memory_space<hbm>> -> memref<1x8x1024xf32, #tpu.memory_space<hbm>>
    %dma_wait3A_142 = tpu.memref_squeeze %dma_wait3A_141 : memref<1x8x1024xf32, #tpu.memory_space<hbm>> -> memref<8x1024xf32, #tpu.memory_space<hbm>>
    %dma_wait3A_143 = arith.constant 16 : i32
    %dma_wait3A_144 = arith.constant 0 : i32
    %dma_wait3A_145 = tpu.memref_slice %arg5[%dma_wait3A_143, %dma_wait3A_144] : memref<64x1024xf32, #tpu.memory_space<vmem>> -> memref<8x1024xf32, #tpu.memory_space<vmem>>
    tpu.wait_dma2 semaphore(%arg18 : memref<!tpu.dma_semaphore, #tpu.memory_space<semaphore_mem>>) src(%dma_wait3A_145 : memref<8x1024xf32, #tpu.memory_space<vmem>>) dst(%dma_wait3A_142 : memref<8x1024xf32, #tpu.memory_space<hbm>>)
    %dma_wait3A_146 = arith.constant 24 : i32
    %dma_wait3A_147 = arith.constant 0 : i32
    %dma_wait3A_148 = tpu.memref_slice %arg5[%dma_wait3A_146, %dma_wait3A_147] : memref<64x1024xf32, #tpu.memory_space<vmem>> -> memref<8x1024xf32, #tpu.memory_space<vmem>>
    %dma_wait3A_149 = arith.constant 0 : i32
    %dma_wait3A_150 = arith.constant 0 : i32
    %dma_wait3A_151 = tpu.memref_slice %arg4[%select_n3A, %dma_wait3A_149, %dma_wait3A_150] : memref<4x8192x1024xf32, #tpu.memory_space<hbm>> -> memref<1x8x1024xf32, #tpu.memory_space<hbm>>
    %dma_wait3A_152 = tpu.memref_squeeze %dma_wait3A_151 : memref<1x8x1024xf32, #tpu.memory_space<hbm>> -> memref<8x1024xf32, #tpu.memory_space<hbm>>
    %dma_wait3A_153 = arith.constant 0 : i32
    %dma_wait3A_154 = arith.constant 0 : i32
    %dma_wait3A_155 = tpu.memref_slice %arg4[%select_n3A, %dma_wait3A_153, %dma_wait3A_154] : memref<4x8192x1024xf32, #tpu.memory_space<hbm>> -> memref<1x8x1024xf32, #tpu.memory_space<hbm>>
    %dma_wait3A_156 = tpu.memref_squeeze %dma_wait3A_155 : memref<1x8x1024xf32, #tpu.memory_space<hbm>> -> memref<8x1024xf32, #tpu.memory_space<hbm>>
    %dma_wait3A_157 = arith.constant 24 : i32
    %dma_wait3A_158 = arith.constant 0 : i32
    %dma_wait3A_159 = tpu.memref_slice %arg5[%dma_wait3A_157, %dma_wait3A_158] : memref<64x1024xf32, #tpu.memory_space<vmem>> -> memref<8x1024xf32, #tpu.memory_space<vmem>>
    tpu.wait_dma2 semaphore(%arg19 : memref<!tpu.dma_semaphore, #tpu.memory_space<semaphore_mem>>) src(%dma_wait3A_159 : memref<8x1024xf32, #tpu.memory_space<vmem>>) dst(%dma_wait3A_156 : memref<8x1024xf32, #tpu.memory_space<hbm>>)
    %dma_wait3A_160 = arith.constant 32 : i32
    %dma_wait3A_161 = arith.constant 0 : i32
    %dma_wait3A_162 = tpu.memref_slice %arg5[%dma_wait3A_160, %dma_wait3A_161] : memref<64x1024xf32, #tpu.memory_space<vmem>> -> memref<8x1024xf32, #tpu.memory_space<vmem>>
    %dma_wait3A_163 = arith.constant 0 : i32
    %dma_wait3A_164 = arith.constant 0 : i32
    %dma_wait3A_165 = tpu.memref_slice %arg4[%select_n3A, %dma_wait3A_163, %dma_wait3A_164] : memref<4x8192x1024xf32, #tpu.memory_space<hbm>> -> memref<1x8x1024xf32, #tpu.memory_space<hbm>>
    %dma_wait3A_166 = tpu.memref_squeeze %dma_wait3A_165 : memref<1x8x1024xf32, #tpu.memory_space<hbm>> -> memref<8x1024xf32, #tpu.memory_space<hbm>>
    %dma_wait3A_167 = arith.constant 0 : i32
    %dma_wait3A_168 = arith.constant 0 : i32
    %dma_wait3A_169 = tpu.memref_slice %arg4[%select_n3A, %dma_wait3A_167, %dma_wait3A_168] : memref<4x8192x1024xf32, #tpu.memory_space<hbm>> -> memref<1x8x1024xf32, #tpu.memory_space<hbm>>
    %dma_wait3A_170 = tpu.memref_squeeze %dma_wait3A_169 : memref<1x8x1024xf32, #tpu.memory_space<hbm>> -> memref<8x1024xf32, #tpu.memory_space<hbm>>
    %dma_wait3A_171 = arith.constant 32 : i32
    %dma_wait3A_172 = arith.constant 0 : i32
    %dma_wait3A_173 = tpu.memref_slice %arg5[%dma_wait3A_171, %dma_wait3A_172] : memref<64x1024xf32, #tpu.memory_space<vmem>> -> memref<8x1024xf32, #tpu.memory_space<vmem>>
    tpu.wait_dma2 semaphore(%arg20 : memref<!tpu.dma_semaphore, #tpu.memory_space<semaphore_mem>>) src(%dma_wait3A_173 : memref<8x1024xf32, #tpu.memory_space<vmem>>) dst(%dma_wait3A_170 : memref<8x1024xf32, #tpu.memory_space<hbm>>)
    %dma_wait3A_174 = arith.constant 40 : i32
    %dma_wait3A_175 = arith.constant 0 : i32
    %dma_wait3A_176 = tpu.memref_slice %arg5[%dma_wait3A_174, %dma_wait3A_175] : memref<64x1024xf32, #tpu.memory_space<vmem>> -> memref<8x1024xf32, #tpu.memory_space<vmem>>
    %dma_wait3A_177 = arith.constant 0 : i32
    %dma_wait3A_178 = arith.constant 0 : i32
    %dma_wait3A_179 = tpu.memref_slice %arg4[%select_n3A, %dma_wait3A_177, %dma_wait3A_178] : memref<4x8192x1024xf32, #tpu.memory_space<hbm>> -> memref<1x8x1024xf32, #tpu.memory_space<hbm>>
    %dma_wait3A_180 = tpu.memref_squeeze %dma_wait3A_179 : memref<1x8x1024xf32, #tpu.memory_space<hbm>> -> memref<8x1024xf32, #tpu.memory_space<hbm>>
    %dma_wait3A_181 = arith.constant 0 : i32
    %dma_wait3A_182 = arith.constant 0 : i32
    %dma_wait3A_183 = tpu.memref_slice %arg4[%select_n3A, %dma_wait3A_181, %dma_wait3A_182] : memref<4x8192x1024xf32, #tpu.memory_space<hbm>> -> memref<1x8x1024xf32, #tpu.memory_space<hbm>>
    %dma_wait3A_184 = tpu.memref_squeeze %dma_wait3A_183 : memref<1x8x1024xf32, #tpu.memory_space<hbm>> -> memref<8x1024xf32, #tpu.memory_space<hbm>>
    %dma_wait3A_185 = arith.constant 40 : i32
    %dma_wait3A_186 = arith.constant 0 : i32
    %dma_wait3A_187 = tpu.memref_slice %arg5[%dma_wait3A_185, %dma_wait3A_186] : memref<64x1024xf32, #tpu.memory_space<vmem>> -> memref<8x1024xf32, #tpu.memory_space<vmem>>
    tpu.wait_dma2 semaphore(%arg21 : memref<!tpu.dma_semaphore, #tpu.memory_space<semaphore_mem>>) src(%dma_wait3A_187 : memref<8x1024xf32, #tpu.memory_space<vmem>>) dst(%dma_wait3A_184 : memref<8x1024xf32, #tpu.memory_space<hbm>>)
    %dma_wait3A_188 = arith.constant 48 : i32
    %dma_wait3A_189 = arith.constant 0 : i32
    %dma_wait3A_190 = tpu.memref_slice %arg5[%dma_wait3A_188, %dma_wait3A_189] : memref<64x1024xf32, #tpu.memory_space<vmem>> -> memref<8x1024xf32, #tpu.memory_space<vmem>>
    %dma_wait3A_191 = arith.constant 0 : i32
    %dma_wait3A_192 = arith.constant 0 : i32
    %dma_wait3A_193 = tpu.memref_slice %arg4[%select_n3A, %dma_wait3A_191, %dma_wait3A_192] : memref<4x8192x1024xf32, #tpu.memory_space<hbm>> -> memref<1x8x1024xf32, #tpu.memory_space<hbm>>
    %dma_wait3A_194 = tpu.memref_squeeze %dma_wait3A_193 : memref<1x8x1024xf32, #tpu.memory_space<hbm>> -> memref<8x1024xf32, #tpu.memory_space<hbm>>
    %dma_wait3A_195 = arith.constant 0 : i32
    %dma_wait3A_196 = arith.constant 0 : i32
    %dma_wait3A_197 = tpu.memref_slice %arg4[%select_n3A, %dma_wait3A_195, %dma_wait3A_196] : memref<4x8192x1024xf32, #tpu.memory_space<hbm>> -> memref<1x8x1024xf32, #tpu.memory_space<hbm>>
    %dma_wait3A_198 = tpu.memref_squeeze %dma_wait3A_197 : memref<1x8x1024xf32, #tpu.memory_space<hbm>> -> memref<8x1024xf32, #tpu.memory_space<hbm>>
    %dma_wait3A_199 = arith.constant 48 : i32
    %dma_wait3A_200 = arith.constant 0 : i32
    %dma_wait3A_201 = tpu.memref_slice %arg5[%dma_wait3A_199, %dma_wait3A_200] : memref<64x1024xf32, #tpu.memory_space<vmem>> -> memref<8x1024xf32, #tpu.memory_space<vmem>>
    tpu.wait_dma2 semaphore(%arg22 : memref<!tpu.dma_semaphore, #tpu.memory_space<semaphore_mem>>) src(%dma_wait3A_201 : memref<8x1024xf32, #tpu.memory_space<vmem>>) dst(%dma_wait3A_198 : memref<8x1024xf32, #tpu.memory_space<hbm>>)
    %dma_wait3A_202 = arith.constant 56 : i32
    %dma_wait3A_203 = arith.constant 0 : i32
    %dma_wait3A_204 = tpu.memref_slice %arg5[%dma_wait3A_202, %dma_wait3A_203] : memref<64x1024xf32, #tpu.memory_space<vmem>> -> memref<8x1024xf32, #tpu.memory_space<vmem>>
    %dma_wait3A_205 = arith.constant 0 : i32
    %dma_wait3A_206 = arith.constant 0 : i32
    %dma_wait3A_207 = tpu.memref_slice %arg4[%select_n3A, %dma_wait3A_205, %dma_wait3A_206] : memref<4x8192x1024xf32, #tpu.memory_space<hbm>> -> memref<1x8x1024xf32, #tpu.memory_space<hbm>>
    %dma_wait3A_208 = tpu.memref_squeeze %dma_wait3A_207 : memref<1x8x1024xf32, #tpu.memory_space<hbm>> -> memref<8x1024xf32, #tpu.memory_space<hbm>>
    %dma_wait3A_209 = arith.constant 0 : i32
    %dma_wait3A_210 = arith.constant 0 : i32
    %dma_wait3A_211 = tpu.memref_slice %arg4[%select_n3A, %dma_wait3A_209, %dma_wait3A_210] : memref<4x8192x1024xf32, #tpu.memory_space<hbm>> -> memref<1x8x1024xf32, #tpu.memory_space<hbm>>
    %dma_wait3A_212 = tpu.memref_squeeze %dma_wait3A_211 : memref<1x8x1024xf32, #tpu.memory_space<hbm>> -> memref<8x1024xf32, #tpu.memory_space<hbm>>
    %dma_wait3A_213 = arith.constant 56 : i32
    %dma_wait3A_214 = arith.constant 0 : i32
    %dma_wait3A_215 = tpu.memref_slice %arg5[%dma_wait3A_213, %dma_wait3A_214] : memref<64x1024xf32, #tpu.memory_space<vmem>> -> memref<8x1024xf32, #tpu.memory_space<vmem>>
    tpu.wait_dma2 semaphore(%arg23 : memref<!tpu.dma_semaphore, #tpu.memory_space<semaphore_mem>>) src(%dma_wait3A_215 : memref<8x1024xf32, #tpu.memory_space<vmem>>) dst(%dma_wait3A_212 : memref<8x1024xf32, #tpu.memory_space<hbm>>)
    return
  }
}

</mosaic_0001>

<sc_bundles>
// kernel: kernel.3.cloned.1.call-start
scs
__scs_entry_jumppad:
0x0: {  	(pc) =	sbr.rel $0x88, $3  }
0x1: {  	(tag) =	ssettag $0x0;
	lr =	simm.s32 $0x1  }
0x2: {  	[smem:$0x3F9F] =	sst lr;
	_ =	strace $0xD0000000  }
0x3: {  	_ = 	snop  }
0x4: {  	_ = 	snop  }
0x5: {  	_ = 	snop  }
0x6: {  	_ = 	snop  }
0x7: {  	_ = 	snop  }
__scs_overlays_trampoline_lowered:
0x8: {  	[smem:$0x3FAE] =	sst s0  }
0x9: {  	[smem:$0x3FAF] =	sst s1  }
0xa: {  	[smem:$0x3FB0] =	sst s2  }
0xb: {  	[smem:$0x3FB1] =	sst s3  }
0xc: {  	[smem:$0x3FB2] =	sst s4  }
0xd: {  	[smem:$0x3FB3] =	sst s5  }
0xe: {  	[smem:$0x3FB4] =	sst s6  }
0xf: {  	[smem:$0x3FB5] =	sst s7  }
0x10: {  	[smem:$0x3FB6] =	sst s8  }
0x11: {  	[smem:$0x3FB7] =	sst s9;
	s0 =	simm.s32 @!p0 $0x0  }
0x12: {  	s1 =	sld [smem:$0x3F9D];
	s0 =	simm.s32 @p0 $0x1  }
0x13: {  	[smem:$0x3FB8] =	sst s0;
	s0 =	simm.s32 @!p1 $0x0  }
0x14: {  	s2 =	sld [smem:$0x3F9C];
	s0 =	simm.s32 @p1 $0x1  }
0x15: {  	[smem:$0x3FB9] =	sst s0;
	s0 =	simm.s32 @!p2 $0x0  }
0x16: {  	s3 =	sld [smem:$0x3FDB];
	s0 =	simm.s32 @p2 $0x1  }
0x17: {  	s4 =	simm.s32 $0x1BF5;
	[smem:$0x3FBB] =	sst s0  }
0x18: {  	s0 =	sld [smem:$0x3F9E];
	_ =	swait.ge [sflag:s4], $0x0  }
0x19: {  	s7 =	sld [smem:$0x3F9F]  }
0x1a: {  	s8 =	sadd.s32 $0xFFFFE003, lr  }
0x1b: {  	s9 =	sadd.s32 $0xFFFFFEF7, lr;
	s5 =	simm.s32 $0xFFFFFFFF;
	p2 =	slt.u32 s8, $0xFFFFF086  }
0x1c: {  	p1 =	slt.u32 s9, $0xF7A;
	s5 =	simm.s32 @!p2 $0x0  }
0x1d: {  	s5 =	simm.s32 @p1 $0x1;
	p0 =	seq.s32 s7, s2  }
0x1e: {  	s7 =	smul.u32 @!p0 $0xF7A, s2;
	p2 =	seq.s32 @!p0 s5, $0x0  }
0x1f: {  	s9 =	smul.u32 $0xF7A, s1;
	s8 =	simm.s32 @!p0 $0x1BF5;
	p2 =	por !p2, p0  }
0x20: {  	[sflag:s8] =	ssyncset.s32 @!p0 $0xFFFFF086;
	s6 =	sadd.s32 @!p0 s3, s7;
	s7 =	simm.s32 @!p0 $0x108  }
0x21: {  	s3 =	sadd.s32 s3, s9;
	s6 =	sadd.s32 @!p0 $0x88, s6;
	s7 =	simm.s32 @p2 $0x1082  }
0x22: {  	[simem:s7], [sflag:s8] =	dma.local @!p0 [hbm:s6], $0xF7A  }
0x23: {  	s9 =	sor.u32 $0xD0000000, s2;
	s6 =	simm.s32 $0x108;
	_ =	swait.ge @!p0 [sflag:s8], $0x0  }
0x24: {  	s3 =	sadd.s32 $0x88, s3;
	s6 =	simm.s32 @!p1 $0x1082;
	[sflag:s4] =	ssyncset.s32 $0xFFFFF086  }
0x25: {  	[simem:s6], [sflag:s4] =	dma.local [hbm:s3], $0xF7A  }
0x26: {  	[smem:$0x3F9F] =	sst s1;
	(tag) =	ssettag s2;
	_ =	strace s9  }
0x27: {  	s1 =	sld [smem:$0x3FAF]  }
0x28: {  	s2 =	sld [smem:$0x3FB0]  }
0x29: {  	s4 =	sld [smem:$0x3FB2]  }
0x2a: {  	p0 =	seq.s32 s5, $0x0;
	s5 =	sld [smem:$0x3FB3]  }
0x2b: {  	s6 =	sld [smem:$0x3FB4]  }
0x2c: {  	s7 =	sld [smem:$0x3FB5]  }
0x2d: {  	s3 =	simm.s32 $0x108;
	s8 =	sld [smem:$0x3FB6]  }
0x2e: {  	s3 =	simm.s32 @!p0 $0x1082;
	s9 =	sld [smem:$0x3FB7]  }
0x2f: {  	lr =	sadd.s32 s0, s3;
	s0 =	sld [smem:$0x3FAE]  }
0x30: {  	s3 =	sld [smem:$0x3FB1]  }
0x31: {  	[smem:$0x3FBA] =	sst s10  }
0x32: {  	s10 =	sld [smem:$0x3FB8];
	_ =	sdelay $0x3  }
0x33: {  	p0 =	seq.s32 s10, $0x1;
	s10 =	sld [smem:$0x3FBA];
	_ =	sdelay $0x3  }
0x34: {  	[smem:$0x3FBA] =	sst s10  }
0x35: {  	s10 =	sld [smem:$0x3FB9];
	_ =	sdelay $0x3  }
0x36: {  	p1 =	seq.s32 s10, $0x1;
	s10 =	sld [smem:$0x3FBA];
	_ =	sdelay $0x3  }
0x37: {  	[smem:$0x3FBA] =	sst s10  }
0x38: {  	s10 =	sld [smem:$0x3FBB]  }
0x39: {  	_ = 	snop;
	(pc) =	sbr.ind lr, $3  }
0x3a: {  	_ = 	snop  }
0x3b: {  	_ = 	snop  }
0x3c: {  	p2 =	seq.s32 s10, $0x1;
	s10 =	sld [smem:$0x3FBA]  }
0x3d: {  	_ =	shalt  }
0x3e: {  	_ =	shalt  }
0x3f: {  	_ =	shalt  }
0x40: {  	_ =	shalt  }
0x41: {  	_ =	shalt  }
0x42: {  	_ =	shalt  }
0x43: {  	_ =	shalt  }
0x44: {  	_ =	shalt  }
0x45: {  	_ =	shalt  }
0x46: {  	_ =	shalt  }
0x47: {  	_ =	shalt  }
0x48: {  	_ =	shalt  }
0x49: {  	_ =	shalt  }
0x4a: {  	_ =	shalt  }
0x4b: {  	_ =	shalt  }
0x4c: {  	_ =	shalt  }
0x4d: {  	_ =	shalt  }
0x4e: {  	_ =	shalt  }
0x4f: {  	_ =	shalt  }
0x50: {  	_ =	shalt  }
0x51: {  	_ =	shalt  }
0x52: {  	_ =	shalt  }
0x53: {  	_ =	shalt  }
0x54: {  	_ =	shalt  }
0x55: {  	_ =	shalt  }
0x56: {  	_ =	shalt  }
0x57: {  	_ =	shalt  }
0x58: {  	_ =	shalt  }
0x59: {  	_ =	shalt  }
0x5a: {  	_ =	shalt  }
0x5b: {  	_ =	shalt  }
0x5c: {  	_ =	shalt  }
0x5d: {  	_ =	shalt  }
0x5e: {  	_ =	shalt  }
0x5f: {  	_ =	shalt  }
0x60: {  	_ =	shalt  }
0x61: {  	_ =	shalt  }
0x62: {  	_ =	shalt  }
0x63: {  	_ =	shalt  }
0x64: {  	_ =	shalt  }
0x65: {  	_ =	shalt  }
0x66: {  	_ =	shalt  }
0x67: {  	_ =	shalt  }
0x68: {  	_ =	shalt  }
0x69: {  	_ =	shalt  }
0x6a: {  	_ =	shalt  }
0x6b: {  	_ =	shalt  }
0x6c: {  	_ =	shalt  }
0x6d: {  	_ =	shalt  }
0x6e: {  	_ =	shalt  }
0x6f: {  	_ =	shalt  }
0x70: {  	_ =	shalt  }
0x71: {  	_ =	shalt  }
0x72: {  	_ =	shalt  }
0x73: {  	_ =	shalt  }
0x74: {  	_ =	shalt  }
0x75: {  	_ =	shalt  }
0x76: {  	_ =	shalt  }
0x77: {  	_ =	shalt  }
0x78: {  	_ =	shalt  }
0x79: {  	_ =	shalt  }
0x7a: {  	_ =	shalt  }
0x7b: {  	_ =	shalt  }
0x7c: {  	_ =	shalt  }
0x7d: {  	_ =	shalt  }
0x7e: {  	_ =	shalt  }
0x7f: {  	_ =	shalt  }
0x80: {  	_ =	shalt  }
0x81: {  	_ =	shalt  }
0x82: {  	_ =	shalt  }
0x83: {  	_ =	shalt  }
0x84: {  	_ =	shalt  }
0x85: {  	_ =	shalt  }
0x86: {  	_ =	shalt  }
0x87: {  	_ =	shalt  }
.Lfunc_end0:
.L_simem_size_0:
called_computation_lowered:
.L_overlay_start_0:
0x88: {  	s2 =	sld [smem:$0x3FD9]  }
0x89: {  	s3 =	sld [smem:$0x3FFE];
	_ =	sdelay $0x1  }
0x8a: {  	s1 =	srdreg.scid  }
0x8b: {  	s0 =	sand.u32 $0x1, s1  }
0x8c: {  	s17 =	sshll.u32 s0, $0xA;
	s2 =	sadd.s32 s3, s2  }
0x8d: {  	s2 =	sadd.s32 s2, s17  }
0x8e: {  	[smem:$0x3FC6] =	sst s2  }
0x8f: {  	_ = 	snop  }
0x90: {  	s2 =	sld [smem:$0x3FC9]  }
0x91: {  	s18 =	sld [smem:$0x3FD0];
	(tm) =	ssettm $0x1  }
0x92: {  	s4 =	sld [smem:$0x3FFB];
	_ =	sdelay $0x3  }
0x93: {  	_ =	strace s4  }
0x94: {  	s4 =	sld [smem:$0x3FFC];
	_ =	sdelay $0x3  }
0x95: {  	_ =	strace s4  }
0x96: {  	s4 =	sld [smem:$0x3FFD];
	_ =	sdelay $0x3  }
0x97: {  	_ =	strace s4  }
0x98: {  	_ =	strace $0x8FFFFFFF  }
0x99: {  	s19 =	sld [smem:$0x3FDB];
	_ =	sdelay $0x1  }
0x9a: {  	s5 =	simm.s32 $_scs_section_size  }
0x9b: {  	s6 =	simm.s32 $_size__tile_overlayer_lowered;
	s7 =	simm.s32 $_tile_overlayer_lowered  }
0x9c: {  	s22 =	simm.s32 $0x1BFF;
	s21 =	sshll.u32 s7, $0x1;
	s4 =	sadd.s32 s5, s19  }
0x9d: {  	s8 =	simm.s32 $0x0;
	s20 =	sshll.u32 s6, $0x1;
	s6 =	sadd.s32 s21, s4  }
0x9e: {  	[timem:s8], [sflag:s22] =	dma.local [hbm:s6], s20  }
0x9f: {  	_ =	swait.ge [sflag:s22], s20  }
0xa0: {  	s5 =	ssub.s32 $0x0, s20;
	[sflag:s22] =	ssyncset.done $0x0  }
0xa1: {  	[sflag:s22] =	ssyncadd.s32 s5;
	_ =	sdelay $0x1  }
0xa2: {  	s23 =	simm.s32 $0x1B8B  }
0xa3: {  	_ =	swait.ge [sflag:s23], $0x1  }
0xa4: {  	[sflag:s23] =	ssyncset.done $0x0  }
0xa5: {  	s25 =	simm.s32 $0x1B8E;
	s24 =	sld [smem:$0x3FFE];
	[sflag:s23] =	ssyncadd.s32 $0xFFFFFFFF  }
0xa6: {  	s26 =	simm.s32 $execute0_lowered;
	[smem:$0x3FD2] =	sst s25  }
0xa7: {  	s6 =	sshll.u32 s26, $0x1;
	_ =	strace $0x80000046;
	[dreg:$0x1] =	wrdreg $0xFFFFFFFF  }
0xa8: {  	s28 =	simm.s32 $_size_execute0_lowered;
	s4 =	sadd.s32 s4, s6;
	[dreg:$0x0] =	wrdreg $0x0  }
0xa9: {  	s6 =	sshll.u32 s28, $0x1;
	[dreg:$0x2] =	wrdreg s4  }
0xaa: {  	[dreg:$0x3] =	wrdreg s6  }
0xab: {  	[dreg:$0x4] =	wrdreg $0xC0  }
0xac: {  	_ =	task [dreg:s8], $0x5FFFF  }
0xad: {  	[dreg:$0x1] =	wrdreg $0xFFFFFFFF  }
0xae: {  	[dreg:$0x0] =	wrdreg $0x60  }
0xaf: {  	[dreg:$0x2] =	wrdreg s2  }
0xb0: {  	[dreg:$0x3] =	wrdreg s24  }
0xb1: {  	[dreg:$0x4] =	wrdreg s18  }
0xb2: {  	[dreg:$0x5] =	wrdreg $0x9  }
0xb3: {  	_ =	task.clear_ibuf [dreg:s8], $0x6FFFF;
	_ =	strace $0x90000046  }
0xb4: {  	s29 =	simm.s32 $0x9;
	_ =	strace $0x80000048  }
0xb5: {  	_ =	swait.ge [sflag:s29], $0x1  }
0xb6: {  	[sflag:s29] =	ssyncadd.s32 $0xFFFFFFFF  }
0xb7: {  	_ =	strace $0x90000048  }
0xb8: {  	_ =	sfence  }
0xb9: {  	s30 =	sld [smem:$0x0];
	_ =	sdelay $0x2  }
0xba: {  	s31 =	sshll.u32 s1, $0xD;
	s1 =	sshrl.u32 s1, $0x2  }
0xbb: {  	s3 =	sand.u32 $0x4000, s31;
	s1 =	sadd.s32 s1, s30  }
0xbc: {  	s0 =	sor.u32 s3, s0;
	s1 =	sshll.u32 s1, $0x11  }
0xbd: {  	s0 =	sor.u32 s1, s0  }
0xbe: {  	s0 =	sadd.s32 $0x8F2B, s0  }
0xbf: {  	[sflag:s0] =	ssyncadd.remote.s32 $0x1  }
0xc0: {  	_ =	sfence.sel $0xFFFF  }
0xc1: {  	[dreg:$0x0] =	wrdreg $0xFFFFFFFF;
	(pc) =	sbr.abs _section_cstart, $3  }
0xc2: {  	[dreg:$0x1] =	wrdreg $0xFFFFFFFF  }
0xc3: {  	_ =	task.clear_ibuf [dreg:s8], $0x2FFFF;
	_ =	strace $0x9FFFFFFF  }
0xc4: {  	(tm) =	ssettm $0x7FFFFFFF  }
0xc5: {  	_ =	shalt  }
tec
execute0_lowered:
.L_overlay_start_1:
0x0: {  	(tag) =	ssettag $0x1  }
0x1: {  	s1 =	rddreg [dreg:$0x0]  }
0x2: {  	s0 =	rddreg [dreg:$0x1]  }
0x3: {  	s3 =	rddreg [dreg:$0x2];
	s4 =	simm.s32 $0x0  }
0x4: {  	s9 =	stileid.u32;
	s2 =	srdreg.scid;
	s29 =	simm.s32 $0x2  }
0x5: {  	s30 =	simm.s32 $0xA000;
	s31 =	simm.s32 $0x3;
	[smem:$0x7FF] =	sst s4  }
0x6: {  	s5 =	sshll.u32 s9, $0x1;
	s6 =	sshrl.u32 s9, $0x2;
	s2 =	sand.u32 $0x1, s2  }
0x7: {  	s9 =	sand.u32 $0x3, s9;
	_ =	strace $0x80000047;
	s5 =	sand.u32 $0x6, s5  }
0x8: {  	s7 =	sshll.u32 s6, $0x4;
	s8 =	ssub.s32 $0x2, s2;
	s9 =	sshll.u32 s9, $0xB  }
0x9: {  	s6 =	sshll.u32 s6, $0x17;
	s5 =	sor.u32 s2, s5;
	s0 =	sadd.s32 s7, s0  }
0xa: {  	s25 =	sshrl.u32 s8, $0x1;
	s2 =	sshll.u32 s2, $0xA;
	s10 =	sshll.u32 s5, $0xA  }
0xb: {  	s7 =	ssub.s32 s8, s25;
	s2 =	sor.u32 s2, s9;
	s0 =	sadd.s32 $0x400, s0  }
0xc: {  	s5 =	sshll.u32 s5, $0x14;
	s26 =	sadd.s32 $0x400, s10;
	[dreg:$0x4] =	wrdreg s0  }
0xd: {  	s2 =	sadd.s32 $0x400, s2;
	s5 =	sor.u32 s6, s5;
	s22 =	sor.u32 $0x40, s10  }
0xe: {  	s23 =	sor.u32 $0x48, s10;
	s24 =	sor.u32 $0x50, s10;
	[dreg:$0x6] =	wrdreg s5  }
0xf: {  	s28 =	smov.u32 s10;
	s25 =	sor.u32 $0x58, s10;
	[dreg:$0xb] =	wrdreg s22  }
0x10: {  	s10 =	simm.s32 $0x0;
	s8 =	smin.u32 s26, $0x1FF8;
	[dreg:$0xc] =	wrdreg s23  }
0x11: {  	s12 =	smin.u32 s2, $0x1FFF;
	s2 =	smin.u32 s2, $0x1FF8;
	[dreg:$0xd] =	wrdreg s24  }
0x12: {  	s15 =	sshrl.u32 s5, $0x3;
	[dreg:$0xe] =	wrdreg s25;
	s26 =	smax.u32 s7, $0x1  }
0x13: {  	s22 =	simm.s32 $0x5;
	s7 =	simm.s32 $0x6;
	s8 =	sshll.u32 s8, $0xA  }
0x14: {  	s13 =	sshll.u32 s12, $0xA;
	s2 =	sshll.u32 s2, $0xA;
	s16 =	sand.u32 $0x7, s12  }
0x15: {  	s17 =	sadd.s32 s1, s15;
	[dreg:$0xf] =	wrdreg s26;
	s11 =	sor.u32 s6, s8  }
0x16: {  	s15 =	simm.s32 $0x8000;
	s14 =	ssub.s32 s13, s2;
	s0 =	sshrl.u32 s11, $0x3  }
0x17: {  	s18 =	sshll.u32 s16, $0x9;
	s19 =	sadd.s32 $0x400, s17;
	s0 =	sadd.s32 s1, s0  }
0x18: {  	s20 =	sadd.s32 $0x800, s17;
	[dreg:$0x5] =	wrdreg s0;
	s0 =	sshll.u32 s14, $0x2  }
0x19: {  	[dreg:$0x7] =	wrdreg s17;
	s21 =	sadd.s32 $0xC00, s17;
	s0 =	sand.u32 $0xFFFF8000, s0  }
0x1a: {  	s2 =	simm.s32 $0x4;
	[dreg:$0x8] =	wrdreg s19;
	s0 =	sor.u32 s18, s0  }
0x1b: {  	s8 =	simm.s32 $0x7;
	[dreg:$0x9] =	wrdreg s20;
	s0 =	sor.u32 $0x100, s0  }
0x1c: {  	[dreg:$0xa] =	wrdreg s21;
	s20 =	simm.s32 $0xE000;
	s0 =	sshra.s32 s0, $0x2  }
0x1d: {  	s11 =	simm.s32 $0x8;
	s19 =	sadd.s32 $0x10000, s0;
	s0 =	simm.s32 $0xC000  }
.LBB2_1:
0x1e: {  	[dreg:$0x10] =	wrdreg s10  }
0x1f: {  	s5 =	rddreg [dreg:$0x4];
	s9 =	simm.s32 $0x12000;
	s12 =	simm.s32 $0x11  }
0x20: {  	[tilespmem:s9], [sflag:$0x11] =	stream.linear.gather [hbm4b:s5+s4], $0x80, $0x38;
	[tilespmem:$0x12080] =	vst v63  }
0x21: {  	_ =	swait.ge [sflag:s12], $0x80  }
0x22: {  	[sflag:s12] =	ssyncset.done $0x0  }
0x23: {  	s14 =	simm.s32 $0x10000;
	s13 =	rddreg [dreg:$0x5];
	[sflag:s12] =	ssyncadd.s32 $0xFFFFFF80  }
0x24: {  	v0 =	vld [tilespmem:$0x12000];
	[tilespmem:s14], [sflag:$0x11] =	stream.linear.gather [hbm4b:s13+s4], $0x2000, $0x38  }
0x25: {  	_ =	swait.ge [sflag:s12], $0x2000  }
0x26: {  	[sflag:s12] =	ssyncset.done $0x0  }
0x27: {  	s16 =	rddreg [dreg:$0x7];
	[sflag:s12] =	ssyncadd.s32 $0xFFFFE000  }
0x28: {  	[tilespmem:s4], [sflag:$0x1] =	stream.linear.gather [hbm4b:s16+s4], $0x2000, $0x38;
	[tilespmem:$0x12080] =	vst v63  }
0x29: {  	s18 =	simm.s32 $0x2000;
	s17 =	rddreg [dreg:$0x8]  }
0x2a: {  	[tilespmem:s18], [sflag:$0x2] =	stream.linear.gather [hbm4b:s17+s4], $0x2000, $0x38;
	[tilespmem:$0x12080] =	vst v63  }
0x2b: {  	s23 =	simm.s32 $0x4000;
	s21 =	rddreg [dreg:$0x9]  }
0x2c: {  	[tilespmem:s23], [sflag:$0x3] =	stream.linear.gather [hbm4b:s21+s4], $0x2000, $0x38;
	[tilespmem:$0x12080] =	vst v63  }
0x2d: {  	s25 =	simm.s32 $0x6000;
	s26 =	simm.s32 $0x1;
	s24 =	rddreg [dreg:$0xa]  }
0x2e: {  	[tilespmem:s25], [sflag:$0x4] =	stream.linear.gather [hbm4b:s24+s4], $0x2000, $0x38;
	[tilespmem:$0x12080] =	vst v63  }
0x2f: {  	_ =	swait.ge [sflag:s26], $0x2000  }
0x30: {  	[sflag:s26] =	ssyncset.done $0x0  }
0x31: {  	s18 =	simm.s32 $0x0;
	[sflag:s26] =	ssyncadd.s32 $0xFFFFE000  }
.LBB2_2:
0x32: {  	s21 =	sshll.u32 s18, $0x6  }
0x33: {  	s5 =	sadd.s32 s21, s28  }
0x34: {  	p0 =	seq.s32 s18, $0x0;
	s5 =	sshll.u32 s5, $0xA  }
0x35: {  	s9 =	simm.s32 @!p0 $0xD;
	s12 =	sadd.s32 s6, s5  }
0x36: {  	_ =	swait.ge @!p0 [sflag:s9], $0x2000;
	s5 =	sadd.s32 $0x8000, s12  }
0x37: {  	[sflag:s9] =	ssyncset.done @!p0 $0x0;
	s17 =	sshrl.u32 s5, $0x3  }
0x38: {  	s10 =	simm.s32 $0x0;
	[sflag:s9] =	ssyncadd.s32 @!p0 $0xFFFFE000;
	s5 =	sadd.s32 s1, s17  }
0x39: {  	[tilespmem:s15], [sflag:$0x5] =	stream.linear.gather [hbm4b:s5+s10], $0x2000, $0x38;
	[tilespmem:$0x12080] =	vst v63  }
0x3a: {  	s14 =	simm.s32 $0x0;
	_ =	swait.ge [sflag:s29], $0x2000  }
0x3b: {  	s13 =	sand.u32 $0x1C00, s10;
	s9 =	sand.u32 $0x70, s14;
	[sflag:s29] =	ssyncset.done $0x0  }
0x3c: {  	s13 =	sor.u32 s9, s13;
	[sflag:s29] =	ssyncadd.s32 $0xFFFFE000  }
0x3d: {  	v2 =	vld [tilespmem:s13+$0x0]  }
0x3e: {  	v3 =	vld [tilespmem:s13+$0x80]  }
0x3f: {  	v4 =	vld [tilespmem:s13+$0x100]  }
0x40: {  	v5 =	vld [tilespmem:s13+$0x180]  }
0x41: {  	v6 =	vld [tilespmem:s13+$0x200]  }
0x42: {  	v7 =	vld [tilespmem:s13+$0x280]  }
0x43: {  	v1 =	vld [tilespmem:s13+$0x300];
	v8 =	vsub.f32 v3, v2  }
0x44: {  	s9 =	simm.s32 $0x80;
	s5 =	simm.s32 $0x10;
	v9 =	vsub.f32 v4, v3  }
0x45: {  	s24 =	sand.u32 $0x1C00, s9;
	s23 =	sand.u32 $0x70, s5;
	v10 =	vsub.f32 v5, v4;
	v8 =	vmul.f32 v8, v0  }
0x46: {  	s23 =	sor.u32 s23, s24;
	v11 =	vsub.f32 v6, v5;
	v9 =	vmul.f32 v9, v0  }
0x47: {  	v12 =	vld [tilespmem:s23+$0x0];
	v2 =	vadd.f32 v8, v2;
	v8 =	vmul.f32 v10, v0;
	v10 =	vsub.f32 v7, v6  }
0x48: {  	v13 =	vld [tilespmem:s23+$0x80];
	v3 =	vadd.f32 v9, v3;
	v9 =	vmul.f32 v11, v0;
	v11 =	vsub.f32 v1, v7  }
0x49: {  	v14 =	vld [tilespmem:s23+$0x100];
	[tilespmem:s13+$0x0] =	vst v2;
	v2 =	vadd.f32 v8, v4;
	v4 =	vmul.f32 v10, v0  }
0x4a: {  	v8 =	vld [tilespmem:s23+$0x180];
	[tilespmem:s13+$0x80] =	vst v3;
	v3 =	vadd.f32 v9, v5;
	v5 =	vmul.f32 v11, v0  }
0x4b: {  	v9 =	vld [tilespmem:s23+$0x200];
	[tilespmem:s13+$0x100] =	vst v2;
	v2 =	vadd.f32 v4, v6  }
0x4c: {  	v10 =	vld [tilespmem:s23+$0x280];
	[tilespmem:s13+$0x180] =	vst v3;
	v4 =	vadd.f32 v5, v7  }
0x4d: {  	s14 =	sor.u32 s10, s14;
	v5 =	vsub.f32 v13, v12;
	v3 =	vld [tilespmem:s23+$0x300];
	[tilespmem:s13+$0x200] =	vst v2  }
0x4e: {  	s26 =	simm.s32 $0x20;
	s25 =	sor.u32 $0x380, s14;
	s10 =	simm.s32 $0x100;
	v6 =	vsub.f32 v14, v13;
	[tilespmem:s13+$0x280] =	vst v4  }
0x4f: {  	s15 =	sand.u32 $0x70, s26;
	s16 =	sand.u32 $0x1C00, s10;
	v4 =	vmul.f32 v5, v0;
	v5 =	vsub.f32 v8, v14;
	v2 =	vld [tilespmem:s25+$0x0]  }
0x50: {  	s24 =	sor.u32 s15, s16;
	v15 =	vld [tilespmem:s13+$0x2000];
	v7 =	vmul.f32 v6, v0;
	v11 =	vsub.f32 v9, v8  }
0x51: {  	v6 =	vld [tilespmem:s24+$0x0];
	v17 =	vsub.f32 v10, v9;
	v12 =	vadd.f32 v4, v12;
	v16 =	vmul.f32 v5, v0  }
0x52: {  	v13 =	vadd.f32 v7, v13;
	v5 =	vld [tilespmem:s24+$0x80];
	v11 =	vmul.f32 v11, v0;
	v18 =	vsub.f32 v3, v10  }
0x53: {  	v4 =	vld [tilespmem:s24+$0x100];
	[tilespmem:s23+$0x0] =	vst v12;
	v12 =	vadd.f32 v16, v14;
	v14 =	vmul.f32 v17, v0  }
0x54: {  	v7 =	vld [tilespmem:s24+$0x180];
	[tilespmem:s23+$0x80] =	vst v13;
	v11 =	vadd.f32 v11, v8;
	v13 =	vmul.f32 v18, v0;
	v63 =	vsub.f32 v2, v1  }
0x55: {  	v8 =	vld [tilespmem:s24+$0x200];
	v15 =	vsub.f32 v15, v2;
	[tilespmem:s23+$0x100] =	vst v12;
	v12 =	vadd.f32 v14, v9  }
0x56: {  	v9 =	vld [tilespmem:s24+$0x280];
	[tilespmem:s23+$0x180] =	vst v11;
	v13 =	vadd.f32 v13, v10;
	v11 =	vmul.f32 v63, v0  }
0x57: {  	s14 =	sor.u32 s9, s5;
	s5 =	simm.s32 $0x20;
	s9 =	simm.s32 $0x100;
	v10 =	vld [tilespmem:s24+$0x300];
	v14 =	vsub.f32 v5, v6;
	[tilespmem:s23+$0x200] =	vst v12;
	v12 =	vmul.f32 v15, v0  }
.LBB2_3:
0x58: {  	s26 =	sadd.s32 $0x10, s26;
	v15 =	vsub.f32 v4, v5;
	s10 =	sadd.s32 $0x80, s10;
	[tilespmem:s23+$0x280] =	vst v13;
	s14 =	sor.u32 $0x380, s14;
	v11 =	vadd.f32 v11, v1;
	v1 =	vmov v3  }
0x59: {  	s15 =	sand.u32 $0x70, s26;
	s16 =	sand.u32 $0x1C00, s10;
	p1 =	slt.u32 s26, $0x3F0;
	v18 =	vmul.f32 v14, v0;
	v13 =	vsub.f32 v7, v4;
	v12 =	vadd.f32 v12, v2;
	v2 =	vld [tilespmem:s14+$0x0]  }
0x5a: {  	v14 =	vmul.f32 v15, v0;
	v15 =	vsub.f32 v8, v7;
	v16 =	vld [tilespmem:s23+$0x2000];
	[tilespmem:s13+$0x300] =	vst v11;
	s13 =	smov.u32 s23;
	s23 =	smov.u32 s24;
	s24 =	sor.u32 s15, s16  }
0x5b: {  	v11 =	vadd.f32 v18, v6;
	v6 =	vld [tilespmem:s24+$0x0];
	v13 =	vmul.f32 v13, v0;
	v17 =	vsub.f32 v9, v8;
	[tilespmem:s25+$0x0] =	vst v12;
	s25 =	smov.u32 s14  }
0x5c: {  	v12 =	vadd.f32 v14, v5;
	v5 =	vld [tilespmem:s24+$0x80];
	v14 =	vmul.f32 v15, v0;
	v15 =	vsub.f32 v10, v9;
	v3 =	vmovc v10  }
.Ltmp0:
0x5d: {  	[tilespmem:s23+$0x0] =	vst v11;
	v10 =	vadd.f32 v13, v4;
	v4 =	vld [tilespmem:s24+$0x100];
	v11 =	vmul.f32 v17, v0;
	(pc) =	sbr.rel @p1 .LBB2_3-.Ltmp0, $4  }
0x5e: {  	[tilespmem:s23+$0x80] =	vst v12;
	v12 =	vadd.f32 v14, v7;
	v7 =	vld [tilespmem:s24+$0x180];
	v13 =	vmul.f32 v15, v0;
	v14 =	vsub.f32 v2, v1  }
0x5f: {  	[tilespmem:s23+$0x100] =	vst v10;
	v15 =	vadd.f32 v11, v8;
	v8 =	vld [tilespmem:s24+$0x200];
	v16 =	vsub.f32 v16, v2  }
0x60: {  	[tilespmem:s23+$0x180] =	vst v12;
	v13 =	vadd.f32 v13, v9;
	v9 =	vld [tilespmem:s24+$0x280];
	v11 =	vmul.f32 v14, v0  }
0x61: {  	s14 =	sor.u32 s9, s5;
	s5 =	smov.u32 s26;
	s9 =	smov.u32 s10;
	v14 =	vsub.f32 v5, v6;
	v10 =	vld [tilespmem:s24+$0x300];
	[tilespmem:s23+$0x200] =	vst v15;
	v12 =	vmul.f32 v16, v0  }
0x62: {  	v15 =	vsub.f32 v4, v5  }
0x63: {  	v14 =	vmul.f32 v14, v0;
	v16 =	vsub.f32 v7, v4  }
0x64: {  	v15 =	vmul.f32 v15, v0;
	v17 =	vsub.f32 v8, v7  }
0x65: {  	v6 =	vadd.f32 v14, v6;
	v14 =	vmul.f32 v16, v0;
	v16 =	vsub.f32 v9, v8  }
0x66: {  	[tilespmem:s23+$0x280] =	vst v13;
	v5 =	vadd.f32 v15, v5;
	v13 =	vmul.f32 v17, v0  }
0x67: {  	v15 =	vsub.f32 v10, v9;
	[tilespmem:s24+$0x0] =	vst v6;
	v4 =	vadd.f32 v14, v4;
	v6 =	vmul.f32 v16, v0  }
0x68: {  	[tilespmem:s24+$0x80] =	vst v5;
	v5 =	vadd.f32 v13, v7  }
0x69: {  	s10 =	sor.u32 $0x380, s14;
	v7 =	vmul.f32 v15, v0;
	[tilespmem:s24+$0x100] =	vst v4;
	v4 =	vadd.f32 v6, v8  }
0x6a: {  	v6 =	vld [tilespmem:s10+$0x0];
	[tilespmem:s24+$0x180] =	vst v5  }
0x6b: {  	v5 =	vadd.f32 v7, v9;
	[tilespmem:s24+$0x200] =	vst v4;
	v4 =	vld [tilespmem:s23+$0x2000]  }
0x6c: {  	s5 =	sor.u32 s9, s5  }
0x6d: {  	s5 =	sor.u32 $0x380, s5;
	[tilespmem:s24+$0x280] =	vst v5  }
0x6e: {  	v5 =	vld [tilespmem:s5+$0x0]  }
0x6f: {  	v7 =	vld [tilespmem:s24+$0x2000];
	v8 =	vsub.f32 v6, v3  }
0x70: {  	v4 =	vsub.f32 v4, v6  }
0x71: {  	v1 =	vadd.f32 v11, v1;
	v8 =	vmul.f32 v8, v0  }
0x72: {  	v2 =	vadd.f32 v12, v2;
	v4 =	vmul.f32 v4, v0  }
0x73: {  	[tilespmem:s13+$0x300] =	vst v1;
	v9 =	vsub.f32 v5, v10;
	v1 =	vadd.f32 v8, v3  }
0x74: {  	[tilespmem:s25+$0x0] =	vst v2;
	v7 =	vsub.f32 v7, v5;
	v2 =	vadd.f32 v4, v6  }
0x75: {  	v3 =	vmul.f32 v9, v0;
	[tilespmem:s23+$0x300] =	vst v1  }
0x76: {  	v4 =	vmul.f32 v7, v0;
	[tilespmem:s10+$0x0] =	vst v2  }
0x77: {  	s26 =	sshll.u32 s18, $0x10;
	v1 =	vadd.f32 v3, v10;
	s10 =	rddreg [dreg:$0x6]  }
0x78: {  	v2 =	vadd.f32 v4, v5;
	s9 =	sadd.s32 s10, s26  }
0x79: {  	[tilespmem:s24+$0x300] =	vst v1;
	s9 =	sshrl.u32 s9, $0x3  }
0x7a: {  	[tilespmem:s5+$0x0] =	vst v2;
	s5 =	simm.s32 @!p0 $0xE;
	s9 =	sadd.s32 s3, s9  }
0x7b: {  	[hbm4b:s9+s4] =	stream.linear.scatter [tilespmem:s4], [sflag:$0x9], $0x2000, $0x38;
	[tilespmem:$0x12080] =	vst v63  }
0x7c: {  	s10 =	sadd.s32 $0xA000, s12;
	_ =	swait.ge @!p0 [sflag:s5], $0x2000  }
0x7d: {  	s24 =	sshrl.u32 s10, $0x3;
	[sflag:s5] =	ssyncset.done @!p0 $0x0  }
0x7e: {  	s14 =	simm.s32 $0x0;
	s13 =	sadd.s32 s1, s24;
	[sflag:s5] =	ssyncadd.s32 @!p0 $0xFFFFE000  }
0x7f: {  	[tilespmem:s30], [sflag:$0x6] =	stream.linear.gather [hbm4b:s13+s14], $0x2000, $0x38;
	[tilespmem:$0x12080] =	vst v63  }
0x80: {  	s15 =	simm.s32 $0x0;
	_ =	swait.ge [sflag:s31], $0x2000  }
0x81: {  	s9 =	sand.u32 $0x1C00, s14;
	s5 =	sand.u32 $0x70, s15;
	[sflag:s31] =	ssyncset.done $0x0  }
0x82: {  	s23 =	sor.u32 s5, s9;
	[sflag:s31] =	ssyncadd.s32 $0xFFFFE000  }
0x83: {  	v5 =	vld [tilespmem:s23+$0x2380]  }
0x84: {  	v1 =	vld [tilespmem:s23+$0x4000]  }
0x85: {  	v6 =	vld [tilespmem:s23+$0x2000]  }
0x86: {  	v12 =	vld [tilespmem:s23+$0x2080]  }
0x87: {  	v16 =	vld [tilespmem:s23+$0x2100]  }
0x88: {  	v9 =	vld [tilespmem:s23+$0x2180]  }
0x89: {  	s25 =	simm.s32 $0x80;
	s10 =	simm.s32 $0x10;
	v8 =	vld [tilespmem:s23+$0x2200]  }
0x8a: {  	s26 =	sand.u32 $0x1C00, s25;
	s16 =	sand.u32 $0x70, s10;
	v2 =	vld [tilespmem:s23+$0x2280];
	v1 =	vsub.f32 v1, v5  }
0x8b: {  	s13 =	sor.u32 s16, s26;
	v3 =	vld [tilespmem:s23+$0x2300];
	v4 =	vsub.f32 v12, v6  }
0x8c: {  	v10 =	vld [tilespmem:s13+$0x4000];
	v11 =	vsub.f32 v16, v12;
	v7 =	vmul.f32 v1, v0  }
0x8d: {  	v14 =	vsub.f32 v9, v16;
	v1 =	vld [tilespmem:s13+$0x2380];
	v13 =	vmul.f32 v4, v0  }
0x8e: {  	v17 =	vmul.f32 v11, v0;
	v11 =	vsub.f32 v8, v9;
	v4 =	vld [tilespmem:s13+$0x2080];
	v15 =	vadd.f32 v7, v5  }
0x8f: {  	v20 =	vsub.f32 v2, v8;
	v19 =	vmul.f32 v14, v0;
	v7 =	vld [tilespmem:s13+$0x2000];
	v18 =	vadd.f32 v13, v6  }
0x90: {  	v14 =	vsub.f32 v3, v2;
	v6 =	vld [tilespmem:s13+$0x2100];
	v11 =	vmul.f32 v11, v0;
	v13 =	vsub.f32 v5, v3;
	[tilespmem:s23+$0x2380] =	vst v15  }
0x91: {  	v5 =	vld [tilespmem:s13+$0x2180];
	[tilespmem:s23+$0x2000] =	vst v18;
	v15 =	vadd.f32 v17, v12;
	v12 =	vadd.f32 v19, v16;
	v16 =	vmul.f32 v20, v0  }
.LBB2_5:
0x92: {  	v10 =	vsub.f32 v10, v1  }
0x93: {  	s10 =	sadd.s32 $0x10, s10;
	v17 =	vld [tilespmem:s13+$0x2200];
	s25 =	sadd.s32 $0x80, s25;
	v14 =	vmul.f32 v14, v0;
	v13 =	vmul.f32 v13, v0;
	v18 =	vmovc v2;
	v19 =	vmovc v3;
	v20 =	vmov v1  }
0x94: {  	v9 =	vadd.f32 v11, v9;
	s5 =	sand.u32 $0x70, s10;
	s9 =	sand.u32 $0x1C00, s25;
	p1 =	slt.u32 s10, $0x3F0;
	v2 =	vld [tilespmem:s13+$0x2280];
	[tilespmem:s23+$0x2080] =	vst v15;
	v8 =	vadd.f32 v16, v8;
	v11 =	vmov v7  }
0x95: {  	s5 =	sor.u32 s5, s9;
	v7 =	vsub.f32 v4, v11;
	v3 =	vld [tilespmem:s13+$0x2300];
	v15 =	vmul.f32 v10, v0;
	[tilespmem:s23+$0x2100] =	vst v12;
	v12 =	vadd.f32 v14, v18  }
0x96: {  	v16 =	vadd.f32 v13, v19;
	v1 =	vld [tilespmem:s5+$0x2380];
	v14 =	vsub.f32 v6, v4;
	[tilespmem:s23+$0x2180] =	vst v9;
	v18 =	vmovc v4;
	v19 =	vmov v6  }
.Ltmp1:
0x97: {  	v10 =	vld [tilespmem:s5+$0x4000];
	v6 =	vmul.f32 v7, v0;
	v13 =	vsub.f32 v5, v19;
	v15 =	vadd.f32 v15, v20;
	[tilespmem:s23+$0x2200] =	vst v8;
	(pc) =	sbr.rel @p1 .LBB2_5-.Ltmp1, $4  }
0x98: {  	v9 =	vmovc v5;
	v7 =	vld [tilespmem:s5+$0x2000];
	v21 =	vmul.f32 v14, v0;
	v14 =	vsub.f32 v17, v5;
	[tilespmem:s23+$0x2280] =	vst v12;
	v8 =	vmov v17  }
0x99: {  	v4 =	vld [tilespmem:s5+$0x2080];
	v12 =	vadd.f32 v6, v11;
	v17 =	vmul.f32 v13, v0;
	v22 =	vsub.f32 v2, v8;
	[tilespmem:s13+$0x2380] =	vst v15  }
0x9a: {  	v6 =	vld [tilespmem:s5+$0x2100];
	v11 =	vmul.f32 v14, v0;
	v14 =	vsub.f32 v3, v2;
	v13 =	vsub.f32 v20, v3;
	[tilespmem:s23+$0x2300] =	vst v16;
	s23 =	smov.u32 s13;
	s13 =	smov.u32 s5  }
0x9b: {  	v15 =	vadd.f32 v21, v18;
	v5 =	vld [tilespmem:s13+$0x2180];
	[tilespmem:s23+$0x2000] =	vst v12;
	v12 =	vadd.f32 v17, v19;
	v16 =	vmul.f32 v22, v0  }
0x9c: {  	v17 =	vld [tilespmem:s13+$0x2200]  }
0x9d: {  	v10 =	vsub.f32 v10, v1;
	v14 =	vmul.f32 v14, v0;
	v18 =	vld [tilespmem:s13+$0x2280];
	v9 =	vadd.f32 v11, v9;
	[tilespmem:s23+$0x2080] =	vst v15  }
0x9e: {  	v8 =	vadd.f32 v16, v8;
	v15 =	vld [tilespmem:s13+$0x2300];
	[tilespmem:s23+$0x2100] =	vst v12;
	v12 =	vmul.f32 v13, v0;
	v11 =	vsub.f32 v4, v7  }
0x9f: {  	v10 =	vmul.f32 v10, v0;
	v2 =	vadd.f32 v14, v2;
	[tilespmem:s23+$0x2180] =	vst v9;
	v13 =	vsub.f32 v6, v4  }
0xa0: {  	[tilespmem:s23+$0x2200] =	vst v8;
	v3 =	vadd.f32 v12, v3;
	v9 =	vmul.f32 v11, v0;
	v11 =	vsub.f32 v5, v6  }
0xa1: {  	v10 =	vadd.f32 v10, v1;
	[tilespmem:s23+$0x2280] =	vst v2;
	v8 =	vmul.f32 v13, v0;
	v12 =	vsub.f32 v17, v5  }
0xa2: {  	[tilespmem:s23+$0x2300] =	vst v3;
	v2 =	vadd.f32 v9, v7;
	v7 =	vmul.f32 v11, v0;
	v9 =	vsub.f32 v18, v17  }
0xa3: {  	[tilespmem:s13+$0x2380] =	vst v10;
	v11 =	vsub.f32 v15, v18;
	v10 =	vmul.f32 v12, v0;
	v3 =	vadd.f32 v8, v4  }
0xa4: {  	v1 =	vsub.f32 v1, v15;
	[tilespmem:s13+$0x2000] =	vst v2;
	v2 =	vadd.f32 v7, v6;
	v4 =	vmul.f32 v9, v0  }
0xa5: {  	v6 =	vmul.f32 v11, v0;
	[tilespmem:s13+$0x2080] =	vst v3;
	v3 =	vadd.f32 v10, v5  }
0xa6: {  	v1 =	vmul.f32 v1, v0;
	v4 =	vadd.f32 v4, v17;
	[tilespmem:s13+$0x2100] =	vst v2  }
0xa7: {  	v2 =	vadd.f32 v6, v18;
	[tilespmem:s13+$0x2180] =	vst v3  }
0xa8: {  	s5 =	sadd.s32 $0x2000, s12;
	v1 =	vadd.f32 v1, v15;
	[tilespmem:s13+$0x2200] =	vst v4  }
0xa9: {  	s5 =	sshrl.u32 s5, $0x3;
	[tilespmem:s13+$0x2280] =	vst v2  }
0xaa: {  	s9 =	simm.s32 $0x2000;
	s5 =	sadd.s32 s3, s5;
	[tilespmem:s13+$0x2300] =	vst v1  }
0xab: {  	[hbm4b:s5+s4] =	stream.linear.scatter [tilespmem:s9], [sflag:$0xA], $0x2000, $0x38;
	[tilespmem:$0x12080] =	vst v63  }
0xac: {  	s5 =	simm.s32 @!p0 $0xF  }
0xad: {  	s26 =	sadd.s32 $0xC000, s12;
	_ =	swait.ge @!p0 [sflag:s5], $0x2000  }
0xae: {  	s23 =	sshrl.u32 s26, $0x3;
	[sflag:s5] =	ssyncset.done @!p0 $0x0  }
0xaf: {  	s10 =	sadd.s32 s1, s23;
	s13 =	simm.s32 $0x0;
	[sflag:s5] =	ssyncadd.s32 @!p0 $0xFFFFE000  }
0xb0: {  	[tilespmem:s0], [sflag:$0x7] =	stream.linear.gather [hbm4b:s10+s13], $0x2000, $0x38;
	[tilespmem:$0x12080] =	vst v63  }
0xb1: {  	s14 =	simm.s32 $0x0;
	_ =	swait.ge [sflag:s2], $0x2000  }
0xb2: {  	s9 =	sand.u32 $0x1C00, s13;
	s5 =	sand.u32 $0x70, s14;
	[sflag:s2] =	ssyncset.done $0x0  }
0xb3: {  	s25 =	sor.u32 s5, s9;
	[sflag:s2] =	ssyncadd.s32 $0xFFFFE000  }
0xb4: {  	v5 =	vld [tilespmem:s25+$0x4380]  }
0xb5: {  	v1 =	vld [tilespmem:s25+$0x6000]  }
0xb6: {  	v6 =	vld [tilespmem:s25+$0x4000]  }
0xb7: {  	v12 =	vld [tilespmem:s25+$0x4080]  }
0xb8: {  	v16 =	vld [tilespmem:s25+$0x4100]  }
0xb9: {  	v9 =	vld [tilespmem:s25+$0x4180]  }
0xba: {  	s26 =	simm.s32 $0x80;
	s10 =	simm.s32 $0x10;
	v8 =	vld [tilespmem:s25+$0x4200]  }
0xbb: {  	s16 =	sand.u32 $0x1C00, s26;
	s15 =	sand.u32 $0x70, s10;
	v2 =	vld [tilespmem:s25+$0x4280];
	v1 =	vsub.f32 v1, v5  }
0xbc: {  	s13 =	sor.u32 s15, s16;
	v3 =	vld [tilespmem:s25+$0x4300];
	v4 =	vsub.f32 v12, v6  }
0xbd: {  	v10 =	vld [tilespmem:s13+$0x6000];
	v11 =	vsub.f32 v16, v12;
	v7 =	vmul.f32 v1, v0  }
0xbe: {  	v14 =	vsub.f32 v9, v16;
	v1 =	vld [tilespmem:s13+$0x4380];
	v13 =	vmul.f32 v4, v0  }
0xbf: {  	v17 =	vmul.f32 v11, v0;
	v11 =	vsub.f32 v8, v9;
	v4 =	vld [tilespmem:s13+$0x4080];
	v15 =	vadd.f32 v7, v5  }
0xc0: {  	v20 =	vsub.f32 v2, v8;
	v19 =	vmul.f32 v14, v0;
	v7 =	vld [tilespmem:s13+$0x4000];
	v18 =	vadd.f32 v13, v6  }
0xc1: {  	v14 =	vsub.f32 v3, v2;
	v6 =	vld [tilespmem:s13+$0x4100];
	v11 =	vmul.f32 v11, v0;
	v13 =	vsub.f32 v5, v3;
	[tilespmem:s25+$0x4380] =	vst v15  }
0xc2: {  	v5 =	vld [tilespmem:s13+$0x4180];
	[tilespmem:s25+$0x4000] =	vst v18;
	v15 =	vadd.f32 v17, v12;
	v12 =	vadd.f32 v19, v16;
	v16 =	vmul.f32 v20, v0  }
.LBB2_7:
0xc3: {  	v10 =	vsub.f32 v10, v1  }
0xc4: {  	s10 =	sadd.s32 $0x10, s10;
	v17 =	vld [tilespmem:s13+$0x4200];
	s26 =	sadd.s32 $0x80, s26;
	v14 =	vmul.f32 v14, v0;
	v13 =	vmul.f32 v13, v0;
	v18 =	vmovc v2;
	v19 =	vmovc v3;
	v20 =	vmov v1  }
0xc5: {  	v9 =	vadd.f32 v11, v9;
	s5 =	sand.u32 $0x70, s10;
	s9 =	sand.u32 $0x1C00, s26;
	p1 =	slt.u32 s10, $0x3F0;
	v2 =	vld [tilespmem:s13+$0x4280];
	[tilespmem:s25+$0x4080] =	vst v15;
	v8 =	vadd.f32 v16, v8;
	v11 =	vmov v7  }
0xc6: {  	s5 =	sor.u32 s5, s9;
	v7 =	vsub.f32 v4, v11;
	v3 =	vld [tilespmem:s13+$0x4300];
	v15 =	vmul.f32 v10, v0;
	[tilespmem:s25+$0x4100] =	vst v12;
	v12 =	vadd.f32 v14, v18  }
0xc7: {  	v16 =	vadd.f32 v13, v19;
	v1 =	vld [tilespmem:s5+$0x4380];
	v14 =	vsub.f32 v6, v4;
	[tilespmem:s25+$0x4180] =	vst v9;
	v18 =	vmovc v4;
	v19 =	vmov v6  }
.Ltmp2:
0xc8: {  	v10 =	vld [tilespmem:s5+$0x6000];
	v6 =	vmul.f32 v7, v0;
	v13 =	vsub.f32 v5, v19;
	v15 =	vadd.f32 v15, v20;
	[tilespmem:s25+$0x4200] =	vst v8;
	(pc) =	sbr.rel @p1 .LBB2_7-.Ltmp2, $4  }
0xc9: {  	v9 =	vmovc v5;
	v7 =	vld [tilespmem:s5+$0x4000];
	v21 =	vmul.f32 v14, v0;
	v14 =	vsub.f32 v17, v5;
	[tilespmem:s25+$0x4280] =	vst v12;
	v8 =	vmov v17  }
0xca: {  	v4 =	vld [tilespmem:s5+$0x4080];
	v12 =	vadd.f32 v6, v11;
	v17 =	vmul.f32 v13, v0;
	v22 =	vsub.f32 v2, v8;
	[tilespmem:s13+$0x4380] =	vst v15  }
0xcb: {  	v6 =	vld [tilespmem:s5+$0x4100];
	v11 =	vmul.f32 v14, v0;
	v14 =	vsub.f32 v3, v2;
	v13 =	vsub.f32 v20, v3;
	[tilespmem:s25+$0x4300] =	vst v16;
	s25 =	smov.u32 s13;
	s13 =	smov.u32 s5  }
0xcc: {  	v15 =	vadd.f32 v21, v18;
	v5 =	vld [tilespmem:s13+$0x4180];
	[tilespmem:s25+$0x4000] =	vst v12;
	v12 =	vadd.f32 v17, v19;
	v16 =	vmul.f32 v22, v0  }
0xcd: {  	v17 =	vld [tilespmem:s13+$0x4200]  }
0xce: {  	v10 =	vsub.f32 v10, v1;
	v14 =	vmul.f32 v14, v0;
	v18 =	vld [tilespmem:s13+$0x4280];
	v9 =	vadd.f32 v11, v9;
	[tilespmem:s25+$0x4080] =	vst v15  }
0xcf: {  	v8 =	vadd.f32 v16, v8;
	v15 =	vld [tilespmem:s13+$0x4300];
	[tilespmem:s25+$0x4100] =	vst v12;
	v12 =	vmul.f32 v13, v0;
	v11 =	vsub.f32 v4, v7  }
0xd0: {  	v10 =	vmul.f32 v10, v0;
	v2 =	vadd.f32 v14, v2;
	[tilespmem:s25+$0x4180] =	vst v9;
	v13 =	vsub.f32 v6, v4  }
0xd1: {  	[tilespmem:s25+$0x4200] =	vst v8;
	v3 =	vadd.f32 v12, v3;
	v9 =	vmul.f32 v11, v0;
	v11 =	vsub.f32 v5, v6  }
0xd2: {  	v10 =	vadd.f32 v10, v1;
	[tilespmem:s25+$0x4280] =	vst v2;
	v8 =	vmul.f32 v13, v0;
	v12 =	vsub.f32 v17, v5  }
0xd3: {  	[tilespmem:s25+$0x4300] =	vst v3;
	v2 =	vadd.f32 v9, v7;
	v7 =	vmul.f32 v11, v0;
	v9 =	vsub.f32 v18, v17  }
0xd4: {  	[tilespmem:s13+$0x4380] =	vst v10;
	v11 =	vsub.f32 v15, v18;
	v10 =	vmul.f32 v12, v0;
	v3 =	vadd.f32 v8, v4  }
0xd5: {  	v1 =	vsub.f32 v1, v15;
	[tilespmem:s13+$0x4000] =	vst v2;
	v2 =	vadd.f32 v7, v6;
	v4 =	vmul.f32 v9, v0  }
0xd6: {  	v6 =	vmul.f32 v11, v0;
	[tilespmem:s13+$0x4080] =	vst v3;
	v3 =	vadd.f32 v10, v5  }
0xd7: {  	v1 =	vmul.f32 v1, v0;
	v4 =	vadd.f32 v4, v17;
	[tilespmem:s13+$0x4100] =	vst v2  }
0xd8: {  	v2 =	vadd.f32 v6, v18;
	[tilespmem:s13+$0x4180] =	vst v3  }
0xd9: {  	s5 =	sadd.s32 $0x4000, s12;
	v1 =	vadd.f32 v1, v15;
	[tilespmem:s13+$0x4200] =	vst v4  }
0xda: {  	s5 =	sshrl.u32 s5, $0x3;
	[tilespmem:s13+$0x4280] =	vst v2  }
0xdb: {  	s9 =	simm.s32 $0x4000;
	s5 =	sadd.s32 s3, s5;
	[tilespmem:s13+$0x4300] =	vst v1  }
0xdc: {  	[hbm4b:s5+s4] =	stream.linear.scatter [tilespmem:s9], [sflag:$0xB], $0x2000, $0x38;
	[tilespmem:$0x12080] =	vst v63  }
0xdd: {  	s5 =	simm.s32 @!p0 $0x10  }
0xde: {  	s13 =	sadd.s32 $0xE000, s12;
	_ =	swait.ge @!p0 [sflag:s5], $0x2000  }
0xdf: {  	s13 =	sshrl.u32 s13, $0x3;
	[sflag:s5] =	ssyncset.done @!p0 $0x0  }
0xe0: {  	s15 =	simm.s32 $0x0;
	s14 =	sadd.s32 s1, s13;
	[sflag:s5] =	ssyncadd.s32 @!p0 $0xFFFFE000  }
0xe1: {  	[tilespmem:s20], [sflag:$0x8] =	stream.linear.gather [hbm4b:s14+s15], $0x2000, $0x38;
	[tilespmem:$0x12080] =	vst v63  }
0xe2: {  	s16 =	simm.s32 $0x0;
	_ =	swait.ge [sflag:s22], $0x2000  }
0xe3: {  	s9 =	sand.u32 $0x1C00, s15;
	s5 =	sand.u32 $0x70, s16;
	[sflag:s22] =	ssyncset.done $0x0  }
0xe4: {  	s26 =	sor.u32 s5, s9;
	[sflag:s22] =	ssyncadd.s32 $0xFFFFE000  }
0xe5: {  	v5 =	vld [tilespmem:s26+$0x6380]  }
0xe6: {  	v1 =	vld [tilespmem:s26+$0x8000]  }
0xe7: {  	v6 =	vld [tilespmem:s26+$0x6000]  }
0xe8: {  	v12 =	vld [tilespmem:s26+$0x6080]  }
0xe9: {  	v16 =	vld [tilespmem:s26+$0x6100]  }
0xea: {  	v9 =	vld [tilespmem:s26+$0x6180]  }
0xeb: {  	s10 =	simm.s32 $0x10;
	s5 =	simm.s32 $0x80;
	v8 =	vld [tilespmem:s26+$0x6200]  }
0xec: {  	s25 =	sand.u32 $0x70, s10;
	s14 =	sand.u32 $0x1C00, s5;
	v2 =	vld [tilespmem:s26+$0x6280];
	v1 =	vsub.f32 v1, v5  }
0xed: {  	s25 =	sor.u32 s25, s14;
	v3 =	vld [tilespmem:s26+$0x6300];
	v4 =	vsub.f32 v12, v6  }
0xee: {  	v10 =	vld [tilespmem:s25+$0x8000];
	v11 =	vsub.f32 v16, v12;
	v7 =	vmul.f32 v1, v0  }
0xef: {  	v14 =	vsub.f32 v9, v16;
	v1 =	vld [tilespmem:s25+$0x6380];
	v13 =	vmul.f32 v4, v0  }
0xf0: {  	v17 =	vmul.f32 v11, v0;
	v11 =	vsub.f32 v8, v9;
	v4 =	vld [tilespmem:s25+$0x6080];
	v15 =	vadd.f32 v7, v5  }
0xf1: {  	v20 =	vsub.f32 v2, v8;
	v19 =	vmul.f32 v14, v0;
	v7 =	vld [tilespmem:s25+$0x6000];
	v18 =	vadd.f32 v13, v6  }
0xf2: {  	v14 =	vsub.f32 v3, v2;
	v6 =	vld [tilespmem:s25+$0x6100];
	v11 =	vmul.f32 v11, v0;
	v13 =	vsub.f32 v5, v3;
	[tilespmem:s26+$0x6380] =	vst v15  }
0xf3: {  	s15 =	simm.s32 $0x8000;
	v5 =	vld [tilespmem:s25+$0x6180];
	[tilespmem:s26+$0x6000] =	vst v18;
	v15 =	vadd.f32 v17, v12;
	v12 =	vadd.f32 v19, v16;
	v16 =	vmul.f32 v20, v0  }
.LBB2_9:
0xf4: {  	v10 =	vsub.f32 v10, v1  }
0xf5: {  	s10 =	sadd.s32 $0x10, s10;
	v17 =	vld [tilespmem:s25+$0x6200];
	s5 =	sadd.s32 $0x80, s5;
	v14 =	vmul.f32 v14, v0;
	v13 =	vmul.f32 v13, v0;
	v18 =	vmovc v2;
	v19 =	vmovc v3;
	v20 =	vmov v1  }
0xf6: {  	v9 =	vadd.f32 v11, v9;
	s9 =	sand.u32 $0x70, s10;
	s14 =	sand.u32 $0x1C00, s5;
	p0 =	slt.u32 s10, $0x3F0;
	v2 =	vld [tilespmem:s25+$0x6280];
	[tilespmem:s26+$0x6080] =	vst v15;
	v8 =	vadd.f32 v16, v8;
	v11 =	vmov v7  }
0xf7: {  	s9 =	sor.u32 s9, s14;
	v7 =	vsub.f32 v4, v11;
	v3 =	vld [tilespmem:s25+$0x6300];
	v15 =	vmul.f32 v10, v0;
	[tilespmem:s26+$0x6100] =	vst v12;
	v12 =	vadd.f32 v14, v18  }
0xf8: {  	v16 =	vadd.f32 v13, v19;
	v1 =	vld [tilespmem:s9+$0x6380];
	v14 =	vsub.f32 v6, v4;
	[tilespmem:s26+$0x6180] =	vst v9;
	v18 =	vmovc v4;
	v19 =	vmov v6  }
.Ltmp3:
0xf9: {  	v10 =	vld [tilespmem:s9+$0x8000];
	v6 =	vmul.f32 v7, v0;
	v13 =	vsub.f32 v5, v19;
	v15 =	vadd.f32 v15, v20;
	[tilespmem:s26+$0x6200] =	vst v8;
	(pc) =	sbr.rel @p0 .LBB2_9-.Ltmp3, $4  }
0xfa: {  	v9 =	vmovc v5;
	v7 =	vld [tilespmem:s9+$0x6000];
	v21 =	vmul.f32 v14, v0;
	v14 =	vsub.f32 v17, v5;
	[tilespmem:s26+$0x6280] =	vst v12;
	v8 =	vmov v17  }
0xfb: {  	v4 =	vld [tilespmem:s9+$0x6080];
	v12 =	vadd.f32 v6, v11;
	v17 =	vmul.f32 v13, v0;
	v22 =	vsub.f32 v2, v8;
	[tilespmem:s25+$0x6380] =	vst v15  }
0xfc: {  	v6 =	vld [tilespmem:s9+$0x6100];
	v11 =	vmul.f32 v14, v0;
	v14 =	vsub.f32 v3, v2;
	v13 =	vsub.f32 v20, v3;
	[tilespmem:s26+$0x6300] =	vst v16;
	s26 =	smov.u32 s25;
	s25 =	smov.u32 s9  }
0xfd: {  	v15 =	vadd.f32 v21, v18;
	v5 =	vld [tilespmem:s25+$0x6180];
	[tilespmem:s26+$0x6000] =	vst v12;
	v12 =	vadd.f32 v17, v19;
	v16 =	vmul.f32 v22, v0  }
0xfe: {  	v17 =	vld [tilespmem:s25+$0x6200]  }
0xff: {  	v10 =	vsub.f32 v10, v1;
	v14 =	vmul.f32 v14, v0;
	v18 =	vld [tilespmem:s25+$0x6280];
	v9 =	vadd.f32 v11, v9;
	[tilespmem:s26+$0x6080] =	vst v15  }
0x100: {  	v8 =	vadd.f32 v16, v8;
	v15 =	vld [tilespmem:s25+$0x6300];
	[tilespmem:s26+$0x6100] =	vst v12;
	v12 =	vmul.f32 v13, v0;
	v11 =	vsub.f32 v4, v7  }
0x101: {  	v10 =	vmul.f32 v10, v0;
	v2 =	vadd.f32 v14, v2;
	[tilespmem:s26+$0x6180] =	vst v9;
	v13 =	vsub.f32 v6, v4  }
0x102: {  	[tilespmem:s26+$0x6200] =	vst v8;
	v3 =	vadd.f32 v12, v3;
	v9 =	vmul.f32 v11, v0;
	v11 =	vsub.f32 v5, v6  }
0x103: {  	v10 =	vadd.f32 v10, v1;
	[tilespmem:s26+$0x6280] =	vst v2;
	v8 =	vmul.f32 v13, v0;
	v12 =	vsub.f32 v17, v5  }
0x104: {  	[tilespmem:s26+$0x6300] =	vst v3;
	v2 =	vadd.f32 v9, v7;
	v7 =	vmul.f32 v11, v0;
	v9 =	vsub.f32 v18, v17  }
0x105: {  	[tilespmem:s25+$0x6380] =	vst v10;
	v11 =	vsub.f32 v15, v18;
	v10 =	vmul.f32 v12, v0;
	v3 =	vadd.f32 v8, v4  }
0x106: {  	v1 =	vsub.f32 v1, v15;
	[tilespmem:s25+$0x6000] =	vst v2;
	v2 =	vadd.f32 v7, v6;
	v4 =	vmul.f32 v9, v0  }
0x107: {  	v6 =	vmul.f32 v11, v0;
	[tilespmem:s25+$0x6080] =	vst v3;
	v3 =	vadd.f32 v10, v5  }
0x108: {  	v1 =	vmul.f32 v1, v0;
	v4 =	vadd.f32 v4, v17;
	[tilespmem:s25+$0x6100] =	vst v2  }
0x109: {  	v2 =	vadd.f32 v6, v18;
	[tilespmem:s25+$0x6180] =	vst v3  }
0x10a: {  	s5 =	sadd.s32 $0x6000, s12;
	v1 =	vadd.f32 v1, v15;
	[tilespmem:s25+$0x6200] =	vst v4  }
0x10b: {  	s5 =	sshrl.u32 s5, $0x3;
	[tilespmem:s25+$0x6280] =	vst v2  }
0x10c: {  	s9 =	simm.s32 $0x6000;
	s5 =	sadd.s32 s3, s5;
	[tilespmem:s25+$0x6300] =	vst v1  }
0x10d: {  	[hbm4b:s5+s4] =	stream.linear.scatter [tilespmem:s9], [sflag:$0xC], $0x2000, $0x38;
	[tilespmem:$0x12080] =	vst v63  }
0x10e: {  	p0 =	seq.s32 s18, $0xF;
	s5 =	rddreg [dreg:$0xb]  }
0x10f: {  	s5 =	sadd.s32 @!p0 s21, s5  }
0x110: {  	s9 =	simm.s32 @!p0 $0x9;
	s5 =	sshll.u32 @!p0 s5, $0xA  }
0x111: {  	_ =	swait.ge @!p0 [sflag:s9], $0x2000;
	s5 =	sadd.s32 @!p0 s6, s5  }
0x112: {  	[sflag:s9] =	ssyncset.done @!p0 $0x0;
	s5 =	sshrl.u32 @!p0 s5, $0x3  }
0x113: {  	[sflag:s9] =	ssyncadd.s32 @!p0 $0xFFFFE000;
	s9 =	simm.s32 @!p0 $0x0;
	s5 =	sadd.s32 @!p0 s1, s5  }
0x114: {  	[tilespmem:s9], [sflag:$0x1] =	stream.linear.gather @!p0 [hbm4b:s5+s9], $0x2000, $0x38;
	[tilespmem:$0x12080] =	vst v63  }
0x115: {  	s12 =	simm.s32 $0x0;
	s14 =	simm.s32 $0x0;
	_ =	swait.ge [sflag:s7], $0x2000  }
0x116: {  	s9 =	sand.u32 $0x70, s14;
	s5 =	sand.u32 $0x1C00, s12;
	[sflag:s7] =	ssyncset.done $0x0  }
0x117: {  	s25 =	sor.u32 s9, s5;
	[sflag:s7] =	ssyncadd.s32 $0xFFFFE000  }
0x118: {  	v5 =	vld [tilespmem:s25+$0x8380]  }
0x119: {  	v1 =	vld [tilespmem:s25+$0xA000]  }
0x11a: {  	v6 =	vld [tilespmem:s25+$0x8000]  }
0x11b: {  	v12 =	vld [tilespmem:s25+$0x8080]  }
0x11c: {  	v16 =	vld [tilespmem:s25+$0x8100]  }
0x11d: {  	v9 =	vld [tilespmem:s25+$0x8180]  }
0x11e: {  	s10 =	simm.s32 $0x10;
	s5 =	simm.s32 $0x80;
	v8 =	vld [tilespmem:s25+$0x8200]  }
0x11f: {  	s16 =	sand.u32 $0x70, s10;
	s26 =	sand.u32 $0x1C00, s5;
	v2 =	vld [tilespmem:s25+$0x8280];
	v1 =	vsub.f32 v1, v5  }
0x120: {  	s12 =	sor.u32 s16, s26;
	v3 =	vld [tilespmem:s25+$0x8300];
	v4 =	vsub.f32 v12, v6  }
0x121: {  	v10 =	vld [tilespmem:s12+$0xA000];
	v11 =	vsub.f32 v16, v12;
	v7 =	vmul.f32 v1, v0  }
0x122: {  	v14 =	vsub.f32 v9, v16;
	v1 =	vld [tilespmem:s12+$0x8380];
	v13 =	vmul.f32 v4, v0  }
0x123: {  	v17 =	vmul.f32 v11, v0;
	v11 =	vsub.f32 v8, v9;
	v4 =	vld [tilespmem:s12+$0x8080];
	v15 =	vadd.f32 v7, v5  }
0x124: {  	v20 =	vsub.f32 v2, v8;
	v19 =	vmul.f32 v14, v0;
	v7 =	vld [tilespmem:s12+$0x8000];
	v18 =	vadd.f32 v13, v6  }
0x125: {  	v14 =	vsub.f32 v3, v2;
	v6 =	vld [tilespmem:s12+$0x8100];
	v11 =	vmul.f32 v11, v0;
	v13 =	vsub.f32 v5, v3;
	[tilespmem:s25+$0x8380] =	vst v15  }
0x126: {  	v5 =	vld [tilespmem:s12+$0x8180];
	[tilespmem:s25+$0x8000] =	vst v18;
	v15 =	vadd.f32 v17, v12;
	v12 =	vadd.f32 v19, v16;
	v16 =	vmul.f32 v20, v0  }
.LBB2_11:
0x127: {  	v10 =	vsub.f32 v10, v1  }
0x128: {  	s10 =	sadd.s32 $0x10, s10;
	v17 =	vld [tilespmem:s12+$0x8200];
	s5 =	sadd.s32 $0x80, s5;
	v14 =	vmul.f32 v14, v0;
	v13 =	vmul.f32 v13, v0;
	v18 =	vmovc v2;
	v19 =	vmovc v3;
	v20 =	vmov v1  }
0x129: {  	v9 =	vadd.f32 v11, v9;
	s9 =	sand.u32 $0x70, s10;
	s14 =	sand.u32 $0x1C00, s5;
	p1 =	slt.u32 s10, $0x3F0;
	v2 =	vld [tilespmem:s12+$0x8280];
	[tilespmem:s25+$0x8080] =	vst v15;
	v8 =	vadd.f32 v16, v8;
	v11 =	vmov v7  }
0x12a: {  	s9 =	sor.u32 s9, s14;
	v7 =	vsub.f32 v4, v11;
	v3 =	vld [tilespmem:s12+$0x8300];
	v15 =	vmul.f32 v10, v0;
	[tilespmem:s25+$0x8100] =	vst v12;
	v12 =	vadd.f32 v14, v18  }
0x12b: {  	v16 =	vadd.f32 v13, v19;
	v1 =	vld [tilespmem:s9+$0x8380];
	v14 =	vsub.f32 v6, v4;
	[tilespmem:s25+$0x8180] =	vst v9;
	v18 =	vmovc v4;
	v19 =	vmov v6  }
.Ltmp4:
0x12c: {  	v10 =	vld [tilespmem:s9+$0xA000];
	v6 =	vmul.f32 v7, v0;
	v13 =	vsub.f32 v5, v19;
	v15 =	vadd.f32 v15, v20;
	[tilespmem:s25+$0x8200] =	vst v8;
	(pc) =	sbr.rel @p1 .LBB2_11-.Ltmp4, $4  }
0x12d: {  	v9 =	vmovc v5;
	v7 =	vld [tilespmem:s9+$0x8000];
	v21 =	vmul.f32 v14, v0;
	v14 =	vsub.f32 v17, v5;
	[tilespmem:s25+$0x8280] =	vst v12;
	v8 =	vmov v17  }
0x12e: {  	v4 =	vld [tilespmem:s9+$0x8080];
	v12 =	vadd.f32 v6, v11;
	v17 =	vmul.f32 v13, v0;
	v22 =	vsub.f32 v2, v8;
	[tilespmem:s12+$0x8380] =	vst v15  }
0x12f: {  	v6 =	vld [tilespmem:s9+$0x8100];
	v11 =	vmul.f32 v14, v0;
	v14 =	vsub.f32 v3, v2;
	v13 =	vsub.f32 v20, v3;
	[tilespmem:s25+$0x8300] =	vst v16;
	s25 =	smov.u32 s12;
	s12 =	smov.u32 s9  }
0x130: {  	v15 =	vadd.f32 v21, v18;
	v5 =	vld [tilespmem:s12+$0x8180];
	[tilespmem:s25+$0x8000] =	vst v12;
	v12 =	vadd.f32 v17, v19;
	v16 =	vmul.f32 v22, v0  }
0x131: {  	v17 =	vld [tilespmem:s12+$0x8200]  }
0x132: {  	v10 =	vsub.f32 v10, v1;
	v14 =	vmul.f32 v14, v0;
	v18 =	vld [tilespmem:s12+$0x8280];
	v9 =	vadd.f32 v11, v9;
	[tilespmem:s25+$0x8080] =	vst v15  }
0x133: {  	v8 =	vadd.f32 v16, v8;
	v15 =	vld [tilespmem:s12+$0x8300];
	[tilespmem:s25+$0x8100] =	vst v12;
	v12 =	vmul.f32 v13, v0;
	v11 =	vsub.f32 v4, v7  }
0x134: {  	v10 =	vmul.f32 v10, v0;
	v2 =	vadd.f32 v14, v2;
	[tilespmem:s25+$0x8180] =	vst v9;
	v13 =	vsub.f32 v6, v4  }
0x135: {  	[tilespmem:s25+$0x8200] =	vst v8;
	v3 =	vadd.f32 v12, v3;
	v9 =	vmul.f32 v11, v0;
	v11 =	vsub.f32 v5, v6  }
0x136: {  	v10 =	vadd.f32 v10, v1;
	[tilespmem:s25+$0x8280] =	vst v2;
	v8 =	vmul.f32 v13, v0;
	v12 =	vsub.f32 v17, v5  }
0x137: {  	[tilespmem:s25+$0x8300] =	vst v3;
	v2 =	vadd.f32 v9, v7;
	v7 =	vmul.f32 v11, v0;
	v9 =	vsub.f32 v18, v17  }
0x138: {  	[tilespmem:s12+$0x8380] =	vst v10;
	v11 =	vsub.f32 v15, v18;
	v10 =	vmul.f32 v12, v0;
	v3 =	vadd.f32 v8, v4  }
0x139: {  	v1 =	vsub.f32 v1, v15;
	[tilespmem:s12+$0x8000] =	vst v2;
	v2 =	vadd.f32 v7, v6;
	v4 =	vmul.f32 v9, v0  }
0x13a: {  	v6 =	vmul.f32 v11, v0;
	[tilespmem:s12+$0x8080] =	vst v3;
	v3 =	vadd.f32 v10, v5  }
0x13b: {  	v1 =	vmul.f32 v1, v0;
	v4 =	vadd.f32 v4, v17;
	[tilespmem:s12+$0x8100] =	vst v2  }
0x13c: {  	v2 =	vadd.f32 v6, v18;
	[tilespmem:s12+$0x8180] =	vst v3  }
0x13d: {  	v1 =	vadd.f32 v1, v15;
	[tilespmem:s12+$0x8200] =	vst v4  }
0x13e: {  	[tilespmem:s12+$0x8280] =	vst v2  }
0x13f: {  	s5 =	sadd.s32 s3, s17;
	[tilespmem:s12+$0x8300] =	vst v1  }
0x140: {  	[hbm4b:s5+s4] =	stream.linear.scatter [tilespmem:s15], [sflag:$0xD], $0x2000, $0x38;
	[tilespmem:$0x12080] =	vst v63  }
0x141: {  	s9 =	rddreg [dreg:$0xc]  }
0x142: {  	s5 =	simm.s32 @!p0 $0xA;
	s9 =	sadd.s32 @!p0 s21, s9  }
0x143: {  	_ =	swait.ge @!p0 [sflag:s5], $0x2000;
	s9 =	sshll.u32 @!p0 s9, $0xA  }
0x144: {  	[sflag:s5] =	ssyncset.done @!p0 $0x0;
	s9 =	sadd.s32 @!p0 s6, s9  }
0x145: {  	[sflag:s5] =	ssyncadd.s32 @!p0 $0xFFFFE000;
	s5 =	sshrl.u32 @!p0 s9, $0x3  }
0x146: {  	s10 =	simm.s32 @!p0 $0x2000;
	s9 =	simm.s32 @!p0 $0x0;
	s5 =	sadd.s32 @!p0 s1, s5  }
0x147: {  	[tilespmem:s10], [sflag:$0x2] =	stream.linear.gather @!p0 [hbm4b:s5+s9], $0x2000, $0x38;
	[tilespmem:$0x12080] =	vst v63  }
0x148: {  	s16 =	simm.s32 $0x0;
	s17 =	simm.s32 $0x0;
	_ =	swait.ge [sflag:s8], $0x2000  }
0x149: {  	s9 =	sand.u32 $0x70, s17;
	s5 =	sand.u32 $0x1C00, s16;
	[sflag:s8] =	ssyncset.done $0x0  }
0x14a: {  	s17 =	sor.u32 s9, s5;
	[sflag:s8] =	ssyncadd.s32 $0xFFFFE000  }
0x14b: {  	v5 =	vld [tilespmem:s17+$0xA380]  }
0x14c: {  	v1 =	vld [tilespmem:s17+$0xC000]  }
0x14d: {  	v6 =	vld [tilespmem:s17+$0xA000]  }
0x14e: {  	v12 =	vld [tilespmem:s17+$0xA080]  }
0x14f: {  	v16 =	vld [tilespmem:s17+$0xA100]  }
0x150: {  	v9 =	vld [tilespmem:s17+$0xA180]  }
0x151: {  	s10 =	simm.s32 $0x10;
	s5 =	simm.s32 $0x80;
	v8 =	vld [tilespmem:s17+$0xA200]  }
0x152: {  	s25 =	sand.u32 $0x70, s10;
	s26 =	sand.u32 $0x1C00, s5;
	v2 =	vld [tilespmem:s17+$0xA280];
	v1 =	vsub.f32 v1, v5  }
0x153: {  	s12 =	sor.u32 s25, s26;
	v3 =	vld [tilespmem:s17+$0xA300];
	v4 =	vsub.f32 v12, v6  }
0x154: {  	v10 =	vld [tilespmem:s12+$0xC000];
	v11 =	vsub.f32 v16, v12;
	v7 =	vmul.f32 v1, v0  }
0x155: {  	v14 =	vsub.f32 v9, v16;
	v1 =	vld [tilespmem:s12+$0xA380];
	v13 =	vmul.f32 v4, v0  }
0x156: {  	v17 =	vmul.f32 v11, v0;
	v11 =	vsub.f32 v8, v9;
	v4 =	vld [tilespmem:s12+$0xA080];
	v15 =	vadd.f32 v7, v5  }
0x157: {  	v20 =	vsub.f32 v2, v8;
	v19 =	vmul.f32 v14, v0;
	v7 =	vld [tilespmem:s12+$0xA000];
	v18 =	vadd.f32 v13, v6  }
0x158: {  	v14 =	vsub.f32 v3, v2;
	v6 =	vld [tilespmem:s12+$0xA100];
	v11 =	vmul.f32 v11, v0;
	v13 =	vsub.f32 v5, v3;
	[tilespmem:s17+$0xA380] =	vst v15  }
0x159: {  	v5 =	vld [tilespmem:s12+$0xA180];
	[tilespmem:s17+$0xA000] =	vst v18;
	v15 =	vadd.f32 v17, v12;
	v12 =	vadd.f32 v19, v16;
	v16 =	vmul.f32 v20, v0  }
.LBB2_13:
0x15a: {  	v10 =	vsub.f32 v10, v1  }
0x15b: {  	s10 =	sadd.s32 $0x10, s10;
	v17 =	vld [tilespmem:s12+$0xA200];
	s5 =	sadd.s32 $0x80, s5;
	v14 =	vmul.f32 v14, v0;
	v13 =	vmul.f32 v13, v0;
	v18 =	vmovc v2;
	v19 =	vmovc v3;
	v20 =	vmov v1  }
0x15c: {  	v9 =	vadd.f32 v11, v9;
	s9 =	sand.u32 $0x70, s10;
	s14 =	sand.u32 $0x1C00, s5;
	p1 =	slt.u32 s10, $0x3F0;
	v2 =	vld [tilespmem:s12+$0xA280];
	[tilespmem:s17+$0xA080] =	vst v15;
	v8 =	vadd.f32 v16, v8;
	v11 =	vmov v7  }
0x15d: {  	s9 =	sor.u32 s9, s14;
	v7 =	vsub.f32 v4, v11;
	v3 =	vld [tilespmem:s12+$0xA300];
	v15 =	vmul.f32 v10, v0;
	[tilespmem:s17+$0xA100] =	vst v12;
	v12 =	vadd.f32 v14, v18  }
0x15e: {  	v16 =	vadd.f32 v13, v19;
	v1 =	vld [tilespmem:s9+$0xA380];
	v14 =	vsub.f32 v6, v4;
	[tilespmem:s17+$0xA180] =	vst v9;
	v18 =	vmovc v4;
	v19 =	vmov v6  }
.Ltmp5:
0x15f: {  	v10 =	vld [tilespmem:s9+$0xC000];
	v6 =	vmul.f32 v7, v0;
	v13 =	vsub.f32 v5, v19;
	v15 =	vadd.f32 v15, v20;
	[tilespmem:s17+$0xA200] =	vst v8;
	(pc) =	sbr.rel @p1 .LBB2_13-.Ltmp5, $4  }
0x160: {  	v9 =	vmovc v5;
	v7 =	vld [tilespmem:s9+$0xA000];
	v21 =	vmul.f32 v14, v0;
	v14 =	vsub.f32 v17, v5;
	[tilespmem:s17+$0xA280] =	vst v12;
	v8 =	vmov v17  }
0x161: {  	v4 =	vld [tilespmem:s9+$0xA080];
	v12 =	vadd.f32 v6, v11;
	v17 =	vmul.f32 v13, v0;
	v22 =	vsub.f32 v2, v8;
	[tilespmem:s12+$0xA380] =	vst v15  }
0x162: {  	v6 =	vld [tilespmem:s9+$0xA100];
	v11 =	vmul.f32 v14, v0;
	v14 =	vsub.f32 v3, v2;
	v13 =	vsub.f32 v20, v3;
	[tilespmem:s17+$0xA300] =	vst v16;
	s17 =	smov.u32 s12;
	s12 =	smov.u32 s9  }
0x163: {  	v15 =	vadd.f32 v21, v18;
	v5 =	vld [tilespmem:s12+$0xA180];
	[tilespmem:s17+$0xA000] =	vst v12;
	v12 =	vadd.f32 v17, v19;
	v16 =	vmul.f32 v22, v0  }
0x164: {  	v17 =	vld [tilespmem:s12+$0xA200]  }
0x165: {  	v10 =	vsub.f32 v10, v1;
	v14 =	vmul.f32 v14, v0;
	v18 =	vld [tilespmem:s12+$0xA280];
	v9 =	vadd.f32 v11, v9;
	[tilespmem:s17+$0xA080] =	vst v15  }
0x166: {  	v8 =	vadd.f32 v16, v8;
	v15 =	vld [tilespmem:s12+$0xA300];
	[tilespmem:s17+$0xA100] =	vst v12;
	v12 =	vmul.f32 v13, v0;
	v11 =	vsub.f32 v4, v7  }
0x167: {  	v10 =	vmul.f32 v10, v0;
	v2 =	vadd.f32 v14, v2;
	[tilespmem:s17+$0xA180] =	vst v9;
	v13 =	vsub.f32 v6, v4  }
0x168: {  	[tilespmem:s17+$0xA200] =	vst v8;
	v3 =	vadd.f32 v12, v3;
	v9 =	vmul.f32 v11, v0;
	v11 =	vsub.f32 v5, v6  }
0x169: {  	v10 =	vadd.f32 v10, v1;
	[tilespmem:s17+$0xA280] =	vst v2;
	v8 =	vmul.f32 v13, v0;
	v12 =	vsub.f32 v17, v5  }
0x16a: {  	[tilespmem:s17+$0xA300] =	vst v3;
	v2 =	vadd.f32 v9, v7;
	v7 =	vmul.f32 v11, v0;
	v9 =	vsub.f32 v18, v17  }
0x16b: {  	[tilespmem:s12+$0xA380] =	vst v10;
	v11 =	vsub.f32 v15, v18;
	v10 =	vmul.f32 v12, v0;
	v3 =	vadd.f32 v8, v4  }
0x16c: {  	v1 =	vsub.f32 v1, v15;
	[tilespmem:s12+$0xA000] =	vst v2;
	v2 =	vadd.f32 v7, v6;
	v4 =	vmul.f32 v9, v0  }
0x16d: {  	v6 =	vmul.f32 v11, v0;
	[tilespmem:s12+$0xA080] =	vst v3;
	v3 =	vadd.f32 v10, v5  }
0x16e: {  	v1 =	vmul.f32 v1, v0;
	v4 =	vadd.f32 v4, v17;
	[tilespmem:s12+$0xA100] =	vst v2  }
0x16f: {  	v2 =	vadd.f32 v6, v18;
	[tilespmem:s12+$0xA180] =	vst v3  }
0x170: {  	v1 =	vadd.f32 v1, v15;
	[tilespmem:s12+$0xA200] =	vst v4  }
0x171: {  	[tilespmem:s12+$0xA280] =	vst v2  }
0x172: {  	s5 =	sadd.s32 s3, s24;
	[tilespmem:s12+$0xA300] =	vst v1  }
0x173: {  	[hbm4b:s5+s4] =	stream.linear.scatter [tilespmem:s30], [sflag:$0xE], $0x2000, $0x38;
	[tilespmem:$0x12080] =	vst v63  }
0x174: {  	s9 =	rddreg [dreg:$0xd]  }
0x175: {  	s5 =	simm.s32 @!p0 $0xB;
	s9 =	sadd.s32 @!p0 s21, s9  }
0x176: {  	_ =	swait.ge @!p0 [sflag:s5], $0x2000;
	s9 =	sshll.u32 @!p0 s9, $0xA  }
0x177: {  	[sflag:s5] =	ssyncset.done @!p0 $0x0;
	s9 =	sadd.s32 @!p0 s6, s9  }
0x178: {  	[sflag:s5] =	ssyncadd.s32 @!p0 $0xFFFFE000;
	s5 =	sshrl.u32 @!p0 s9, $0x3  }
0x179: {  	s10 =	simm.s32 @!p0 $0x4000;
	s9 =	simm.s32 @!p0 $0x0;
	s5 =	sadd.s32 @!p0 s1, s5  }
0x17a: {  	[tilespmem:s10], [sflag:$0x3] =	stream.linear.gather @!p0 [hbm4b:s5+s9], $0x2000, $0x38;
	[tilespmem:$0x12080] =	vst v63  }
0x17b: {  	s24 =	simm.s32 $0x0;
	s17 =	simm.s32 $0x0;
	_ =	swait.ge [sflag:s11], $0x2000  }
0x17c: {  	s9 =	sand.u32 $0x70, s24;
	s5 =	sand.u32 $0x1C00, s17;
	[sflag:s11] =	ssyncset.done $0x0  }
0x17d: {  	s17 =	sor.u32 s9, s5;
	[sflag:s11] =	ssyncadd.s32 $0xFFFFE000  }
0x17e: {  	v5 =	vld [tilespmem:s17+$0xC380]  }
0x17f: {  	v1 =	vld [tilespmem:s17+$0xE000]  }
0x180: {  	v6 =	vld [tilespmem:s17+$0xC000]  }
0x181: {  	v12 =	vld [tilespmem:s17+$0xC080]  }
0x182: {  	v16 =	vld [tilespmem:s17+$0xC100]  }
0x183: {  	v9 =	vld [tilespmem:s17+$0xC180]  }
0x184: {  	s10 =	simm.s32 $0x10;
	s5 =	simm.s32 $0x80;
	v8 =	vld [tilespmem:s17+$0xC200]  }
0x185: {  	s25 =	sand.u32 $0x70, s10;
	s26 =	sand.u32 $0x1C00, s5;
	v2 =	vld [tilespmem:s17+$0xC280];
	v1 =	vsub.f32 v1, v5  }
0x186: {  	s12 =	sor.u32 s25, s26;
	v3 =	vld [tilespmem:s17+$0xC300];
	v4 =	vsub.f32 v12, v6  }
0x187: {  	v10 =	vld [tilespmem:s12+$0xE000];
	v11 =	vsub.f32 v16, v12;
	v7 =	vmul.f32 v1, v0  }
0x188: {  	v14 =	vsub.f32 v9, v16;
	v1 =	vld [tilespmem:s12+$0xC380];
	v13 =	vmul.f32 v4, v0  }
0x189: {  	v17 =	vmul.f32 v11, v0;
	v11 =	vsub.f32 v8, v9;
	v4 =	vld [tilespmem:s12+$0xC080];
	v15 =	vadd.f32 v7, v5  }
0x18a: {  	v20 =	vsub.f32 v2, v8;
	v19 =	vmul.f32 v14, v0;
	v7 =	vld [tilespmem:s12+$0xC000];
	v18 =	vadd.f32 v13, v6  }
0x18b: {  	v14 =	vsub.f32 v3, v2;
	v6 =	vld [tilespmem:s12+$0xC100];
	v11 =	vmul.f32 v11, v0;
	v13 =	vsub.f32 v5, v3;
	[tilespmem:s17+$0xC380] =	vst v15  }
0x18c: {  	v5 =	vld [tilespmem:s12+$0xC180];
	[tilespmem:s17+$0xC000] =	vst v18;
	v15 =	vadd.f32 v17, v12;
	v12 =	vadd.f32 v19, v16;
	v16 =	vmul.f32 v20, v0  }
.LBB2_15:
0x18d: {  	v10 =	vsub.f32 v10, v1  }
0x18e: {  	s10 =	sadd.s32 $0x10, s10;
	v17 =	vld [tilespmem:s12+$0xC200];
	s5 =	sadd.s32 $0x80, s5;
	v14 =	vmul.f32 v14, v0;
	v13 =	vmul.f32 v13, v0;
	v18 =	vmovc v2;
	v19 =	vmovc v3;
	v20 =	vmov v1  }
0x18f: {  	v9 =	vadd.f32 v11, v9;
	s9 =	sand.u32 $0x70, s10;
	s14 =	sand.u32 $0x1C00, s5;
	p1 =	slt.u32 s10, $0x3F0;
	v2 =	vld [tilespmem:s12+$0xC280];
	[tilespmem:s17+$0xC080] =	vst v15;
	v8 =	vadd.f32 v16, v8;
	v11 =	vmov v7  }
0x190: {  	s9 =	sor.u32 s9, s14;
	v7 =	vsub.f32 v4, v11;
	v3 =	vld [tilespmem:s12+$0xC300];
	v15 =	vmul.f32 v10, v0;
	[tilespmem:s17+$0xC100] =	vst v12;
	v12 =	vadd.f32 v14, v18  }
0x191: {  	v16 =	vadd.f32 v13, v19;
	v1 =	vld [tilespmem:s9+$0xC380];
	v14 =	vsub.f32 v6, v4;
	[tilespmem:s17+$0xC180] =	vst v9;
	v18 =	vmovc v4;
	v19 =	vmov v6  }
.Ltmp6:
0x192: {  	v10 =	vld [tilespmem:s9+$0xE000];
	v6 =	vmul.f32 v7, v0;
	v13 =	vsub.f32 v5, v19;
	v15 =	vadd.f32 v15, v20;
	[tilespmem:s17+$0xC200] =	vst v8;
	(pc) =	sbr.rel @p1 .LBB2_15-.Ltmp6, $4  }
0x193: {  	v9 =	vmovc v5;
	v7 =	vld [tilespmem:s9+$0xC000];
	v21 =	vmul.f32 v14, v0;
	v14 =	vsub.f32 v17, v5;
	[tilespmem:s17+$0xC280] =	vst v12;
	v8 =	vmov v17  }
0x194: {  	v4 =	vld [tilespmem:s9+$0xC080];
	v12 =	vadd.f32 v6, v11;
	v17 =	vmul.f32 v13, v0;
	v22 =	vsub.f32 v2, v8;
	[tilespmem:s12+$0xC380] =	vst v15  }
0x195: {  	v6 =	vld [tilespmem:s9+$0xC100];
	v11 =	vmul.f32 v14, v0;
	v14 =	vsub.f32 v3, v2;
	v13 =	vsub.f32 v20, v3;
	[tilespmem:s17+$0xC300] =	vst v16;
	s17 =	smov.u32 s12;
	s12 =	smov.u32 s9  }
0x196: {  	v15 =	vadd.f32 v21, v18;
	v5 =	vld [tilespmem:s12+$0xC180];
	[tilespmem:s17+$0xC000] =	vst v12;
	v12 =	vadd.f32 v17, v19;
	v16 =	vmul.f32 v22, v0  }
0x197: {  	v17 =	vld [tilespmem:s12+$0xC200]  }
0x198: {  	v10 =	vsub.f32 v10, v1;
	v14 =	vmul.f32 v14, v0;
	v18 =	vld [tilespmem:s12+$0xC280];
	v9 =	vadd.f32 v11, v9;
	[tilespmem:s17+$0xC080] =	vst v15  }
0x199: {  	v51 =	vld [tilespmem:s12+$0xC300];
	v52 =	vmul.f32 v13, v0;
	v8 =	vadd.f32 v16, v8;
	[tilespmem:s17+$0xC100] =	vst v12;
	v50 =	vsub.f32 v4, v7  }
0x19a: {  	v10 =	vmul.f32 v10, v0;
	v2 =	vadd.f32 v14, v2;
	[tilespmem:s17+$0xC180] =	vst v9;
	v53 =	vsub.f32 v6, v4  }
0x19b: {  	v3 =	vadd.f32 v52, v3;
	[tilespmem:s17+$0xC200] =	vst v8;
	v54 =	vmul.f32 v50, v0;
	v55 =	vsub.f32 v5, v6  }
0x19c: {  	v10 =	vadd.f32 v10, v1;
	[tilespmem:s17+$0xC280] =	vst v2;
	v56 =	vmul.f32 v53, v0;
	v57 =	vsub.f32 v17, v5  }
0x19d: {  	[tilespmem:s17+$0xC300] =	vst v3;
	v59 =	vsub.f32 v18, v17;
	v2 =	vadd.f32 v54, v7;
	v58 =	vmul.f32 v55, v0  }
0x19e: {  	v1 =	vsub.f32 v1, v51;
	[tilespmem:s12+$0xC380] =	vst v10;
	v60 =	vmul.f32 v57, v0;
	v3 =	vadd.f32 v56, v4  }
0x19f: {  	v61 =	vsub.f32 v51, v18;
	v62 =	vmul.f32 v59, v0;
	[tilespmem:s12+$0xC000] =	vst v2;
	v2 =	vadd.f32 v58, v6  }
0x1a0: {  	v1 =	vmul.f32 v1, v0;
	[tilespmem:s12+$0xC080] =	vst v3;
	v3 =	vadd.f32 v60, v5  }
0x1a1: {  	v63 =	vmul.f32 v61, v0;
	v4 =	vadd.f32 v62, v17;
	[tilespmem:s12+$0xC100] =	vst v2  }
.Ltmp7:
0x1a2: {  	v1 =	vadd.f32 v1, v51;
	[tilespmem:s12+$0xC180] =	vst v3;
	(pc) =	sbr.rel @!p0 .LBB2_17-.Ltmp7, $4  }
0x1a3: {  	v2 =	vadd.f32 v63, v18;
	[tilespmem:s12+$0xC200] =	vst v4  }
0x1a4: {  	[tilespmem:s12+$0xC300] =	vst v1  }
0x1a5: {  	s5 =	sadd.s32 s3, s23;
	[tilespmem:s12+$0xC280] =	vst v2  }
0x1a6: {  	[hbm4b:s5+s4] =	stream.linear.scatter [tilespmem:s0], [sflag:$0xF], $0x2000, $0x38;
	[tilespmem:$0x12080] =	vst v63  }
0x1a7: {  	s5 =	simm.s32 $0x9  }
0x1a8: {  	_ =	swait.ge [sflag:s5], $0x2000  }
0x1a9: {  	[sflag:s5] =	ssyncset.done $0x0  }
0x1aa: {  	[sflag:s5] =	ssyncadd.s32 $0xFFFFE000  }
0x1ab: {  	v4 =	vld [tilespmem:s19+$0x30]  }
0x1ac: {  	v5 =	vld [tilespmem:s19+$0xFFFFFFD0]  }
0x1ad: {  	v6 =	vld [tilespmem:s19+$0xFFFFFFE0]  }
0x1ae: {  	v1 =	vld [tilespmem:s19+$0xFFFFFFF0]  }
0x1af: {  	s5 =	simm.s32 $0x40;
	v2 =	vld [tilespmem:s19+$0x0]  }
0x1b0: {  	v3 =	vld [tilespmem:s19+$0x10];
	[tilespmem:s5+$0x30] =	vst v4  }
0x1b1: {  	[tilespmem:s5+$0xFFFFFFD0] =	vst v5;
	v4 =	vld [tilespmem:s19+$0x20]  }
0x1b2: {  	s9 =	simm.s32 $0x0;
	s10 =	sadd.s32 $0x400, s19;
	v5 =	vld [tilespmem:s19+$0xFFFFFFC0];
	[tilespmem:s5+$0xFFFFFFE0] =	vst v6  }
.LBB2_19:
0x1b3: {  	v6 =	vld [tilespmem:s10+$0x30];
	s9 =	sadd.s32 $0x80, s9;
	[tilespmem:s5+$0xFFFFFFF0] =	vst v1  }
0x1b4: {  	v7 =	vld [tilespmem:s10+$0xFFFFFFD0];
	p0 =	slt.u32 s9, $0x380;
	[tilespmem:s5+$0x0] =	vst v2  }
0x1b5: {  	v8 =	vld [tilespmem:s10+$0xFFFFFFE0];
	[tilespmem:s5+$0x10] =	vst v3  }
.Ltmp8:
0x1b6: {  	v1 =	vld [tilespmem:s10+$0xFFFFFFF0];
	[tilespmem:s5+$0x20] =	vst v4;
	(pc) =	sbr.rel @p0 .LBB2_19-.Ltmp8, $4  }
0x1b7: {  	v2 =	vld [tilespmem:s10+$0x0];
	[tilespmem:s5+$0xFFFFFFC0] =	vst v5;
	s5 =	sadd.s32 $0x400, s5  }
0x1b8: {  	v3 =	vld [tilespmem:s10+$0x10];
	[tilespmem:s5+$0x30] =	vst v6  }
0x1b9: {  	[tilespmem:s5+$0xFFFFFFD0] =	vst v7;
	v4 =	vld [tilespmem:s10+$0x20]  }
0x1ba: {  	v5 =	vld [tilespmem:s10+$0xFFFFFFC0];
	[tilespmem:s5+$0xFFFFFFE0] =	vst v8;
	s10 =	sadd.s32 $0x400, s10  }
.Ltmp9:
0x1bb: {  	[tilespmem:s5+$0xFFFFFFF0] =	vst v1;
	(pc) =	sbr.rel .LBB2_21-.Ltmp9, $4  }
0x1bc: {  	[tilespmem:s5+$0x0] =	vst v2  }
0x1bd: {  	[tilespmem:s5+$0x10] =	vst v3  }
0x1be: {  	[tilespmem:s5+$0x20] =	vst v4  }
0x1bf: {  	[tilespmem:s5+$0xFFFFFFC0] =	vst v5  }
.LBB2_17:
0x1c0: {  	s5 =	rddreg [dreg:$0xe]  }
0x1c1: {  	s5 =	sadd.s32 s21, s5  }
0x1c2: {  	s9 =	simm.s32 $0xC;
	s5 =	sshll.u32 s5, $0xA  }
0x1c3: {  	_ =	swait.ge [sflag:s9], $0x2000;
	s5 =	sadd.s32 s6, s5  }
0x1c4: {  	s25 =	simm.s32 $0x6000;
	[sflag:s9] =	ssyncset.done $0x0;
	s5 =	sshrl.u32 s5, $0x3  }
0x1c5: {  	s26 =	simm.s32 $0x1;
	[sflag:s9] =	ssyncadd.s32 $0xFFFFE000;
	s5 =	sadd.s32 s1, s5  }
0x1c6: {  	[tilespmem:s25], [sflag:$0x4] =	stream.linear.gather [hbm4b:s5+s4], $0x2000, $0x38;
	[tilespmem:$0x12080] =	vst v63  }
0x1c7: {  	_ =	swait.ge [sflag:s26], $0x2000  }
0x1c8: {  	[sflag:s26] =	ssyncset.done $0x0  }
0x1c9: {  	[sflag:s26] =	ssyncadd.s32 $0xFFFFE000  }
.LBB2_21:
0x1ca: {  	s5 =	simm.s32 $0x0;
	s9 =	simm.s32 $0x0  }
0x1cb: {  	s9 =	sand.u32 $0x70, s9;
	s5 =	sand.u32 $0x1C00, s5  }
0x1cc: {  	s17 =	sor.u32 s9, s5  }
0x1cd: {  	v5 =	vld [tilespmem:s17+$0xE380]  }
0x1ce: {  	v1 =	vld [tilespmem:s17+$0x0]  }
0x1cf: {  	v6 =	vld [tilespmem:s17+$0xE000]  }
0x1d0: {  	v12 =	vld [tilespmem:s17+$0xE080]  }
0x1d1: {  	v16 =	vld [tilespmem:s17+$0xE100]  }
0x1d2: {  	v9 =	vld [tilespmem:s17+$0xE180]  }
0x1d3: {  	s10 =	simm.s32 $0x10;
	s5 =	simm.s32 $0x80;
	v8 =	vld [tilespmem:s17+$0xE200]  }
0x1d4: {  	s26 =	sand.u32 $0x70, s10;
	s12 =	sand.u32 $0x1C00, s5;
	v2 =	vld [tilespmem:s17+$0xE280];
	v1 =	vsub.f32 v1, v5  }
0x1d5: {  	v3 =	vld [tilespmem:s17+$0xE300];
	s12 =	sor.u32 s26, s12;
	v4 =	vsub.f32 v12, v6  }
0x1d6: {  	v10 =	vld [tilespmem:s12+$0x0];
	v11 =	vsub.f32 v16, v12;
	v7 =	vmul.f32 v1, v0  }
0x1d7: {  	v14 =	vsub.f32 v9, v16;
	v1 =	vld [tilespmem:s12+$0xE380];
	v13 =	vmul.f32 v4, v0  }
0x1d8: {  	v17 =	vmul.f32 v11, v0;
	v11 =	vsub.f32 v8, v9;
	v4 =	vld [tilespmem:s12+$0xE080];
	v15 =	vadd.f32 v7, v5  }
0x1d9: {  	v20 =	vsub.f32 v2, v8;
	v19 =	vmul.f32 v14, v0;
	v7 =	vld [tilespmem:s12+$0xE000];
	v18 =	vadd.f32 v13, v6  }
0x1da: {  	v14 =	vsub.f32 v3, v2;
	v6 =	vld [tilespmem:s12+$0xE100];
	v11 =	vmul.f32 v11, v0;
	v13 =	vsub.f32 v5, v3;
	[tilespmem:s17+$0xE380] =	vst v15  }
0x1db: {  	v5 =	vld [tilespmem:s12+$0xE180];
	[tilespmem:s17+$0xE000] =	vst v18;
	v15 =	vadd.f32 v17, v12;
	v12 =	vadd.f32 v19, v16;
	v16 =	vmul.f32 v20, v0  }
.LBB2_22:
0x1dc: {  	v10 =	vsub.f32 v10, v1  }
0x1dd: {  	s10 =	sadd.s32 $0x10, s10;
	v17 =	vld [tilespmem:s12+$0xE200];
	s5 =	sadd.s32 $0x80, s5;
	v14 =	vmul.f32 v14, v0;
	v13 =	vmul.f32 v13, v0;
	v18 =	vmovc v2;
	v19 =	vmovc v3;
	v20 =	vmov v1  }
0x1de: {  	v9 =	vadd.f32 v11, v9;
	s9 =	sand.u32 $0x70, s10;
	s14 =	sand.u32 $0x1C00, s5;
	p0 =	slt.u32 s10, $0x3F0;
	v2 =	vld [tilespmem:s12+$0xE280];
	[tilespmem:s17+$0xE080] =	vst v15;
	v8 =	vadd.f32 v16, v8;
	v11 =	vmov v7  }
0x1df: {  	s9 =	sor.u32 s9, s14;
	v7 =	vsub.f32 v4, v11;
	v3 =	vld [tilespmem:s12+$0xE300];
	v15 =	vmul.f32 v10, v0;
	[tilespmem:s17+$0xE100] =	vst v12;
	v12 =	vadd.f32 v14, v18  }
0x1e0: {  	v16 =	vadd.f32 v13, v19;
	v1 =	vld [tilespmem:s9+$0xE380];
	v14 =	vsub.f32 v6, v4;
	[tilespmem:s17+$0xE180] =	vst v9;
	v18 =	vmovc v4;
	v19 =	vmov v6  }
.Ltmp10:
0x1e1: {  	v10 =	vld [tilespmem:s9+$0x0];
	v6 =	vmul.f32 v7, v0;
	v13 =	vsub.f32 v5, v19;
	v15 =	vadd.f32 v15, v20;
	[tilespmem:s17+$0xE200] =	vst v8;
	(pc) =	sbr.rel @p0 .LBB2_22-.Ltmp10, $4  }
0x1e2: {  	v9 =	vmovc v5;
	v7 =	vld [tilespmem:s9+$0xE000];
	v21 =	vmul.f32 v14, v0;
	v14 =	vsub.f32 v17, v5;
	[tilespmem:s17+$0xE280] =	vst v12;
	v8 =	vmov v17  }
0x1e3: {  	v4 =	vld [tilespmem:s9+$0xE080];
	v12 =	vadd.f32 v6, v11;
	v17 =	vmul.f32 v13, v0;
	v22 =	vsub.f32 v2, v8;
	[tilespmem:s12+$0xE380] =	vst v15  }
0x1e4: {  	v6 =	vld [tilespmem:s9+$0xE100];
	v11 =	vmul.f32 v14, v0;
	v14 =	vsub.f32 v3, v2;
	v13 =	vsub.f32 v20, v3;
	[tilespmem:s17+$0xE300] =	vst v16;
	s17 =	smov.u32 s12;
	s12 =	smov.u32 s9  }
0x1e5: {  	v15 =	vadd.f32 v21, v18;
	v5 =	vld [tilespmem:s12+$0xE180];
	[tilespmem:s17+$0xE000] =	vst v12;
	v12 =	vadd.f32 v17, v19;
	v16 =	vmul.f32 v22, v0  }
0x1e6: {  	v17 =	vld [tilespmem:s12+$0xE200]  }
0x1e7: {  	v10 =	vsub.f32 v10, v1;
	v14 =	vmul.f32 v14, v0;
	v18 =	vld [tilespmem:s12+$0xE280];
	v9 =	vadd.f32 v11, v9;
	[tilespmem:s17+$0xE080] =	vst v15  }
0x1e8: {  	v51 =	vld [tilespmem:s12+$0xE300];
	v52 =	vmul.f32 v13, v0;
	v8 =	vadd.f32 v16, v8;
	[tilespmem:s17+$0xE100] =	vst v12;
	v50 =	vsub.f32 v4, v7  }
0x1e9: {  	v10 =	vmul.f32 v10, v0;
	v2 =	vadd.f32 v14, v2;
	[tilespmem:s17+$0xE180] =	vst v9;
	v53 =	vsub.f32 v6, v4  }
0x1ea: {  	v3 =	vadd.f32 v52, v3;
	[tilespmem:s17+$0xE200] =	vst v8;
	v54 =	vmul.f32 v50, v0;
	v55 =	vsub.f32 v5, v6  }
0x1eb: {  	v10 =	vadd.f32 v10, v1;
	[tilespmem:s17+$0xE280] =	vst v2;
	v56 =	vmul.f32 v53, v0;
	v57 =	vsub.f32 v17, v5  }
0x1ec: {  	[tilespmem:s17+$0xE300] =	vst v3;
	v59 =	vsub.f32 v18, v17;
	v2 =	vadd.f32 v54, v7;
	v58 =	vmul.f32 v55, v0  }
0x1ed: {  	v1 =	vsub.f32 v1, v51;
	[tilespmem:s12+$0xE380] =	vst v10;
	v60 =	vmul.f32 v57, v0;
	v3 =	vadd.f32 v56, v4  }
0x1ee: {  	v61 =	vsub.f32 v51, v18;
	v62 =	vmul.f32 v59, v0;
	[tilespmem:s12+$0xE000] =	vst v2;
	v2 =	vadd.f32 v58, v6  }
0x1ef: {  	s18 =	sadd.s32 $0x1, s18;
	v1 =	vmul.f32 v1, v0;
	[tilespmem:s12+$0xE080] =	vst v3;
	v3 =	vadd.f32 v60, v5  }
0x1f0: {  	p0 =	sne.s32 s18, $0x10;
	v63 =	vmul.f32 v61, v0;
	v4 =	vadd.f32 v62, v17;
	[tilespmem:s12+$0xE100] =	vst v2  }
.Ltmp11:
0x1f1: {  	v1 =	vadd.f32 v1, v51;
	[tilespmem:s12+$0xE180] =	vst v3;
	(pc) =	sbr.rel @p0 .LBB2_2-.Ltmp11, $4  }
0x1f2: {  	v2 =	vadd.f32 v63, v18;
	[tilespmem:s12+$0xE200] =	vst v4  }
0x1f3: {  	[tilespmem:s12+$0xE300] =	vst v1  }
0x1f4: {  	s5 =	sadd.s32 s3, s13;
	[tilespmem:s12+$0xE280] =	vst v2  }
0x1f5: {  	[hbm4b:s5+s4] =	stream.linear.scatter [tilespmem:s20], [sflag:$0x10], $0x2000, $0x38;
	[tilespmem:$0x12080] =	vst v63  }
0x1f6: {  	s5 =	simm.s32 $0xA  }
0x1f7: {  	_ =	swait.ge [sflag:s5], $0x2000  }
0x1f8: {  	[sflag:s5] =	ssyncset.done $0x0  }
0x1f9: {  	s18 =	simm.s32 $0xB;
	[sflag:s5] =	ssyncadd.s32 $0xFFFFE000  }
0x1fa: {  	_ =	swait.ge [sflag:s18], $0x2000  }
0x1fb: {  	[sflag:s18] =	ssyncset.done $0x0  }
0x1fc: {  	s21 =	simm.s32 $0xC;
	[sflag:s18] =	ssyncadd.s32 $0xFFFFE000  }
0x1fd: {  	_ =	swait.ge [sflag:s21], $0x2000  }
0x1fe: {  	[sflag:s21] =	ssyncset.done $0x0  }
0x1ff: {  	s23 =	simm.s32 $0xD;
	[sflag:s21] =	ssyncadd.s32 $0xFFFFE000  }
0x200: {  	_ =	swait.ge [sflag:s23], $0x2000  }
0x201: {  	[sflag:s23] =	ssyncset.done $0x0  }
0x202: {  	s24 =	simm.s32 $0xE;
	[sflag:s23] =	ssyncadd.s32 $0xFFFFE000  }
0x203: {  	_ =	swait.ge [sflag:s24], $0x2000  }
0x204: {  	[sflag:s24] =	ssyncset.done $0x0  }
0x205: {  	s25 =	simm.s32 $0xF;
	[sflag:s24] =	ssyncadd.s32 $0xFFFFE000  }
0x206: {  	_ =	swait.ge [sflag:s25], $0x2000  }
0x207: {  	[sflag:s25] =	ssyncset.done $0x0  }
0x208: {  	s9 =	simm.s32 $0x10;
	[sflag:s25] =	ssyncadd.s32 $0xFFFFE000  }
0x209: {  	_ =	swait.ge [sflag:s9], $0x2000  }
0x20a: {  	s10 =	rddreg [dreg:$0x10]  }
0x20b: {  	s26 =	rddreg [dreg:$0xf];
	s10 =	sadd.s32 $0x1, s10  }
0x20c: {  	p0 =	sne.s32 s10, s26  }
.Ltmp12:
0x20d: {  	_ = 	snop;
	(pc) =	sbr.rel @p0 .LBB2_1-.Ltmp12, $3  }
0x20e: {  	_ =	sdelay $0x1  }
0x20f: {  	[sflag:s9] =	ssyncset.done $0x0  }
0x210: {  	[sflag:s9] =	ssyncadd.s32 $0xFFFFE000  }
0x211: {  	_ =	sfence.sel $0x180000  }
0x212: {  	[bflag:$0x0] =	sbarrier.arrive $0xFFFF  }
0x213: {  	_ =	strace $0x90000047  }
0x214: {  	s0 =	stileid.u32;
	[bflag:$0x2] =	sbarrier.arrive $0xFFFF  }
0x215: {  	p0 =	sne.s32 s0, $0x0;
	s0 =	rddreg [dreg:$0x3]  }
0x216: {  	s0 =	sadd.s32 @!p0 $0x100000, s0  }
0x217: {  	[sflag:s0] =	ssyncadd.tile.s32 @!p0 $0x1;
	_ =	shalt  }
.Lfunc_end2:
_tile_overlayer_lowered:
.L_overlay_start_2:
0x218: {  	(tag) =	ssettag $0x2  }
0x219: {  	s0 =	rddreg [dreg:$0x0];
	s2 =	stileid.u32  }
0x21a: {  	s1 =	rddreg [dreg:$0x1];
	p0 =	sne.s32 s2, $0x0  }
0x21b: {  	s3 =	rddreg [dreg:$0x2];
	[bflag:$0x3] =	sbarrier.arrive $0xFFFF;
	s2 =	simm.s32 @!p0 $0x1C11  }
0x21c: {  	[timem:s3], [sflag:s2] =	dma.local @!p0 [hbm:s0], s1  }
0x21d: {  	s0 =	simm.s32 @!p0 $0x11  }
0x21e: {  	_ =	swait.ge @!p0 [sflag:s0], s1  }
0x21f: {  	s1 =	ssub.s32 @!p0 $0x0, s1;
	[sflag:s0] =	ssyncset.done @!p0 $0x0  }
0x220: {  	[sflag:s0] =	ssyncadd.s32 @!p0 s1  }
0x221: {  	[bflag:$0x3] =	sbarrier.arrive $0xFFFF  }
0x222: {  	_ =	shalt  }

</sc_bundles>
